<compile_context>
chip_gen: v7x
topology: tpu7x:2x2x1
jax: 0.10.2.dev20260603
libtpu: 0.0.44.dev20260713+nightly
codegen_flags: <defaults>
</compile_context>

<pallas_src>
import jax
import jax.numpy as jnp
from jax import lax
from jax.experimental import pallas as pl
from jax.experimental.pallas import tpu as pltpu
from jax.experimental.pallas import tpu_sc as plsc

B = 16384
KTF = 1024
D = 128
NTAGS = 100000
NIDX = B * 20
NSUF = NIDX - B
BIG_COUNT = NIDX - (B - 1)

NC = 2
NS = 16
NW = NC * NS
BPW = B // NW
SUF_CH = NSUF // NW // 128
CPAD = 100352
CSLICE = CPAD // NS



def _sc_body(dev_table, tags_table, dev_idx3, tfirst3, tsuf3,
             dev_out, tags_out, counts_out,
             gidx_v, hidx_v, rows_v, ones_v, zbuf_v, counts_sh,
             gsem, hsem):
  c = lax.axis_index("c")
  s = lax.axis_index("s")
  wid = c * NS + s

  for j in range(8):
    ones_v[pl.ds(j * 16, 16)] = jnp.full((16,), 1.0, jnp.float32)

  def _zero(i, _):
    zbuf_v[pl.ds(i * 16, 16)] = jnp.zeros((16,), jnp.float32)
    return 0
  lax.fori_loop(0, CSLICE // 16, _zero, 0)

  pltpu.sync_copy(zbuf_v, counts_sh.at[pl.ds(s * CSLICE, CSLICE)])
  plsc.subcore_barrier()

  pltpu.sync_copy(tsuf3.at[wid], hidx_v)
  for r in range(0, SUF_CH, 19):
    descs = []
    for j in range(r, min(r + 19, SUF_CH)):
      descs.append(
          pltpu.async_copy(ones_v, counts_sh.at[hidx_v.at[j]], hsem,
                           add=True))
    for d in descs:
      d.wait()

  pltpu.sync_copy(dev_idx3.at[wid], gidx_v)
  descs = [
      pltpu.async_copy(dev_table.at[gidx_v.at[j]],
                       rows_v.at[pl.ds(j * 128, 128)], gsem)
      for j in range(4)
  ]
  for d in descs:
    d.wait()
  pltpu.sync_copy(rows_v, dev_out.at[pl.ds(wid * BPW, BPW)])

  pltpu.sync_copy(tfirst3.at[wid], gidx_v)
  descs = [
      pltpu.async_copy(tags_table.at[gidx_v.at[j]],
                       rows_v.at[pl.ds(j * 128, 128)], gsem)
      for j in range(4)
  ]
  for d in descs:
    d.wait()
  pltpu.sync_copy(rows_v, tags_out.at[pl.ds(wid * BPW, BPW)])

  plsc.subcore_barrier()
  pltpu.sync_copy(counts_sh.at[pl.ds(s * CSLICE, CSLICE)],
                  counts_out.at[c, s])


def _sc_gather_hist(dev_table, tags_table, dev_idx3, tfirst3, tsuf3):
  kern = pl.kernel(
      _sc_body,
      out_type=[
          jax.ShapeDtypeStruct((B, D), jnp.float32),
          jax.ShapeDtypeStruct((B, D), jnp.float32),
          jax.ShapeDtypeStruct((NC, NS, CSLICE), jnp.float32),
      ],
      mesh=plsc.VectorSubcoreMesh(core_axis_name="c", subcore_axis_name="s"),
      scratch_types=[
          pltpu.VMEM((4, 128), jnp.int32),
          pltpu.VMEM((SUF_CH, 128), jnp.int32),
          pltpu.VMEM((BPW, D), jnp.float32),
          pltpu.VMEM((128,), jnp.float32),
          pltpu.VMEM((CSLICE,), jnp.float32),
          pltpu.VMEM_SHARED((CPAD,), jnp.float32),
          pltpu.SemaphoreType.DMA,
          pltpu.SemaphoreType.DMA,
      ],
  )
  return kern(dev_table, tags_table, dev_idx3, tfirst3, tsuf3)



RA = 1024
A_STEPS = B // RA


def _ta_body(tfidf_ref, W1_ref, b1_ref, out_ref):
  t = jnp.dot(tfidf_ref[...], W1_ref[...], preferred_element_type=jnp.float32)
  out_ref[...] = jnp.maximum(t + b1_ref[...], 0.0)


def _tfidf_net(tfidf, W1, b1):
  return pl.pallas_call(
      _ta_body,
      grid=(A_STEPS,),
      in_specs=[
          pl.BlockSpec((RA, KTF), lambda i: (i, 0)),
          pl.BlockSpec((KTF, D), lambda i: (0, 0)),
          pl.BlockSpec((1, D), lambda i: (0, 0)),
      ],
      out_specs=pl.BlockSpec((RA, D), lambda i: (i, 0)),
      out_shape=jax.ShapeDtypeStruct((B, D), jnp.float32),
  )(tfidf, W1, b1)



MV_ROWS = 10000
MV_STEPS = NTAGS // MV_ROWS
RB = 4096
B_STEPS = B // RB
TOTAL_STEPS = MV_STEPS + B_STEPS


def _comb_body(counts_ref, table_ref, lastrow_ref,
               temb_ref, meta_ref, dev_ref, tags_ref,
               Wm_ref, bm_ref, Wf_ref, bf_ref, out_ref,
               acc, tlast):
  i = pl.program_id(0)

  @pl.when(i == 0)
  def _():
    acc[...] = jnp.zeros_like(acc)

  @pl.when(i < MV_STEPS)
  def _():
    csum = counts_ref[0, 0:1, :] + counts_ref[0, 1:2, :]
    acc[...] += jnp.dot(csum, table_ref[...],
                        preferred_element_type=jnp.float32)

  @pl.when(i == MV_STEPS - 1)
  def _():
    tlast[...] = (acc[...] + lastrow_ref[7:8, :]) * (1.0 / BIG_COUNT)

  @pl.when(i >= MV_STEPS)
  def _():
    m = jnp.dot(meta_ref[...], Wm_ref[...],
                preferred_element_type=jnp.float32)
    m = jnp.maximum(m + bm_ref[...], 0.0)

    tg = tags_ref[...]
    rowid = lax.broadcasted_iota(jnp.int32, (RB, 1), 0)
    is_last = (rowid == RB - 1) & (i == TOTAL_STEPS - 1)
    tg = jnp.where(is_last, tlast[...], tg)

    out = jnp.dot(temb_ref[...], Wf_ref[0:D, :],
                  preferred_element_type=jnp.float32)
    out += jnp.dot(dev_ref[...], Wf_ref[D:2 * D, :],
                   preferred_element_type=jnp.float32)
    out += jnp.dot(m, Wf_ref[2 * D:3 * D, :],
                   preferred_element_type=jnp.float32)
    out += jnp.dot(tg, Wf_ref[3 * D:4 * D, :],
                   preferred_element_type=jnp.float32)
    out_ref[...] = jnp.maximum(out + bf_ref[...], 0.0)


def _combine(counts3, tags_table, temb, metadata, dev_emb, tags_rows,
             Wm, bm, Wf, bf):
  def mv_idx(i):
    return (jnp.minimum(i, MV_STEPS - 1), 0, 0)

  def mv_idx2(i):
    return (jnp.minimum(i, MV_STEPS - 1), 0)

  def cb_idx(i):
    return (jnp.maximum(i - MV_STEPS, 0), 0)

  return pl.pallas_call(
      _comb_body,
      grid=(TOTAL_STEPS,),
      in_specs=[
          pl.BlockSpec((1, NC, MV_ROWS), mv_idx),
          pl.BlockSpec((MV_ROWS, D), mv_idx2),
          pl.BlockSpec((8, D), lambda i: (B // 8 - 1, 0)),
          pl.BlockSpec((RB, D), cb_idx),
          pl.BlockSpec((RB, 2), cb_idx),
          pl.BlockSpec((RB, D), cb_idx),
          pl.BlockSpec((RB, D), cb_idx),
          pl.BlockSpec((2, D), lambda i: (0, 0)),
          pl.BlockSpec((1, D), lambda i: (0, 0)),
          pl.BlockSpec((4 * D, D), lambda i: (0, 0)),
          pl.BlockSpec((1, D), lambda i: (0, 0)),
      ],
      out_specs=pl.BlockSpec((RB, D), cb_idx),
      out_shape=jax.ShapeDtypeStruct((B, D), jnp.float32),
      scratch_shapes=[
          pltpu.VMEM((1, D), jnp.float32),
          pltpu.VMEM((1, D), jnp.float32),
      ],
  )(counts3, tags_table, tags_rows, temb, metadata, dev_emb, tags_rows,
    Wm, bm, Wf, bf)



@jax.jit
def kernel(tfidf, developer, metadata, tags_indices, tags_offsets,
           W1, b1, dev_table, Wm, bm, tags_table, Wf, bf):
  del tags_offsets
  developer = developer.astype(jnp.int32)
  tags_indices = tags_indices.astype(jnp.int32)

  dev_idx3 = developer.reshape(NW, 4, 128)
  tfirst3 = tags_indices[:B].reshape(NW, 4, 128)
  tsuf3 = tags_indices[B:].reshape(NW, SUF_CH, 128)

  dev_emb, tags_rows, counts = _sc_gather_hist(
      dev_table, tags_table, dev_idx3, tfirst3, tsuf3)

  temb = _tfidf_net(tfidf, W1, b1.reshape(1, D))

  counts3 = (counts.reshape(NC, CPAD)[:, :NTAGS]
             .reshape(NC, MV_STEPS, MV_ROWS).transpose(1, 0, 2))

  return _combine(counts3, tags_table, temb, metadata, dev_emb, tags_rows,
                  Wm, bm.reshape(1, D), Wf, bf.reshape(1, D))

# --- scband reference (transcript-rebuilt; emitter-appended) ---
"""Pipeline reference for scband-game-embedding-model-79405355368557 (READ-ONLY COPY).

The authoritative reference and input builder live on the scoring server;
editing this copy changes nothing except your own understanding.
"""

import jax, jax.numpy as jnp
import numpy as np

B = 16384
TFIDF = 1024
NDEV = 100000
NTAGS = 100000
D = 128
META = 2
HIST = 20


def setup_inputs(seed: int = 0) -> dict:
    key = jax.random.key(seed)
    ks = jax.random.split(key, 12)
    tfidf = jax.random.normal(ks[0], (B, TFIDF), dtype=jnp.float32)
    developer = jax.random.randint(ks[1], (B,), 0, NDEV, dtype=jnp.int64 if jax.config.jax_enable_x64 else jnp.int32)
    metadata = jax.random.normal(ks[2], (B, META), dtype=jnp.float32)
    tags_indices = jax.random.randint(ks[3], (B * HIST,), 0, NTAGS, dtype=jnp.int64 if jax.config.jax_enable_x64 else jnp.int32)
    tags_offsets = jnp.arange(B, dtype=jnp.int32)
    W1 = jax.random.normal(ks[4], (TFIDF, D), dtype=jnp.float32) * 0.02
    b1 = jnp.zeros((D,), dtype=jnp.float32)
    dev_table = jax.random.normal(ks[5], (NDEV, D), dtype=jnp.float32) * 0.02
    Wm = jax.random.normal(ks[6], (META, D), dtype=jnp.float32) * 0.02
    bm = jnp.zeros((D,), dtype=jnp.float32)
    tags_table = jax.random.normal(ks[7], (NTAGS, D), dtype=jnp.float32) * 0.02
    Wf = jax.random.normal(ks[8], (4 * D, D), dtype=jnp.float32) * 0.02
    bf = jnp.zeros((D,), dtype=jnp.float32)
    return {"tfidf": tfidf, "developer": developer, "metadata": metadata,
            "tags_indices": tags_indices, "tags_offsets": tags_offsets,
            "W1": W1, "b1": b1, "dev_table": dev_table, "Wm": Wm, "bm": bm,
            "tags_table": tags_table, "Wf": Wf, "bf": bf}


def reference(tfidf, developer, metadata, tags_indices, tags_offsets,
              W1, b1, dev_table, Wm, bm, tags_table, Wf, bf):
    batch = tfidf.shape[0]
    # tfidf_net: Linear + ReLU
    tfidf_emb = jax.nn.relu(tfidf @ W1 + b1)
    # developer embedding lookup (gather)
    dev_emb = jnp.take(dev_table, developer, axis=0)
    # metadata_net: Linear + ReLU
    meta_emb = jax.nn.relu(metadata @ Wm + bm)
    # EmbeddingBag(mode='mean') with offsets: bag i = indices[offsets[i]:offsets[i+1]]
    n = tags_indices.shape[0]
    seg = jnp.searchsorted(tags_offsets, jnp.arange(n), side="right") - 1
    gathered = jnp.take(tags_table, tags_indices, axis=0)
    sums = jax.ops.segment_sum(gathered, seg, num_segments=batch)
    counts = jax.ops.segment_sum(jnp.ones((n,), dtype=jnp.float32), seg, num_segments=batch)
    tags_emb = sums / jnp.maximum(counts, 1.0)[:, None]
    combined = jnp.concatenate([tfidf_emb, dev_emb, meta_emb, tags_emb], axis=1)
    game_embedding = jax.nn.relu(combined @ Wf + bf)
    return game_embedding

if __name__ == "__main__":
    import jax
    _d = setup_inputs()
    print(jax.jit(kernel)(*tuple(_d.values())))

</pallas_src>

<mosaic_0001>
#map = affine_map<(d0, d1) -> (0, 0)>
#map1 = affine_map<(d0, d1) -> (0, 0, 0)>
module attributes {stable_mosaic.version = 14 : i64} {
  func.func @_sc_body(%arg0: i32, %arg1: i32, %arg2: memref<100000x128xf32, #tpu.memory_space<hbm>>, %arg3: memref<100000x128xf32, #tpu.memory_space<hbm>>, %arg4: memref<32x4x128xi32, #tpu.memory_space<hbm>>, %arg5: memref<32x4x128xi32, #tpu.memory_space<hbm>>, %arg6: memref<32x76x128xi32, #tpu.memory_space<hbm>>, %arg7: memref<16384x128xf32, #tpu.memory_space<hbm>>, %arg8: memref<16384x128xf32, #tpu.memory_space<hbm>>, %arg9: memref<2x16x6272xf32, #tpu.memory_space<hbm>>, %arg10: memref<4x128xi32, #tpu.memory_space<vmem>>, %arg11: memref<76x128xi32, #tpu.memory_space<vmem>>, %arg12: memref<512x128xf32, #tpu.memory_space<vmem>>, %arg13: memref<128xf32, #tpu.memory_space<vmem>>, %arg14: memref<6272xf32, #tpu.memory_space<vmem>>, %arg15: memref<100352xf32, #tpu.memory_space<vmem_shared>>, %arg16: memref<!tpu.dma_semaphore, #tpu.memory_space<semaphore_mem>>, %arg17: memref<!tpu.dma_semaphore, #tpu.memory_space<semaphore_mem>>) attributes {dimension_semantics = [#tpu.dimension_semantics<core_parallel>, #tpu.dimension_semantics<subcore_parallel>], iteration_bounds = array<i64: 2, 16>, scalar_prefetch = 0 : i64, scratch_operands = 8 : i64, tpu.core_type = #tpu.core_type<sc_vector_subcore>, window_params = [{transform_indices = #map}, {transform_indices = #map}, {transform_indices = #map1}, {transform_indices = #map1}, {transform_indices = #map1}, {transform_indices = #map}, {transform_indices = #map}, {transform_indices = #map1}]} {
    %mul3A = arith.constant 16 : i32
    %mul3A_0 = arith.muli %arg0, %mul3A : i32
    %add3A = arith.addi %mul3A_0, %arg1 : i32
    %broadcast_in_dim3A = arith.constant 1.000000e+00 : f32
    %broadcast_in_dim3A_1 = vector.broadcast %broadcast_in_dim3A : f32 to vector<16xf32>
    %swap3A = arith.constant 0 : index
    %swap3A_2 = tpu.vector_load %arg13[%swap3A] {strides = array<i32>} : memref<128xf32, #tpu.memory_space<vmem>>, vector<16xf32>,
    %swap3A_3 = vector.shape_cast %swap3A_2 : vector<16xf32> to vector<16xf32>
    %swap3A_4 = vector.shape_cast %broadcast_in_dim3A_1 : vector<16xf32> to vector<16xf32>
    tpu.vector_store %arg13[%swap3A], %swap3A_4 {strides = array<i32>} : memref<128xf32, #tpu.memory_space<vmem>>, vector<16xf32>,
    %broadcast_in_dim3A_5 = arith.constant 1.000000e+00 : f32
    %broadcast_in_dim3A_6 = vector.broadcast %broadcast_in_dim3A_5 : f32 to vector<16xf32>
    %swap3A_7 = arith.constant 16 : index
    %swap3A_8 = tpu.vector_load %arg13[%swap3A_7] {strides = array<i32>} : memref<128xf32, #tpu.memory_space<vmem>>, vector<16xf32>,
    %swap3A_9 = vector.shape_cast %swap3A_8 : vector<16xf32> to vector<16xf32>
    %swap3A_10 = vector.shape_cast %broadcast_in_dim3A_6 : vector<16xf32> to vector<16xf32>
    tpu.vector_store %arg13[%swap3A_7], %swap3A_10 {strides = array<i32>} : memref<128xf32, #tpu.memory_space<vmem>>, vector<16xf32>,
    %broadcast_in_dim3A_11 = arith.constant 1.000000e+00 : f32
    %broadcast_in_dim3A_12 = vector.broadcast %broadcast_in_dim3A_11 : f32 to vector<16xf32>
    %swap3A_13 = arith.constant 32 : index
    %swap3A_14 = tpu.vector_load %arg13[%swap3A_13] {strides = array<i32>} : memref<128xf32, #tpu.memory_space<vmem>>, vector<16xf32>,
    %swap3A_15 = vector.shape_cast %swap3A_14 : vector<16xf32> to vector<16xf32>
    %swap3A_16 = vector.shape_cast %broadcast_in_dim3A_12 : vector<16xf32> to vector<16xf32>
    tpu.vector_store %arg13[%swap3A_13], %swap3A_16 {strides = array<i32>} : memref<128xf32, #tpu.memory_space<vmem>>, vector<16xf32>,
    %broadcast_in_dim3A_17 = arith.constant 1.000000e+00 : f32
    %broadcast_in_dim3A_18 = vector.broadcast %broadcast_in_dim3A_17 : f32 to vector<16xf32>
    %swap3A_19 = arith.constant 48 : index
    %swap3A_20 = tpu.vector_load %arg13[%swap3A_19] {strides = array<i32>} : memref<128xf32, #tpu.memory_space<vmem>>, vector<16xf32>,
    %swap3A_21 = vector.shape_cast %swap3A_20 : vector<16xf32> to vector<16xf32>
    %swap3A_22 = vector.shape_cast %broadcast_in_dim3A_18 : vector<16xf32> to vector<16xf32>
    tpu.vector_store %arg13[%swap3A_19], %swap3A_22 {strides = array<i32>} : memref<128xf32, #tpu.memory_space<vmem>>, vector<16xf32>,
    %broadcast_in_dim3A_23 = arith.constant 1.000000e+00 : f32
    %broadcast_in_dim3A_24 = vector.broadcast %broadcast_in_dim3A_23 : f32 to vector<16xf32>
    %swap3A_25 = arith.constant 64 : index
    %swap3A_26 = tpu.vector_load %arg13[%swap3A_25] {strides = array<i32>} : memref<128xf32, #tpu.memory_space<vmem>>, vector<16xf32>,
    %swap3A_27 = vector.shape_cast %swap3A_26 : vector<16xf32> to vector<16xf32>
    %swap3A_28 = vector.shape_cast %broadcast_in_dim3A_24 : vector<16xf32> to vector<16xf32>
    tpu.vector_store %arg13[%swap3A_25], %swap3A_28 {strides = array<i32>} : memref<128xf32, #tpu.memory_space<vmem>>, vector<16xf32>,
    %broadcast_in_dim3A_29 = arith.constant 1.000000e+00 : f32
    %broadcast_in_dim3A_30 = vector.broadcast %broadcast_in_dim3A_29 : f32 to vector<16xf32>
    %swap3A_31 = arith.constant 80 : index
    %swap3A_32 = tpu.vector_load %arg13[%swap3A_31] {strides = array<i32>} : memref<128xf32, #tpu.memory_space<vmem>>, vector<16xf32>,
    %swap3A_33 = vector.shape_cast %swap3A_32 : vector<16xf32> to vector<16xf32>
    %swap3A_34 = vector.shape_cast %broadcast_in_dim3A_30 : vector<16xf32> to vector<16xf32>
    tpu.vector_store %arg13[%swap3A_31], %swap3A_34 {strides = array<i32>} : memref<128xf32, #tpu.memory_space<vmem>>, vector<16xf32>,
    %broadcast_in_dim3A_35 = arith.constant 1.000000e+00 : f32
    %broadcast_in_dim3A_36 = vector.broadcast %broadcast_in_dim3A_35 : f32 to vector<16xf32>
    %swap3A_37 = arith.constant 96 : index
    %swap3A_38 = tpu.vector_load %arg13[%swap3A_37] {strides = array<i32>} : memref<128xf32, #tpu.memory_space<vmem>>, vector<16xf32>,
    %swap3A_39 = vector.shape_cast %swap3A_38 : vector<16xf32> to vector<16xf32>
    %swap3A_40 = vector.shape_cast %broadcast_in_dim3A_36 : vector<16xf32> to vector<16xf32>
    tpu.vector_store %arg13[%swap3A_37], %swap3A_40 {strides = array<i32>} : memref<128xf32, #tpu.memory_space<vmem>>, vector<16xf32>,
    %broadcast_in_dim3A_41 = arith.constant 1.000000e+00 : f32
    %broadcast_in_dim3A_42 = vector.broadcast %broadcast_in_dim3A_41 : f32 to vector<16xf32>
    %swap3A_43 = arith.constant 112 : index
    %swap3A_44 = tpu.vector_load %arg13[%swap3A_43] {strides = array<i32>} : memref<128xf32, #tpu.memory_space<vmem>>, vector<16xf32>,
    %swap3A_45 = vector.shape_cast %swap3A_44 : vector<16xf32> to vector<16xf32>
    %swap3A_46 = vector.shape_cast %broadcast_in_dim3A_42 : vector<16xf32> to vector<16xf32>
    tpu.vector_store %arg13[%swap3A_43], %swap3A_46 {strides = array<i32>} : memref<128xf32, #tpu.memory_space<vmem>>, vector<16xf32>,
    %scan3A = arith.constant 0 : i32
    %scan3A_47 = arith.constant 0 : i32
    %scan3A_48 = arith.constant 392 : i32
    %scan3A_49 = arith.addi %scan3A_47, %scan3A_48 : i32
    %scan3A_50 = arith.constant 1 : i32
    %scan3A_51 = scf.for %scan3A_1132 = %scan3A_47 to %scan3A_49 step %scan3A_50 iter_args(%scan3A_1133 = %scan3A) -> (i32)  : i32 {
      %broadcast_in_dim3A_1134 = arith.constant 0.000000e+00 : f32
      %broadcast_in_dim3A_1135 = vector.broadcast %broadcast_in_dim3A_1134 : f32 to vector<16xf32>
      %mul3A_1136 = arith.constant 16 : i32
      %mul3A_1137 = arith.muli %scan3A_1132, %mul3A_1136 : i32
      %swap3A_1138 = arith.index_cast %mul3A_1137 : i32 to index
      %swap3A_1139 = tpu.vector_load %arg14[%swap3A_1138] {strides = array<i32>} : memref<6272xf32, #tpu.memory_space<vmem>>, vector<16xf32>,
      %swap3A_1140 = vector.shape_cast %swap3A_1139 : vector<16xf32> to vector<16xf32>
      %swap3A_1141 = vector.shape_cast %broadcast_in_dim3A_1135 : vector<16xf32> to vector<16xf32>
      tpu.vector_store %arg14[%swap3A_1138], %swap3A_1141 {strides = array<i32>} : memref<6272xf32, #tpu.memory_space<vmem>>, vector<16xf32>,
      %scan3A_1142 = arith.constant 0 : i32
      scf.yield %scan3A_1142 : i32
    }
    %scan3A_52 = arith.constant 392 : i32
    %mul3A_53 = arith.constant 6272 : i32
    %mul3A_54 = arith.muli %arg1, %mul3A_53 : i32
    "tpu.region"() ({
      %run_scoped3A = tpu.sem_alloc : memref<!tpu.dma_semaphore, #tpu.memory_space<semaphore_mem>>
      %dma_start3A_1132 = tpu.memref_slice %arg15[%mul3A_54] : memref<100352xf32, #tpu.memory_space<vmem_shared>> -> memref<6272xf32, #tpu.memory_space<vmem_shared>>
      %dma_start3A_1133 = tpu.memref_slice %arg15[%mul3A_54] : memref<100352xf32, #tpu.memory_space<vmem_shared>> -> memref<6272xf32, #tpu.memory_space<vmem_shared>>
      tpu.enqueue_dma source(%arg14 : memref<6272xf32, #tpu.memory_space<vmem>>) target(%dma_start3A_1133 : memref<6272xf32, #tpu.memory_space<vmem_shared>>) target_semaphore(%run_scoped3A : memref<!tpu.dma_semaphore, #tpu.memory_space<semaphore_mem>>)
      %dma_wait3A_1134 = tpu.memref_slice %arg15[%mul3A_54] : memref<100352xf32, #tpu.memory_space<vmem_shared>> -> memref<6272xf32, #tpu.memory_space<vmem_shared>>
      %dma_wait3A_1135 = tpu.memref_slice %arg15[%mul3A_54] : memref<100352xf32, #tpu.memory_space<vmem_shared>> -> memref<6272xf32, #tpu.memory_space<vmem_shared>>
      tpu.wait_dma2 semaphore(%run_scoped3A : memref<!tpu.dma_semaphore, #tpu.memory_space<semaphore_mem>>) src(%arg14 : memref<6272xf32, #tpu.memory_space<vmem>>) dst(%dma_wait3A_1135 : memref<6272xf32, #tpu.memory_space<vmem_shared>>)
      tpu.yield
    }) : () -> ()
    %barrier3A = arith.constant 0 : index
    tpu.barrier barrier_id(%barrier3A)
    "tpu.region"() ({
      %run_scoped3A = tpu.sem_alloc : memref<!tpu.dma_semaphore, #tpu.memory_space<semaphore_mem>>
      %dma_start3A_1132 = arith.constant 0 : i32
      %dma_start3A_1133 = arith.constant 0 : i32
      %dma_start3A_1134 = tpu.memref_slice %arg6[%add3A, %dma_start3A_1132, %dma_start3A_1133] : memref<32x76x128xi32, #tpu.memory_space<hbm>> -> memref<1x76x128xi32, #tpu.memory_space<hbm>>
      %dma_start3A_1135 = tpu.memref_squeeze %dma_start3A_1134 : memref<1x76x128xi32, #tpu.memory_space<hbm>> -> memref<76x128xi32, #tpu.memory_space<hbm>>
      %dma_start3A_1136 = arith.constant 0 : i32
      %dma_start3A_1137 = arith.constant 0 : i32
      %dma_start3A_1138 = tpu.memref_slice %arg6[%add3A, %dma_start3A_1136, %dma_start3A_1137] : memref<32x76x128xi32, #tpu.memory_space<hbm>> -> memref<1x76x128xi32, #tpu.memory_space<hbm>>
      %dma_start3A_1139 = tpu.memref_squeeze %dma_start3A_1138 : memref<1x76x128xi32, #tpu.memory_space<hbm>> -> memref<76x128xi32, #tpu.memory_space<hbm>>
      tpu.enqueue_dma source(%dma_start3A_1139 : memref<76x128xi32, #tpu.memory_space<hbm>>) target(%arg11 : memref<76x128xi32, #tpu.memory_space<vmem>>) target_semaphore(%run_scoped3A : memref<!tpu.dma_semaphore, #tpu.memory_space<semaphore_mem>>)
      %dma_wait3A_1140 = arith.constant 0 : i32
      %dma_wait3A_1141 = arith.constant 0 : i32
      %dma_wait3A_1142 = tpu.memref_slice %arg6[%add3A, %dma_wait3A_1140, %dma_wait3A_1141] : memref<32x76x128xi32, #tpu.memory_space<hbm>> -> memref<1x76x128xi32, #tpu.memory_space<hbm>>
      %dma_wait3A_1143 = tpu.memref_squeeze %dma_wait3A_1142 : memref<1x76x128xi32, #tpu.memory_space<hbm>> -> memref<76x128xi32, #tpu.memory_space<hbm>>
      %dma_wait3A_1144 = arith.constant 0 : i32
      %dma_wait3A_1145 = arith.constant 0 : i32
      %dma_wait3A_1146 = tpu.memref_slice %arg6[%add3A, %dma_wait3A_1144, %dma_wait3A_1145] : memref<32x76x128xi32, #tpu.memory_space<hbm>> -> memref<1x76x128xi32, #tpu.memory_space<hbm>>
      %dma_wait3A_1147 = tpu.memref_squeeze %dma_wait3A_1146 : memref<1x76x128xi32, #tpu.memory_space<hbm>> -> memref<76x128xi32, #tpu.memory_space<hbm>>
      tpu.wait_dma2 semaphore(%run_scoped3A : memref<!tpu.dma_semaphore, #tpu.memory_space<semaphore_mem>>) src(%dma_wait3A_1147 : memref<76x128xi32, #tpu.memory_space<hbm>>) dst(%arg11 : memref<76x128xi32, #tpu.memory_space<vmem>>)
      tpu.yield
    }) : () -> ()
    %dma_start3A = arith.constant 0 : i32
    %dma_start3A_55 = arith.constant 0 : i32
    %dma_start3A_56 = tpu.memref_slice %arg11[%dma_start3A, %dma_start3A_55] : memref<76x128xi32, #tpu.memory_space<vmem>> -> memref<1x128xi32, #tpu.memory_space<vmem>>
    %dma_start3A_57 = tpu.memref_squeeze %dma_start3A_56 : memref<1x128xi32, #tpu.memory_space<vmem>> -> memref<128xi32, #tpu.memory_space<vmem>>
    %dma_start3A_58 = arith.constant 0 : i32
    %dma_start3A_59 = tpu.memref_slice %arg15[%dma_start3A_58] : memref<100352xf32, #tpu.memory_space<vmem_shared>> -> memref<100352xf32, #tpu.memory_space<vmem_shared>>
    tpu.enqueue_indirect_dma source(%arg13 : memref<128xf32, #tpu.memory_space<vmem>>) target(%dma_start3A_59 : memref<100352xf32, #tpu.memory_space<vmem_shared>>) offsets(%dma_start3A_57 : memref<128xi32, #tpu.memory_space<vmem>>) semaphore(%arg17 : memref<!tpu.dma_semaphore, #tpu.memory_space<semaphore_mem>>) {add = true}
    %dma_start3A_60 = arith.constant 1 : i32
    %dma_start3A_61 = arith.constant 0 : i32
    %dma_start3A_62 = tpu.memref_slice %arg11[%dma_start3A_60, %dma_start3A_61] : memref<76x128xi32, #tpu.memory_space<vmem>> -> memref<1x128xi32, #tpu.memory_space<vmem>>
    %dma_start3A_63 = tpu.memref_squeeze %dma_start3A_62 : memref<1x128xi32, #tpu.memory_space<vmem>> -> memref<128xi32, #tpu.memory_space<vmem>>
    %dma_start3A_64 = arith.constant 0 : i32
    %dma_start3A_65 = tpu.memref_slice %arg15[%dma_start3A_64] : memref<100352xf32, #tpu.memory_space<vmem_shared>> -> memref<100352xf32, #tpu.memory_space<vmem_shared>>
    tpu.enqueue_indirect_dma source(%arg13 : memref<128xf32, #tpu.memory_space<vmem>>) target(%dma_start3A_65 : memref<100352xf32, #tpu.memory_space<vmem_shared>>) offsets(%dma_start3A_63 : memref<128xi32, #tpu.memory_space<vmem>>) semaphore(%arg17 : memref<!tpu.dma_semaphore, #tpu.memory_space<semaphore_mem>>) {add = true}
    %dma_start3A_66 = arith.constant 2 : i32
    %dma_start3A_67 = arith.constant 0 : i32
    %dma_start3A_68 = tpu.memref_slice %arg11[%dma_start3A_66, %dma_start3A_67] : memref<76x128xi32, #tpu.memory_space<vmem>> -> memref<1x128xi32, #tpu.memory_space<vmem>>
    %dma_start3A_69 = tpu.memref_squeeze %dma_start3A_68 : memref<1x128xi32, #tpu.memory_space<vmem>> -> memref<128xi32, #tpu.memory_space<vmem>>
    %dma_start3A_70 = arith.constant 0 : i32
    %dma_start3A_71 = tpu.memref_slice %arg15[%dma_start3A_70] : memref<100352xf32, #tpu.memory_space<vmem_shared>> -> memref<100352xf32, #tpu.memory_space<vmem_shared>>
    tpu.enqueue_indirect_dma source(%arg13 : memref<128xf32, #tpu.memory_space<vmem>>) target(%dma_start3A_71 : memref<100352xf32, #tpu.memory_space<vmem_shared>>) offsets(%dma_start3A_69 : memref<128xi32, #tpu.memory_space<vmem>>) semaphore(%arg17 : memref<!tpu.dma_semaphore, #tpu.memory_space<semaphore_mem>>) {add = true}
    %dma_start3A_72 = arith.constant 3 : i32
    %dma_start3A_73 = arith.constant 0 : i32
    %dma_start3A_74 = tpu.memref_slice %arg11[%dma_start3A_72, %dma_start3A_73] : memref<76x128xi32, #tpu.memory_space<vmem>> -> memref<1x128xi32, #tpu.memory_space<vmem>>
    %dma_start3A_75 = tpu.memref_squeeze %dma_start3A_74 : memref<1x128xi32, #tpu.memory_space<vmem>> -> memref<128xi32, #tpu.memory_space<vmem>>
    %dma_start3A_76 = arith.constant 0 : i32
    %dma_start3A_77 = tpu.memref_slice %arg15[%dma_start3A_76] : memref<100352xf32, #tpu.memory_space<vmem_shared>> -> memref<100352xf32, #tpu.memory_space<vmem_shared>>
    tpu.enqueue_indirect_dma source(%arg13 : memref<128xf32, #tpu.memory_space<vmem>>) target(%dma_start3A_77 : memref<100352xf32, #tpu.memory_space<vmem_shared>>) offsets(%dma_start3A_75 : memref<128xi32, #tpu.memory_space<vmem>>) semaphore(%arg17 : memref<!tpu.dma_semaphore, #tpu.memory_space<semaphore_mem>>) {add = true}
    %dma_start3A_78 = arith.constant 4 : i32
    %dma_start3A_79 = arith.constant 0 : i32
    %dma_start3A_80 = tpu.memref_slice %arg11[%dma_start3A_78, %dma_start3A_79] : memref<76x128xi32, #tpu.memory_space<vmem>> -> memref<1x128xi32, #tpu.memory_space<vmem>>
    %dma_start3A_81 = tpu.memref_squeeze %dma_start3A_80 : memref<1x128xi32, #tpu.memory_space<vmem>> -> memref<128xi32, #tpu.memory_space<vmem>>
    %dma_start3A_82 = arith.constant 0 : i32
    %dma_start3A_83 = tpu.memref_slice %arg15[%dma_start3A_82] : memref<100352xf32, #tpu.memory_space<vmem_shared>> -> memref<100352xf32, #tpu.memory_space<vmem_shared>>
    tpu.enqueue_indirect_dma source(%arg13 : memref<128xf32, #tpu.memory_space<vmem>>) target(%dma_start3A_83 : memref<100352xf32, #tpu.memory_space<vmem_shared>>) offsets(%dma_start3A_81 : memref<128xi32, #tpu.memory_space<vmem>>) semaphore(%arg17 : memref<!tpu.dma_semaphore, #tpu.memory_space<semaphore_mem>>) {add = true}
    %dma_start3A_84 = arith.constant 5 : i32
    %dma_start3A_85 = arith.constant 0 : i32
    %dma_start3A_86 = tpu.memref_slice %arg11[%dma_start3A_84, %dma_start3A_85] : memref<76x128xi32, #tpu.memory_space<vmem>> -> memref<1x128xi32, #tpu.memory_space<vmem>>
    %dma_start3A_87 = tpu.memref_squeeze %dma_start3A_86 : memref<1x128xi32, #tpu.memory_space<vmem>> -> memref<128xi32, #tpu.memory_space<vmem>>
    %dma_start3A_88 = arith.constant 0 : i32
    %dma_start3A_89 = tpu.memref_slice %arg15[%dma_start3A_88] : memref<100352xf32, #tpu.memory_space<vmem_shared>> -> memref<100352xf32, #tpu.memory_space<vmem_shared>>
    tpu.enqueue_indirect_dma source(%arg13 : memref<128xf32, #tpu.memory_space<vmem>>) target(%dma_start3A_89 : memref<100352xf32, #tpu.memory_space<vmem_shared>>) offsets(%dma_start3A_87 : memref<128xi32, #tpu.memory_space<vmem>>) semaphore(%arg17 : memref<!tpu.dma_semaphore, #tpu.memory_space<semaphore_mem>>) {add = true}
    %dma_start3A_90 = arith.constant 6 : i32
    %dma_start3A_91 = arith.constant 0 : i32
    %dma_start3A_92 = tpu.memref_slice %arg11[%dma_start3A_90, %dma_start3A_91] : memref<76x128xi32, #tpu.memory_space<vmem>> -> memref<1x128xi32, #tpu.memory_space<vmem>>
    %dma_start3A_93 = tpu.memref_squeeze %dma_start3A_92 : memref<1x128xi32, #tpu.memory_space<vmem>> -> memref<128xi32, #tpu.memory_space<vmem>>
    %dma_start3A_94 = arith.constant 0 : i32
    %dma_start3A_95 = tpu.memref_slice %arg15[%dma_start3A_94] : memref<100352xf32, #tpu.memory_space<vmem_shared>> -> memref<100352xf32, #tpu.memory_space<vmem_shared>>
    tpu.enqueue_indirect_dma source(%arg13 : memref<128xf32, #tpu.memory_space<vmem>>) target(%dma_start3A_95 : memref<100352xf32, #tpu.memory_space<vmem_shared>>) offsets(%dma_start3A_93 : memref<128xi32, #tpu.memory_space<vmem>>) semaphore(%arg17 : memref<!tpu.dma_semaphore, #tpu.memory_space<semaphore_mem>>) {add = true}
    %dma_start3A_96 = arith.constant 7 : i32
    %dma_start3A_97 = arith.constant 0 : i32
    %dma_start3A_98 = tpu.memref_slice %arg11[%dma_start3A_96, %dma_start3A_97] : memref<76x128xi32, #tpu.memory_space<vmem>> -> memref<1x128xi32, #tpu.memory_space<vmem>>
    %dma_start3A_99 = tpu.memref_squeeze %dma_start3A_98 : memref<1x128xi32, #tpu.memory_space<vmem>> -> memref<128xi32, #tpu.memory_space<vmem>>
    %dma_start3A_100 = arith.constant 0 : i32
    %dma_start3A_101 = tpu.memref_slice %arg15[%dma_start3A_100] : memref<100352xf32, #tpu.memory_space<vmem_shared>> -> memref<100352xf32, #tpu.memory_space<vmem_shared>>
    tpu.enqueue_indirect_dma source(%arg13 : memref<128xf32, #tpu.memory_space<vmem>>) target(%dma_start3A_101 : memref<100352xf32, #tpu.memory_space<vmem_shared>>) offsets(%dma_start3A_99 : memref<128xi32, #tpu.memory_space<vmem>>) semaphore(%arg17 : memref<!tpu.dma_semaphore, #tpu.memory_space<semaphore_mem>>) {add = true}
    %dma_start3A_102 = arith.constant 8 : i32
    %dma_start3A_103 = arith.constant 0 : i32
    %dma_start3A_104 = tpu.memref_slice %arg11[%dma_start3A_102, %dma_start3A_103] : memref<76x128xi32, #tpu.memory_space<vmem>> -> memref<1x128xi32, #tpu.memory_space<vmem>>
    %dma_start3A_105 = tpu.memref_squeeze %dma_start3A_104 : memref<1x128xi32, #tpu.memory_space<vmem>> -> memref<128xi32, #tpu.memory_space<vmem>>
    %dma_start3A_106 = arith.constant 0 : i32
    %dma_start3A_107 = tpu.memref_slice %arg15[%dma_start3A_106] : memref<100352xf32, #tpu.memory_space<vmem_shared>> -> memref<100352xf32, #tpu.memory_space<vmem_shared>>
    tpu.enqueue_indirect_dma source(%arg13 : memref<128xf32, #tpu.memory_space<vmem>>) target(%dma_start3A_107 : memref<100352xf32, #tpu.memory_space<vmem_shared>>) offsets(%dma_start3A_105 : memref<128xi32, #tpu.memory_space<vmem>>) semaphore(%arg17 : memref<!tpu.dma_semaphore, #tpu.memory_space<semaphore_mem>>) {add = true}
    %dma_start3A_108 = arith.constant 9 : i32
    %dma_start3A_109 = arith.constant 0 : i32
    %dma_start3A_110 = tpu.memref_slice %arg11[%dma_start3A_108, %dma_start3A_109] : memref<76x128xi32, #tpu.memory_space<vmem>> -> memref<1x128xi32, #tpu.memory_space<vmem>>
    %dma_start3A_111 = tpu.memref_squeeze %dma_start3A_110 : memref<1x128xi32, #tpu.memory_space<vmem>> -> memref<128xi32, #tpu.memory_space<vmem>>
    %dma_start3A_112 = arith.constant 0 : i32
    %dma_start3A_113 = tpu.memref_slice %arg15[%dma_start3A_112] : memref<100352xf32, #tpu.memory_space<vmem_shared>> -> memref<100352xf32, #tpu.memory_space<vmem_shared>>
    tpu.enqueue_indirect_dma source(%arg13 : memref<128xf32, #tpu.memory_space<vmem>>) target(%dma_start3A_113 : memref<100352xf32, #tpu.memory_space<vmem_shared>>) offsets(%dma_start3A_111 : memref<128xi32, #tpu.memory_space<vmem>>) semaphore(%arg17 : memref<!tpu.dma_semaphore, #tpu.memory_space<semaphore_mem>>) {add = true}
    %dma_start3A_114 = arith.constant 10 : i32
    %dma_start3A_115 = arith.constant 0 : i32
    %dma_start3A_116 = tpu.memref_slice %arg11[%dma_start3A_114, %dma_start3A_115] : memref<76x128xi32, #tpu.memory_space<vmem>> -> memref<1x128xi32, #tpu.memory_space<vmem>>
    %dma_start3A_117 = tpu.memref_squeeze %dma_start3A_116 : memref<1x128xi32, #tpu.memory_space<vmem>> -> memref<128xi32, #tpu.memory_space<vmem>>
    %dma_start3A_118 = arith.constant 0 : i32
    %dma_start3A_119 = tpu.memref_slice %arg15[%dma_start3A_118] : memref<100352xf32, #tpu.memory_space<vmem_shared>> -> memref<100352xf32, #tpu.memory_space<vmem_shared>>
    tpu.enqueue_indirect_dma source(%arg13 : memref<128xf32, #tpu.memory_space<vmem>>) target(%dma_start3A_119 : memref<100352xf32, #tpu.memory_space<vmem_shared>>) offsets(%dma_start3A_117 : memref<128xi32, #tpu.memory_space<vmem>>) semaphore(%arg17 : memref<!tpu.dma_semaphore, #tpu.memory_space<semaphore_mem>>) {add = true}
    %dma_start3A_120 = arith.constant 11 : i32
    %dma_start3A_121 = arith.constant 0 : i32
    %dma_start3A_122 = tpu.memref_slice %arg11[%dma_start3A_120, %dma_start3A_121] : memref<76x128xi32, #tpu.memory_space<vmem>> -> memref<1x128xi32, #tpu.memory_space<vmem>>
    %dma_start3A_123 = tpu.memref_squeeze %dma_start3A_122 : memref<1x128xi32, #tpu.memory_space<vmem>> -> memref<128xi32, #tpu.memory_space<vmem>>
    %dma_start3A_124 = arith.constant 0 : i32
    %dma_start3A_125 = tpu.memref_slice %arg15[%dma_start3A_124] : memref<100352xf32, #tpu.memory_space<vmem_shared>> -> memref<100352xf32, #tpu.memory_space<vmem_shared>>
    tpu.enqueue_indirect_dma source(%arg13 : memref<128xf32, #tpu.memory_space<vmem>>) target(%dma_start3A_125 : memref<100352xf32, #tpu.memory_space<vmem_shared>>) offsets(%dma_start3A_123 : memref<128xi32, #tpu.memory_space<vmem>>) semaphore(%arg17 : memref<!tpu.dma_semaphore, #tpu.memory_space<semaphore_mem>>) {add = true}
    %dma_start3A_126 = arith.constant 12 : i32
    %dma_start3A_127 = arith.constant 0 : i32
    %dma_start3A_128 = tpu.memref_slice %arg11[%dma_start3A_126, %dma_start3A_127] : memref<76x128xi32, #tpu.memory_space<vmem>> -> memref<1x128xi32, #tpu.memory_space<vmem>>
    %dma_start3A_129 = tpu.memref_squeeze %dma_start3A_128 : memref<1x128xi32, #tpu.memory_space<vmem>> -> memref<128xi32, #tpu.memory_space<vmem>>
    %dma_start3A_130 = arith.constant 0 : i32
    %dma_start3A_131 = tpu.memref_slice %arg15[%dma_start3A_130] : memref<100352xf32, #tpu.memory_space<vmem_shared>> -> memref<100352xf32, #tpu.memory_space<vmem_shared>>
    tpu.enqueue_indirect_dma source(%arg13 : memref<128xf32, #tpu.memory_space<vmem>>) target(%dma_start3A_131 : memref<100352xf32, #tpu.memory_space<vmem_shared>>) offsets(%dma_start3A_129 : memref<128xi32, #tpu.memory_space<vmem>>) semaphore(%arg17 : memref<!tpu.dma_semaphore, #tpu.memory_space<semaphore_mem>>) {add = true}
    %dma_start3A_132 = arith.constant 13 : i32
    %dma_start3A_133 = arith.constant 0 : i32
    %dma_start3A_134 = tpu.memref_slice %arg11[%dma_start3A_132, %dma_start3A_133] : memref<76x128xi32, #tpu.memory_space<vmem>> -> memref<1x128xi32, #tpu.memory_space<vmem>>
    %dma_start3A_135 = tpu.memref_squeeze %dma_start3A_134 : memref<1x128xi32, #tpu.memory_space<vmem>> -> memref<128xi32, #tpu.memory_space<vmem>>
    %dma_start3A_136 = arith.constant 0 : i32
    %dma_start3A_137 = tpu.memref_slice %arg15[%dma_start3A_136] : memref<100352xf32, #tpu.memory_space<vmem_shared>> -> memref<100352xf32, #tpu.memory_space<vmem_shared>>
    tpu.enqueue_indirect_dma source(%arg13 : memref<128xf32, #tpu.memory_space<vmem>>) target(%dma_start3A_137 : memref<100352xf32, #tpu.memory_space<vmem_shared>>) offsets(%dma_start3A_135 : memref<128xi32, #tpu.memory_space<vmem>>) semaphore(%arg17 : memref<!tpu.dma_semaphore, #tpu.memory_space<semaphore_mem>>) {add = true}
    %dma_start3A_138 = arith.constant 14 : i32
    %dma_start3A_139 = arith.constant 0 : i32
    %dma_start3A_140 = tpu.memref_slice %arg11[%dma_start3A_138, %dma_start3A_139] : memref<76x128xi32, #tpu.memory_space<vmem>> -> memref<1x128xi32, #tpu.memory_space<vmem>>
    %dma_start3A_141 = tpu.memref_squeeze %dma_start3A_140 : memref<1x128xi32, #tpu.memory_space<vmem>> -> memref<128xi32, #tpu.memory_space<vmem>>
    %dma_start3A_142 = arith.constant 0 : i32
    %dma_start3A_143 = tpu.memref_slice %arg15[%dma_start3A_142] : memref<100352xf32, #tpu.memory_space<vmem_shared>> -> memref<100352xf32, #tpu.memory_space<vmem_shared>>
    tpu.enqueue_indirect_dma source(%arg13 : memref<128xf32, #tpu.memory_space<vmem>>) target(%dma_start3A_143 : memref<100352xf32, #tpu.memory_space<vmem_shared>>) offsets(%dma_start3A_141 : memref<128xi32, #tpu.memory_space<vmem>>) semaphore(%arg17 : memref<!tpu.dma_semaphore, #tpu.memory_space<semaphore_mem>>) {add = true}
    %dma_start3A_144 = arith.constant 15 : i32
    %dma_start3A_145 = arith.constant 0 : i32
    %dma_start3A_146 = tpu.memref_slice %arg11[%dma_start3A_144, %dma_start3A_145] : memref<76x128xi32, #tpu.memory_space<vmem>> -> memref<1x128xi32, #tpu.memory_space<vmem>>
    %dma_start3A_147 = tpu.memref_squeeze %dma_start3A_146 : memref<1x128xi32, #tpu.memory_space<vmem>> -> memref<128xi32, #tpu.memory_space<vmem>>
    %dma_start3A_148 = arith.constant 0 : i32
    %dma_start3A_149 = tpu.memref_slice %arg15[%dma_start3A_148] : memref<100352xf32, #tpu.memory_space<vmem_shared>> -> memref<100352xf32, #tpu.memory_space<vmem_shared>>
    tpu.enqueue_indirect_dma source(%arg13 : memref<128xf32, #tpu.memory_space<vmem>>) target(%dma_start3A_149 : memref<100352xf32, #tpu.memory_space<vmem_shared>>) offsets(%dma_start3A_147 : memref<128xi32, #tpu.memory_space<vmem>>) semaphore(%arg17 : memref<!tpu.dma_semaphore, #tpu.memory_space<semaphore_mem>>) {add = true}
    %dma_start3A_150 = arith.constant 16 : i32
    %dma_start3A_151 = arith.constant 0 : i32
    %dma_start3A_152 = tpu.memref_slice %arg11[%dma_start3A_150, %dma_start3A_151] : memref<76x128xi32, #tpu.memory_space<vmem>> -> memref<1x128xi32, #tpu.memory_space<vmem>>
    %dma_start3A_153 = tpu.memref_squeeze %dma_start3A_152 : memref<1x128xi32, #tpu.memory_space<vmem>> -> memref<128xi32, #tpu.memory_space<vmem>>
    %dma_start3A_154 = arith.constant 0 : i32
    %dma_start3A_155 = tpu.memref_slice %arg15[%dma_start3A_154] : memref<100352xf32, #tpu.memory_space<vmem_shared>> -> memref<100352xf32, #tpu.memory_space<vmem_shared>>
    tpu.enqueue_indirect_dma source(%arg13 : memref<128xf32, #tpu.memory_space<vmem>>) target(%dma_start3A_155 : memref<100352xf32, #tpu.memory_space<vmem_shared>>) offsets(%dma_start3A_153 : memref<128xi32, #tpu.memory_space<vmem>>) semaphore(%arg17 : memref<!tpu.dma_semaphore, #tpu.memory_space<semaphore_mem>>) {add = true}
    %dma_start3A_156 = arith.constant 17 : i32
    %dma_start3A_157 = arith.constant 0 : i32
    %dma_start3A_158 = tpu.memref_slice %arg11[%dma_start3A_156, %dma_start3A_157] : memref<76x128xi32, #tpu.memory_space<vmem>> -> memref<1x128xi32, #tpu.memory_space<vmem>>
    %dma_start3A_159 = tpu.memref_squeeze %dma_start3A_158 : memref<1x128xi32, #tpu.memory_space<vmem>> -> memref<128xi32, #tpu.memory_space<vmem>>
    %dma_start3A_160 = arith.constant 0 : i32
    %dma_start3A_161 = tpu.memref_slice %arg15[%dma_start3A_160] : memref<100352xf32, #tpu.memory_space<vmem_shared>> -> memref<100352xf32, #tpu.memory_space<vmem_shared>>
    tpu.enqueue_indirect_dma source(%arg13 : memref<128xf32, #tpu.memory_space<vmem>>) target(%dma_start3A_161 : memref<100352xf32, #tpu.memory_space<vmem_shared>>) offsets(%dma_start3A_159 : memref<128xi32, #tpu.memory_space<vmem>>) semaphore(%arg17 : memref<!tpu.dma_semaphore, #tpu.memory_space<semaphore_mem>>) {add = true}
    %dma_start3A_162 = arith.constant 18 : i32
    %dma_start3A_163 = arith.constant 0 : i32
    %dma_start3A_164 = tpu.memref_slice %arg11[%dma_start3A_162, %dma_start3A_163] : memref<76x128xi32, #tpu.memory_space<vmem>> -> memref<1x128xi32, #tpu.memory_space<vmem>>
    %dma_start3A_165 = tpu.memref_squeeze %dma_start3A_164 : memref<1x128xi32, #tpu.memory_space<vmem>> -> memref<128xi32, #tpu.memory_space<vmem>>
    %dma_start3A_166 = arith.constant 0 : i32
    %dma_start3A_167 = tpu.memref_slice %arg15[%dma_start3A_166] : memref<100352xf32, #tpu.memory_space<vmem_shared>> -> memref<100352xf32, #tpu.memory_space<vmem_shared>>
    tpu.enqueue_indirect_dma source(%arg13 : memref<128xf32, #tpu.memory_space<vmem>>) target(%dma_start3A_167 : memref<100352xf32, #tpu.memory_space<vmem_shared>>) offsets(%dma_start3A_165 : memref<128xi32, #tpu.memory_space<vmem>>) semaphore(%arg17 : memref<!tpu.dma_semaphore, #tpu.memory_space<semaphore_mem>>) {add = true}
    %dma_wait3A = arith.constant 0 : i32
    %dma_wait3A_168 = arith.constant 0 : i32
    %dma_wait3A_169 = tpu.memref_slice %arg11[%dma_wait3A, %dma_wait3A_168] : memref<76x128xi32, #tpu.memory_space<vmem>> -> memref<1x128xi32, #tpu.memory_space<vmem>>
    %dma_wait3A_170 = tpu.memref_squeeze %dma_wait3A_169 : memref<1x128xi32, #tpu.memory_space<vmem>> -> memref<128xi32, #tpu.memory_space<vmem>>
    %dma_wait3A_171 = arith.constant 0 : i32
    %dma_wait3A_172 = tpu.memref_slice %arg15[%dma_wait3A_171] : memref<100352xf32, #tpu.memory_space<vmem_shared>> -> memref<100352xf32, #tpu.memory_space<vmem_shared>>
    tpu.wait_indirect_dma semaphore(%arg17 : memref<!tpu.dma_semaphore, #tpu.memory_space<semaphore_mem>>) src(%arg13 : memref<128xf32, #tpu.memory_space<vmem>>) dst(%dma_wait3A_172 : memref<100352xf32, #tpu.memory_space<vmem_shared>>)
    %dma_wait3A_173 = arith.constant 1 : i32
    %dma_wait3A_174 = arith.constant 0 : i32
    %dma_wait3A_175 = tpu.memref_slice %arg11[%dma_wait3A_173, %dma_wait3A_174] : memref<76x128xi32, #tpu.memory_space<vmem>> -> memref<1x128xi32, #tpu.memory_space<vmem>>
    %dma_wait3A_176 = tpu.memref_squeeze %dma_wait3A_175 : memref<1x128xi32, #tpu.memory_space<vmem>> -> memref<128xi32, #tpu.memory_space<vmem>>
    %dma_wait3A_177 = arith.constant 0 : i32
    %dma_wait3A_178 = tpu.memref_slice %arg15[%dma_wait3A_177] : memref<100352xf32, #tpu.memory_space<vmem_shared>> -> memref<100352xf32, #tpu.memory_space<vmem_shared>>
    tpu.wait_indirect_dma semaphore(%arg17 : memref<!tpu.dma_semaphore, #tpu.memory_space<semaphore_mem>>) src(%arg13 : memref<128xf32, #tpu.memory_space<vmem>>) dst(%dma_wait3A_178 : memref<100352xf32, #tpu.memory_space<vmem_shared>>)
    %dma_wait3A_179 = arith.constant 2 : i32
    %dma_wait3A_180 = arith.constant 0 : i32
    %dma_wait3A_181 = tpu.memref_slice %arg11[%dma_wait3A_179, %dma_wait3A_180] : memref<76x128xi32, #tpu.memory_space<vmem>> -> memref<1x128xi32, #tpu.memory_space<vmem>>
    %dma_wait3A_182 = tpu.memref_squeeze %dma_wait3A_181 : memref<1x128xi32, #tpu.memory_space<vmem>> -> memref<128xi32, #tpu.memory_space<vmem>>
    %dma_wait3A_183 = arith.constant 0 : i32
    %dma_wait3A_184 = tpu.memref_slice %arg15[%dma_wait3A_183] : memref<100352xf32, #tpu.memory_space<vmem_shared>> -> memref<100352xf32, #tpu.memory_space<vmem_shared>>
    tpu.wait_indirect_dma semaphore(%arg17 : memref<!tpu.dma_semaphore, #tpu.memory_space<semaphore_mem>>) src(%arg13 : memref<128xf32, #tpu.memory_space<vmem>>) dst(%dma_wait3A_184 : memref<100352xf32, #tpu.memory_space<vmem_shared>>)
    %dma_wait3A_185 = arith.constant 3 : i32
    %dma_wait3A_186 = arith.constant 0 : i32
    %dma_wait3A_187 = tpu.memref_slice %arg11[%dma_wait3A_185, %dma_wait3A_186] : memref<76x128xi32, #tpu.memory_space<vmem>> -> memref<1x128xi32, #tpu.memory_space<vmem>>
    %dma_wait3A_188 = tpu.memref_squeeze %dma_wait3A_187 : memref<1x128xi32, #tpu.memory_space<vmem>> -> memref<128xi32, #tpu.memory_space<vmem>>
    %dma_wait3A_189 = arith.constant 0 : i32
    %dma_wait3A_190 = tpu.memref_slice %arg15[%dma_wait3A_189] : memref<100352xf32, #tpu.memory_space<vmem_shared>> -> memref<100352xf32, #tpu.memory_space<vmem_shared>>
    tpu.wait_indirect_dma semaphore(%arg17 : memref<!tpu.dma_semaphore, #tpu.memory_space<semaphore_mem>>) src(%arg13 : memref<128xf32, #tpu.memory_space<vmem>>) dst(%dma_wait3A_190 : memref<100352xf32, #tpu.memory_space<vmem_shared>>)
    %dma_wait3A_191 = arith.constant 4 : i32
    %dma_wait3A_192 = arith.constant 0 : i32
    %dma_wait3A_193 = tpu.memref_slice %arg11[%dma_wait3A_191, %dma_wait3A_192] : memref<76x128xi32, #tpu.memory_space<vmem>> -> memref<1x128xi32, #tpu.memory_space<vmem>>
    %dma_wait3A_194 = tpu.memref_squeeze %dma_wait3A_193 : memref<1x128xi32, #tpu.memory_space<vmem>> -> memref<128xi32, #tpu.memory_space<vmem>>
    %dma_wait3A_195 = arith.constant 0 : i32
    %dma_wait3A_196 = tpu.memref_slice %arg15[%dma_wait3A_195] : memref<100352xf32, #tpu.memory_space<vmem_shared>> -> memref<100352xf32, #tpu.memory_space<vmem_shared>>
    tpu.wait_indirect_dma semaphore(%arg17 : memref<!tpu.dma_semaphore, #tpu.memory_space<semaphore_mem>>) src(%arg13 : memref<128xf32, #tpu.memory_space<vmem>>) dst(%dma_wait3A_196 : memref<100352xf32, #tpu.memory_space<vmem_shared>>)
    %dma_wait3A_197 = arith.constant 5 : i32
    %dma_wait3A_198 = arith.constant 0 : i32
    %dma_wait3A_199 = tpu.memref_slice %arg11[%dma_wait3A_197, %dma_wait3A_198] : memref<76x128xi32, #tpu.memory_space<vmem>> -> memref<1x128xi32, #tpu.memory_space<vmem>>
    %dma_wait3A_200 = tpu.memref_squeeze %dma_wait3A_199 : memref<1x128xi32, #tpu.memory_space<vmem>> -> memref<128xi32, #tpu.memory_space<vmem>>
    %dma_wait3A_201 = arith.constant 0 : i32
    %dma_wait3A_202 = tpu.memref_slice %arg15[%dma_wait3A_201] : memref<100352xf32, #tpu.memory_space<vmem_shared>> -> memref<100352xf32, #tpu.memory_space<vmem_shared>>
    tpu.wait_indirect_dma semaphore(%arg17 : memref<!tpu.dma_semaphore, #tpu.memory_space<semaphore_mem>>) src(%arg13 : memref<128xf32, #tpu.memory_space<vmem>>) dst(%dma_wait3A_202 : memref<100352xf32, #tpu.memory_space<vmem_shared>>)
    %dma_wait3A_203 = arith.constant 6 : i32
    %dma_wait3A_204 = arith.constant 0 : i32
    %dma_wait3A_205 = tpu.memref_slice %arg11[%dma_wait3A_203, %dma_wait3A_204] : memref<76x128xi32, #tpu.memory_space<vmem>> -> memref<1x128xi32, #tpu.memory_space<vmem>>
    %dma_wait3A_206 = tpu.memref_squeeze %dma_wait3A_205 : memref<1x128xi32, #tpu.memory_space<vmem>> -> memref<128xi32, #tpu.memory_space<vmem>>
    %dma_wait3A_207 = arith.constant 0 : i32
    %dma_wait3A_208 = tpu.memref_slice %arg15[%dma_wait3A_207] : memref<100352xf32, #tpu.memory_space<vmem_shared>> -> memref<100352xf32, #tpu.memory_space<vmem_shared>>
    tpu.wait_indirect_dma semaphore(%arg17 : memref<!tpu.dma_semaphore, #tpu.memory_space<semaphore_mem>>) src(%arg13 : memref<128xf32, #tpu.memory_space<vmem>>) dst(%dma_wait3A_208 : memref<100352xf32, #tpu.memory_space<vmem_shared>>)
    %dma_wait3A_209 = arith.constant 7 : i32
    %dma_wait3A_210 = arith.constant 0 : i32
    %dma_wait3A_211 = tpu.memref_slice %arg11[%dma_wait3A_209, %dma_wait3A_210] : memref<76x128xi32, #tpu.memory_space<vmem>> -> memref<1x128xi32, #tpu.memory_space<vmem>>
    %dma_wait3A_212 = tpu.memref_squeeze %dma_wait3A_211 : memref<1x128xi32, #tpu.memory_space<vmem>> -> memref<128xi32, #tpu.memory_space<vmem>>
    %dma_wait3A_213 = arith.constant 0 : i32
    %dma_wait3A_214 = tpu.memref_slice %arg15[%dma_wait3A_213] : memref<100352xf32, #tpu.memory_space<vmem_shared>> -> memref<100352xf32, #tpu.memory_space<vmem_shared>>
    tpu.wait_indirect_dma semaphore(%arg17 : memref<!tpu.dma_semaphore, #tpu.memory_space<semaphore_mem>>) src(%arg13 : memref<128xf32, #tpu.memory_space<vmem>>) dst(%dma_wait3A_214 : memref<100352xf32, #tpu.memory_space<vmem_shared>>)
    %dma_wait3A_215 = arith.constant 8 : i32
    %dma_wait3A_216 = arith.constant 0 : i32
    %dma_wait3A_217 = tpu.memref_slice %arg11[%dma_wait3A_215, %dma_wait3A_216] : memref<76x128xi32, #tpu.memory_space<vmem>> -> memref<1x128xi32, #tpu.memory_space<vmem>>
    %dma_wait3A_218 = tpu.memref_squeeze %dma_wait3A_217 : memref<1x128xi32, #tpu.memory_space<vmem>> -> memref<128xi32, #tpu.memory_space<vmem>>
    %dma_wait3A_219 = arith.constant 0 : i32
    %dma_wait3A_220 = tpu.memref_slice %arg15[%dma_wait3A_219] : memref<100352xf32, #tpu.memory_space<vmem_shared>> -> memref<100352xf32, #tpu.memory_space<vmem_shared>>
    tpu.wait_indirect_dma semaphore(%arg17 : memref<!tpu.dma_semaphore, #tpu.memory_space<semaphore_mem>>) src(%arg13 : memref<128xf32, #tpu.memory_space<vmem>>) dst(%dma_wait3A_220 : memref<100352xf32, #tpu.memory_space<vmem_shared>>)
    %dma_wait3A_221 = arith.constant 9 : i32
    %dma_wait3A_222 = arith.constant 0 : i32
    %dma_wait3A_223 = tpu.memref_slice %arg11[%dma_wait3A_221, %dma_wait3A_222] : memref<76x128xi32, #tpu.memory_space<vmem>> -> memref<1x128xi32, #tpu.memory_space<vmem>>
    %dma_wait3A_224 = tpu.memref_squeeze %dma_wait3A_223 : memref<1x128xi32, #tpu.memory_space<vmem>> -> memref<128xi32, #tpu.memory_space<vmem>>
    %dma_wait3A_225 = arith.constant 0 : i32
    %dma_wait3A_226 = tpu.memref_slice %arg15[%dma_wait3A_225] : memref<100352xf32, #tpu.memory_space<vmem_shared>> -> memref<100352xf32, #tpu.memory_space<vmem_shared>>
    tpu.wait_indirect_dma semaphore(%arg17 : memref<!tpu.dma_semaphore, #tpu.memory_space<semaphore_mem>>) src(%arg13 : memref<128xf32, #tpu.memory_space<vmem>>) dst(%dma_wait3A_226 : memref<100352xf32, #tpu.memory_space<vmem_shared>>)
    %dma_wait3A_227 = arith.constant 10 : i32
    %dma_wait3A_228 = arith.constant 0 : i32
    %dma_wait3A_229 = tpu.memref_slice %arg11[%dma_wait3A_227, %dma_wait3A_228] : memref<76x128xi32, #tpu.memory_space<vmem>> -> memref<1x128xi32, #tpu.memory_space<vmem>>
    %dma_wait3A_230 = tpu.memref_squeeze %dma_wait3A_229 : memref<1x128xi32, #tpu.memory_space<vmem>> -> memref<128xi32, #tpu.memory_space<vmem>>
    %dma_wait3A_231 = arith.constant 0 : i32
    %dma_wait3A_232 = tpu.memref_slice %arg15[%dma_wait3A_231] : memref<100352xf32, #tpu.memory_space<vmem_shared>> -> memref<100352xf32, #tpu.memory_space<vmem_shared>>
    tpu.wait_indirect_dma semaphore(%arg17 : memref<!tpu.dma_semaphore, #tpu.memory_space<semaphore_mem>>) src(%arg13 : memref<128xf32, #tpu.memory_space<vmem>>) dst(%dma_wait3A_232 : memref<100352xf32, #tpu.memory_space<vmem_shared>>)
    %dma_wait3A_233 = arith.constant 11 : i32
    %dma_wait3A_234 = arith.constant 0 : i32
    %dma_wait3A_235 = tpu.memref_slice %arg11[%dma_wait3A_233, %dma_wait3A_234] : memref<76x128xi32, #tpu.memory_space<vmem>> -> memref<1x128xi32, #tpu.memory_space<vmem>>
    %dma_wait3A_236 = tpu.memref_squeeze %dma_wait3A_235 : memref<1x128xi32, #tpu.memory_space<vmem>> -> memref<128xi32, #tpu.memory_space<vmem>>
    %dma_wait3A_237 = arith.constant 0 : i32
    %dma_wait3A_238 = tpu.memref_slice %arg15[%dma_wait3A_237] : memref<100352xf32, #tpu.memory_space<vmem_shared>> -> memref<100352xf32, #tpu.memory_space<vmem_shared>>
    tpu.wait_indirect_dma semaphore(%arg17 : memref<!tpu.dma_semaphore, #tpu.memory_space<semaphore_mem>>) src(%arg13 : memref<128xf32, #tpu.memory_space<vmem>>) dst(%dma_wait3A_238 : memref<100352xf32, #tpu.memory_space<vmem_shared>>)
    %dma_wait3A_239 = arith.constant 12 : i32
    %dma_wait3A_240 = arith.constant 0 : i32
    %dma_wait3A_241 = tpu.memref_slice %arg11[%dma_wait3A_239, %dma_wait3A_240] : memref<76x128xi32, #tpu.memory_space<vmem>> -> memref<1x128xi32, #tpu.memory_space<vmem>>
    %dma_wait3A_242 = tpu.memref_squeeze %dma_wait3A_241 : memref<1x128xi32, #tpu.memory_space<vmem>> -> memref<128xi32, #tpu.memory_space<vmem>>
    %dma_wait3A_243 = arith.constant 0 : i32
    %dma_wait3A_244 = tpu.memref_slice %arg15[%dma_wait3A_243] : memref<100352xf32, #tpu.memory_space<vmem_shared>> -> memref<100352xf32, #tpu.memory_space<vmem_shared>>
    tpu.wait_indirect_dma semaphore(%arg17 : memref<!tpu.dma_semaphore, #tpu.memory_space<semaphore_mem>>) src(%arg13 : memref<128xf32, #tpu.memory_space<vmem>>) dst(%dma_wait3A_244 : memref<100352xf32, #tpu.memory_space<vmem_shared>>)
    %dma_wait3A_245 = arith.constant 13 : i32
    %dma_wait3A_246 = arith.constant 0 : i32
    %dma_wait3A_247 = tpu.memref_slice %arg11[%dma_wait3A_245, %dma_wait3A_246] : memref<76x128xi32, #tpu.memory_space<vmem>> -> memref<1x128xi32, #tpu.memory_space<vmem>>
    %dma_wait3A_248 = tpu.memref_squeeze %dma_wait3A_247 : memref<1x128xi32, #tpu.memory_space<vmem>> -> memref<128xi32, #tpu.memory_space<vmem>>
    %dma_wait3A_249 = arith.constant 0 : i32
    %dma_wait3A_250 = tpu.memref_slice %arg15[%dma_wait3A_249] : memref<100352xf32, #tpu.memory_space<vmem_shared>> -> memref<100352xf32, #tpu.memory_space<vmem_shared>>
    tpu.wait_indirect_dma semaphore(%arg17 : memref<!tpu.dma_semaphore, #tpu.memory_space<semaphore_mem>>) src(%arg13 : memref<128xf32, #tpu.memory_space<vmem>>) dst(%dma_wait3A_250 : memref<100352xf32, #tpu.memory_space<vmem_shared>>)
    %dma_wait3A_251 = arith.constant 14 : i32
    %dma_wait3A_252 = arith.constant 0 : i32
    %dma_wait3A_253 = tpu.memref_slice %arg11[%dma_wait3A_251, %dma_wait3A_252] : memref<76x128xi32, #tpu.memory_space<vmem>> -> memref<1x128xi32, #tpu.memory_space<vmem>>
    %dma_wait3A_254 = tpu.memref_squeeze %dma_wait3A_253 : memref<1x128xi32, #tpu.memory_space<vmem>> -> memref<128xi32, #tpu.memory_space<vmem>>
    %dma_wait3A_255 = arith.constant 0 : i32
    %dma_wait3A_256 = tpu.memref_slice %arg15[%dma_wait3A_255] : memref<100352xf32, #tpu.memory_space<vmem_shared>> -> memref<100352xf32, #tpu.memory_space<vmem_shared>>
    tpu.wait_indirect_dma semaphore(%arg17 : memref<!tpu.dma_semaphore, #tpu.memory_space<semaphore_mem>>) src(%arg13 : memref<128xf32, #tpu.memory_space<vmem>>) dst(%dma_wait3A_256 : memref<100352xf32, #tpu.memory_space<vmem_shared>>)
    %dma_wait3A_257 = arith.constant 15 : i32
    %dma_wait3A_258 = arith.constant 0 : i32
    %dma_wait3A_259 = tpu.memref_slice %arg11[%dma_wait3A_257, %dma_wait3A_258] : memref<76x128xi32, #tpu.memory_space<vmem>> -> memref<1x128xi32, #tpu.memory_space<vmem>>
    %dma_wait3A_260 = tpu.memref_squeeze %dma_wait3A_259 : memref<1x128xi32, #tpu.memory_space<vmem>> -> memref<128xi32, #tpu.memory_space<vmem>>
    %dma_wait3A_261 = arith.constant 0 : i32
    %dma_wait3A_262 = tpu.memref_slice %arg15[%dma_wait3A_261] : memref<100352xf32, #tpu.memory_space<vmem_shared>> -> memref<100352xf32, #tpu.memory_space<vmem_shared>>
    tpu.wait_indirect_dma semaphore(%arg17 : memref<!tpu.dma_semaphore, #tpu.memory_space<semaphore_mem>>) src(%arg13 : memref<128xf32, #tpu.memory_space<vmem>>) dst(%dma_wait3A_262 : memref<100352xf32, #tpu.memory_space<vmem_shared>>)
    %dma_wait3A_263 = arith.constant 16 : i32
    %dma_wait3A_264 = arith.constant 0 : i32
    %dma_wait3A_265 = tpu.memref_slice %arg11[%dma_wait3A_263, %dma_wait3A_264] : memref<76x128xi32, #tpu.memory_space<vmem>> -> memref<1x128xi32, #tpu.memory_space<vmem>>
    %dma_wait3A_266 = tpu.memref_squeeze %dma_wait3A_265 : memref<1x128xi32, #tpu.memory_space<vmem>> -> memref<128xi32, #tpu.memory_space<vmem>>
    %dma_wait3A_267 = arith.constant 0 : i32
    %dma_wait3A_268 = tpu.memref_slice %arg15[%dma_wait3A_267] : memref<100352xf32, #tpu.memory_space<vmem_shared>> -> memref<100352xf32, #tpu.memory_space<vmem_shared>>
    tpu.wait_indirect_dma semaphore(%arg17 : memref<!tpu.dma_semaphore, #tpu.memory_space<semaphore_mem>>) src(%arg13 : memref<128xf32, #tpu.memory_space<vmem>>) dst(%dma_wait3A_268 : memref<100352xf32, #tpu.memory_space<vmem_shared>>)
    %dma_wait3A_269 = arith.constant 17 : i32
    %dma_wait3A_270 = arith.constant 0 : i32
    %dma_wait3A_271 = tpu.memref_slice %arg11[%dma_wait3A_269, %dma_wait3A_270] : memref<76x128xi32, #tpu.memory_space<vmem>> -> memref<1x128xi32, #tpu.memory_space<vmem>>
    %dma_wait3A_272 = tpu.memref_squeeze %dma_wait3A_271 : memref<1x128xi32, #tpu.memory_space<vmem>> -> memref<128xi32, #tpu.memory_space<vmem>>
    %dma_wait3A_273 = arith.constant 0 : i32
    %dma_wait3A_274 = tpu.memref_slice %arg15[%dma_wait3A_273] : memref<100352xf32, #tpu.memory_space<vmem_shared>> -> memref<100352xf32, #tpu.memory_space<vmem_shared>>
    tpu.wait_indirect_dma semaphore(%arg17 : memref<!tpu.dma_semaphore, #tpu.memory_space<semaphore_mem>>) src(%arg13 : memref<128xf32, #tpu.memory_space<vmem>>) dst(%dma_wait3A_274 : memref<100352xf32, #tpu.memory_space<vmem_shared>>)
    %dma_wait3A_275 = arith.constant 18 : i32
    %dma_wait3A_276 = arith.constant 0 : i32
    %dma_wait3A_277 = tpu.memref_slice %arg11[%dma_wait3A_275, %dma_wait3A_276] : memref<76x128xi32, #tpu.memory_space<vmem>> -> memref<1x128xi32, #tpu.memory_space<vmem>>
    %dma_wait3A_278 = tpu.memref_squeeze %dma_wait3A_277 : memref<1x128xi32, #tpu.memory_space<vmem>> -> memref<128xi32, #tpu.memory_space<vmem>>
    %dma_wait3A_279 = arith.constant 0 : i32
    %dma_wait3A_280 = tpu.memref_slice %arg15[%dma_wait3A_279] : memref<100352xf32, #tpu.memory_space<vmem_shared>> -> memref<100352xf32, #tpu.memory_space<vmem_shared>>
    tpu.wait_indirect_dma semaphore(%arg17 : memref<!tpu.dma_semaphore, #tpu.memory_space<semaphore_mem>>) src(%arg13 : memref<128xf32, #tpu.memory_space<vmem>>) dst(%dma_wait3A_280 : memref<100352xf32, #tpu.memory_space<vmem_shared>>)
    %dma_start3A_281 = arith.constant 19 : i32
    %dma_start3A_282 = arith.constant 0 : i32
    %dma_start3A_283 = tpu.memref_slice %arg11[%dma_start3A_281, %dma_start3A_282] : memref<76x128xi32, #tpu.memory_space<vmem>> -> memref<1x128xi32, #tpu.memory_space<vmem>>
    %dma_start3A_284 = tpu.memref_squeeze %dma_start3A_283 : memref<1x128xi32, #tpu.memory_space<vmem>> -> memref<128xi32, #tpu.memory_space<vmem>>
    %dma_start3A_285 = arith.constant 0 : i32
    %dma_start3A_286 = tpu.memref_slice %arg15[%dma_start3A_285] : memref<100352xf32, #tpu.memory_space<vmem_shared>> -> memref<100352xf32, #tpu.memory_space<vmem_shared>>
    tpu.enqueue_indirect_dma source(%arg13 : memref<128xf32, #tpu.memory_space<vmem>>) target(%dma_start3A_286 : memref<100352xf32, #tpu.memory_space<vmem_shared>>) offsets(%dma_start3A_284 : memref<128xi32, #tpu.memory_space<vmem>>) semaphore(%arg17 : memref<!tpu.dma_semaphore, #tpu.memory_space<semaphore_mem>>) {add = true}
    %dma_start3A_287 = arith.constant 20 : i32
    %dma_start3A_288 = arith.constant 0 : i32
    %dma_start3A_289 = tpu.memref_slice %arg11[%dma_start3A_287, %dma_start3A_288] : memref<76x128xi32, #tpu.memory_space<vmem>> -> memref<1x128xi32, #tpu.memory_space<vmem>>
    %dma_start3A_290 = tpu.memref_squeeze %dma_start3A_289 : memref<1x128xi32, #tpu.memory_space<vmem>> -> memref<128xi32, #tpu.memory_space<vmem>>
    %dma_start3A_291 = arith.constant 0 : i32
    %dma_start3A_292 = tpu.memref_slice %arg15[%dma_start3A_291] : memref<100352xf32, #tpu.memory_space<vmem_shared>> -> memref<100352xf32, #tpu.memory_space<vmem_shared>>
    tpu.enqueue_indirect_dma source(%arg13 : memref<128xf32, #tpu.memory_space<vmem>>) target(%dma_start3A_292 : memref<100352xf32, #tpu.memory_space<vmem_shared>>) offsets(%dma_start3A_290 : memref<128xi32, #tpu.memory_space<vmem>>) semaphore(%arg17 : memref<!tpu.dma_semaphore, #tpu.memory_space<semaphore_mem>>) {add = true}
    %dma_start3A_293 = arith.constant 21 : i32
    %dma_start3A_294 = arith.constant 0 : i32
    %dma_start3A_295 = tpu.memref_slice %arg11[%dma_start3A_293, %dma_start3A_294] : memref<76x128xi32, #tpu.memory_space<vmem>> -> memref<1x128xi32, #tpu.memory_space<vmem>>
    %dma_start3A_296 = tpu.memref_squeeze %dma_start3A_295 : memref<1x128xi32, #tpu.memory_space<vmem>> -> memref<128xi32, #tpu.memory_space<vmem>>
    %dma_start3A_297 = arith.constant 0 : i32
    %dma_start3A_298 = tpu.memref_slice %arg15[%dma_start3A_297] : memref<100352xf32, #tpu.memory_space<vmem_shared>> -> memref<100352xf32, #tpu.memory_space<vmem_shared>>
    tpu.enqueue_indirect_dma source(%arg13 : memref<128xf32, #tpu.memory_space<vmem>>) target(%dma_start3A_298 : memref<100352xf32, #tpu.memory_space<vmem_shared>>) offsets(%dma_start3A_296 : memref<128xi32, #tpu.memory_space<vmem>>) semaphore(%arg17 : memref<!tpu.dma_semaphore, #tpu.memory_space<semaphore_mem>>) {add = true}
    %dma_start3A_299 = arith.constant 22 : i32
    %dma_start3A_300 = arith.constant 0 : i32
    %dma_start3A_301 = tpu.memref_slice %arg11[%dma_start3A_299, %dma_start3A_300] : memref<76x128xi32, #tpu.memory_space<vmem>> -> memref<1x128xi32, #tpu.memory_space<vmem>>
    %dma_start3A_302 = tpu.memref_squeeze %dma_start3A_301 : memref<1x128xi32, #tpu.memory_space<vmem>> -> memref<128xi32, #tpu.memory_space<vmem>>
    %dma_start3A_303 = arith.constant 0 : i32
    %dma_start3A_304 = tpu.memref_slice %arg15[%dma_start3A_303] : memref<100352xf32, #tpu.memory_space<vmem_shared>> -> memref<100352xf32, #tpu.memory_space<vmem_shared>>
    tpu.enqueue_indirect_dma source(%arg13 : memref<128xf32, #tpu.memory_space<vmem>>) target(%dma_start3A_304 : memref<100352xf32, #tpu.memory_space<vmem_shared>>) offsets(%dma_start3A_302 : memref<128xi32, #tpu.memory_space<vmem>>) semaphore(%arg17 : memref<!tpu.dma_semaphore, #tpu.memory_space<semaphore_mem>>) {add = true}
    %dma_start3A_305 = arith.constant 23 : i32
    %dma_start3A_306 = arith.constant 0 : i32
    %dma_start3A_307 = tpu.memref_slice %arg11[%dma_start3A_305, %dma_start3A_306] : memref<76x128xi32, #tpu.memory_space<vmem>> -> memref<1x128xi32, #tpu.memory_space<vmem>>
    %dma_start3A_308 = tpu.memref_squeeze %dma_start3A_307 : memref<1x128xi32, #tpu.memory_space<vmem>> -> memref<128xi32, #tpu.memory_space<vmem>>
    %dma_start3A_309 = arith.constant 0 : i32
    %dma_start3A_310 = tpu.memref_slice %arg15[%dma_start3A_309] : memref<100352xf32, #tpu.memory_space<vmem_shared>> -> memref<100352xf32, #tpu.memory_space<vmem_shared>>
    tpu.enqueue_indirect_dma source(%arg13 : memref<128xf32, #tpu.memory_space<vmem>>) target(%dma_start3A_310 : memref<100352xf32, #tpu.memory_space<vmem_shared>>) offsets(%dma_start3A_308 : memref<128xi32, #tpu.memory_space<vmem>>) semaphore(%arg17 : memref<!tpu.dma_semaphore, #tpu.memory_space<semaphore_mem>>) {add = true}
    %dma_start3A_311 = arith.constant 24 : i32
    %dma_start3A_312 = arith.constant 0 : i32
    %dma_start3A_313 = tpu.memref_slice %arg11[%dma_start3A_311, %dma_start3A_312] : memref<76x128xi32, #tpu.memory_space<vmem>> -> memref<1x128xi32, #tpu.memory_space<vmem>>
    %dma_start3A_314 = tpu.memref_squeeze %dma_start3A_313 : memref<1x128xi32, #tpu.memory_space<vmem>> -> memref<128xi32, #tpu.memory_space<vmem>>
    %dma_start3A_315 = arith.constant 0 : i32
    %dma_start3A_316 = tpu.memref_slice %arg15[%dma_start3A_315] : memref<100352xf32, #tpu.memory_space<vmem_shared>> -> memref<100352xf32, #tpu.memory_space<vmem_shared>>
    tpu.enqueue_indirect_dma source(%arg13 : memref<128xf32, #tpu.memory_space<vmem>>) target(%dma_start3A_316 : memref<100352xf32, #tpu.memory_space<vmem_shared>>) offsets(%dma_start3A_314 : memref<128xi32, #tpu.memory_space<vmem>>) semaphore(%arg17 : memref<!tpu.dma_semaphore, #tpu.memory_space<semaphore_mem>>) {add = true}
    %dma_start3A_317 = arith.constant 25 : i32
    %dma_start3A_318 = arith.constant 0 : i32
    %dma_start3A_319 = tpu.memref_slice %arg11[%dma_start3A_317, %dma_start3A_318] : memref<76x128xi32, #tpu.memory_space<vmem>> -> memref<1x128xi32, #tpu.memory_space<vmem>>
    %dma_start3A_320 = tpu.memref_squeeze %dma_start3A_319 : memref<1x128xi32, #tpu.memory_space<vmem>> -> memref<128xi32, #tpu.memory_space<vmem>>
    %dma_start3A_321 = arith.constant 0 : i32
    %dma_start3A_322 = tpu.memref_slice %arg15[%dma_start3A_321] : memref<100352xf32, #tpu.memory_space<vmem_shared>> -> memref<100352xf32, #tpu.memory_space<vmem_shared>>
    tpu.enqueue_indirect_dma source(%arg13 : memref<128xf32, #tpu.memory_space<vmem>>) target(%dma_start3A_322 : memref<100352xf32, #tpu.memory_space<vmem_shared>>) offsets(%dma_start3A_320 : memref<128xi32, #tpu.memory_space<vmem>>) semaphore(%arg17 : memref<!tpu.dma_semaphore, #tpu.memory_space<semaphore_mem>>) {add = true}
    %dma_start3A_323 = arith.constant 26 : i32
    %dma_start3A_324 = arith.constant 0 : i32
    %dma_start3A_325 = tpu.memref_slice %arg11[%dma_start3A_323, %dma_start3A_324] : memref<76x128xi32, #tpu.memory_space<vmem>> -> memref<1x128xi32, #tpu.memory_space<vmem>>
    %dma_start3A_326 = tpu.memref_squeeze %dma_start3A_325 : memref<1x128xi32, #tpu.memory_space<vmem>> -> memref<128xi32, #tpu.memory_space<vmem>>
    %dma_start3A_327 = arith.constant 0 : i32
    %dma_start3A_328 = tpu.memref_slice %arg15[%dma_start3A_327] : memref<100352xf32, #tpu.memory_space<vmem_shared>> -> memref<100352xf32, #tpu.memory_space<vmem_shared>>
    tpu.enqueue_indirect_dma source(%arg13 : memref<128xf32, #tpu.memory_space<vmem>>) target(%dma_start3A_328 : memref<100352xf32, #tpu.memory_space<vmem_shared>>) offsets(%dma_start3A_326 : memref<128xi32, #tpu.memory_space<vmem>>) semaphore(%arg17 : memref<!tpu.dma_semaphore, #tpu.memory_space<semaphore_mem>>) {add = true}
    %dma_start3A_329 = arith.constant 27 : i32
    %dma_start3A_330 = arith.constant 0 : i32
    %dma_start3A_331 = tpu.memref_slice %arg11[%dma_start3A_329, %dma_start3A_330] : memref<76x128xi32, #tpu.memory_space<vmem>> -> memref<1x128xi32, #tpu.memory_space<vmem>>
    %dma_start3A_332 = tpu.memref_squeeze %dma_start3A_331 : memref<1x128xi32, #tpu.memory_space<vmem>> -> memref<128xi32, #tpu.memory_space<vmem>>
    %dma_start3A_333 = arith.constant 0 : i32
    %dma_start3A_334 = tpu.memref_slice %arg15[%dma_start3A_333] : memref<100352xf32, #tpu.memory_space<vmem_shared>> -> memref<100352xf32, #tpu.memory_space<vmem_shared>>
    tpu.enqueue_indirect_dma source(%arg13 : memref<128xf32, #tpu.memory_space<vmem>>) target(%dma_start3A_334 : memref<100352xf32, #tpu.memory_space<vmem_shared>>) offsets(%dma_start3A_332 : memref<128xi32, #tpu.memory_space<vmem>>) semaphore(%arg17 : memref<!tpu.dma_semaphore, #tpu.memory_space<semaphore_mem>>) {add = true}
    %dma_start3A_335 = arith.constant 28 : i32
    %dma_start3A_336 = arith.constant 0 : i32
    %dma_start3A_337 = tpu.memref_slice %arg11[%dma_start3A_335, %dma_start3A_336] : memref<76x128xi32, #tpu.memory_space<vmem>> -> memref<1x128xi32, #tpu.memory_space<vmem>>
    %dma_start3A_338 = tpu.memref_squeeze %dma_start3A_337 : memref<1x128xi32, #tpu.memory_space<vmem>> -> memref<128xi32, #tpu.memory_space<vmem>>
    %dma_start3A_339 = arith.constant 0 : i32
    %dma_start3A_340 = tpu.memref_slice %arg15[%dma_start3A_339] : memref<100352xf32, #tpu.memory_space<vmem_shared>> -> memref<100352xf32, #tpu.memory_space<vmem_shared>>
    tpu.enqueue_indirect_dma source(%arg13 : memref<128xf32, #tpu.memory_space<vmem>>) target(%dma_start3A_340 : memref<100352xf32, #tpu.memory_space<vmem_shared>>) offsets(%dma_start3A_338 : memref<128xi32, #tpu.memory_space<vmem>>) semaphore(%arg17 : memref<!tpu.dma_semaphore, #tpu.memory_space<semaphore_mem>>) {add = true}
    %dma_start3A_341 = arith.constant 29 : i32
    %dma_start3A_342 = arith.constant 0 : i32
    %dma_start3A_343 = tpu.memref_slice %arg11[%dma_start3A_341, %dma_start3A_342] : memref<76x128xi32, #tpu.memory_space<vmem>> -> memref<1x128xi32, #tpu.memory_space<vmem>>
    %dma_start3A_344 = tpu.memref_squeeze %dma_start3A_343 : memref<1x128xi32, #tpu.memory_space<vmem>> -> memref<128xi32, #tpu.memory_space<vmem>>
    %dma_start3A_345 = arith.constant 0 : i32
    %dma_start3A_346 = tpu.memref_slice %arg15[%dma_start3A_345] : memref<100352xf32, #tpu.memory_space<vmem_shared>> -> memref<100352xf32, #tpu.memory_space<vmem_shared>>
    tpu.enqueue_indirect_dma source(%arg13 : memref<128xf32, #tpu.memory_space<vmem>>) target(%dma_start3A_346 : memref<100352xf32, #tpu.memory_space<vmem_shared>>) offsets(%dma_start3A_344 : memref<128xi32, #tpu.memory_space<vmem>>) semaphore(%arg17 : memref<!tpu.dma_semaphore, #tpu.memory_space<semaphore_mem>>) {add = true}
    %dma_start3A_347 = arith.constant 30 : i32
    %dma_start3A_348 = arith.constant 0 : i32
    %dma_start3A_349 = tpu.memref_slice %arg11[%dma_start3A_347, %dma_start3A_348] : memref<76x128xi32, #tpu.memory_space<vmem>> -> memref<1x128xi32, #tpu.memory_space<vmem>>
    %dma_start3A_350 = tpu.memref_squeeze %dma_start3A_349 : memref<1x128xi32, #tpu.memory_space<vmem>> -> memref<128xi32, #tpu.memory_space<vmem>>
    %dma_start3A_351 = arith.constant 0 : i32
    %dma_start3A_352 = tpu.memref_slice %arg15[%dma_start3A_351] : memref<100352xf32, #tpu.memory_space<vmem_shared>> -> memref<100352xf32, #tpu.memory_space<vmem_shared>>
    tpu.enqueue_indirect_dma source(%arg13 : memref<128xf32, #tpu.memory_space<vmem>>) target(%dma_start3A_352 : memref<100352xf32, #tpu.memory_space<vmem_shared>>) offsets(%dma_start3A_350 : memref<128xi32, #tpu.memory_space<vmem>>) semaphore(%arg17 : memref<!tpu.dma_semaphore, #tpu.memory_space<semaphore_mem>>) {add = true}
    %dma_start3A_353 = arith.constant 31 : i32
    %dma_start3A_354 = arith.constant 0 : i32
    %dma_start3A_355 = tpu.memref_slice %arg11[%dma_start3A_353, %dma_start3A_354] : memref<76x128xi32, #tpu.memory_space<vmem>> -> memref<1x128xi32, #tpu.memory_space<vmem>>
    %dma_start3A_356 = tpu.memref_squeeze %dma_start3A_355 : memref<1x128xi32, #tpu.memory_space<vmem>> -> memref<128xi32, #tpu.memory_space<vmem>>
    %dma_start3A_357 = arith.constant 0 : i32
    %dma_start3A_358 = tpu.memref_slice %arg15[%dma_start3A_357] : memref<100352xf32, #tpu.memory_space<vmem_shared>> -> memref<100352xf32, #tpu.memory_space<vmem_shared>>
    tpu.enqueue_indirect_dma source(%arg13 : memref<128xf32, #tpu.memory_space<vmem>>) target(%dma_start3A_358 : memref<100352xf32, #tpu.memory_space<vmem_shared>>) offsets(%dma_start3A_356 : memref<128xi32, #tpu.memory_space<vmem>>) semaphore(%arg17 : memref<!tpu.dma_semaphore, #tpu.memory_space<semaphore_mem>>) {add = true}
    %dma_start3A_359 = arith.constant 32 : i32
    %dma_start3A_360 = arith.constant 0 : i32
    %dma_start3A_361 = tpu.memref_slice %arg11[%dma_start3A_359, %dma_start3A_360] : memref<76x128xi32, #tpu.memory_space<vmem>> -> memref<1x128xi32, #tpu.memory_space<vmem>>
    %dma_start3A_362 = tpu.memref_squeeze %dma_start3A_361 : memref<1x128xi32, #tpu.memory_space<vmem>> -> memref<128xi32, #tpu.memory_space<vmem>>
    %dma_start3A_363 = arith.constant 0 : i32
    %dma_start3A_364 = tpu.memref_slice %arg15[%dma_start3A_363] : memref<100352xf32, #tpu.memory_space<vmem_shared>> -> memref<100352xf32, #tpu.memory_space<vmem_shared>>
    tpu.enqueue_indirect_dma source(%arg13 : memref<128xf32, #tpu.memory_space<vmem>>) target(%dma_start3A_364 : memref<100352xf32, #tpu.memory_space<vmem_shared>>) offsets(%dma_start3A_362 : memref<128xi32, #tpu.memory_space<vmem>>) semaphore(%arg17 : memref<!tpu.dma_semaphore, #tpu.memory_space<semaphore_mem>>) {add = true}
    %dma_start3A_365 = arith.constant 33 : i32
    %dma_start3A_366 = arith.constant 0 : i32
    %dma_start3A_367 = tpu.memref_slice %arg11[%dma_start3A_365, %dma_start3A_366] : memref<76x128xi32, #tpu.memory_space<vmem>> -> memref<1x128xi32, #tpu.memory_space<vmem>>
    %dma_start3A_368 = tpu.memref_squeeze %dma_start3A_367 : memref<1x128xi32, #tpu.memory_space<vmem>> -> memref<128xi32, #tpu.memory_space<vmem>>
    %dma_start3A_369 = arith.constant 0 : i32
    %dma_start3A_370 = tpu.memref_slice %arg15[%dma_start3A_369] : memref<100352xf32, #tpu.memory_space<vmem_shared>> -> memref<100352xf32, #tpu.memory_space<vmem_shared>>
    tpu.enqueue_indirect_dma source(%arg13 : memref<128xf32, #tpu.memory_space<vmem>>) target(%dma_start3A_370 : memref<100352xf32, #tpu.memory_space<vmem_shared>>) offsets(%dma_start3A_368 : memref<128xi32, #tpu.memory_space<vmem>>) semaphore(%arg17 : memref<!tpu.dma_semaphore, #tpu.memory_space<semaphore_mem>>) {add = true}
    %dma_start3A_371 = arith.constant 34 : i32
    %dma_start3A_372 = arith.constant 0 : i32
    %dma_start3A_373 = tpu.memref_slice %arg11[%dma_start3A_371, %dma_start3A_372] : memref<76x128xi32, #tpu.memory_space<vmem>> -> memref<1x128xi32, #tpu.memory_space<vmem>>
    %dma_start3A_374 = tpu.memref_squeeze %dma_start3A_373 : memref<1x128xi32, #tpu.memory_space<vmem>> -> memref<128xi32, #tpu.memory_space<vmem>>
    %dma_start3A_375 = arith.constant 0 : i32
    %dma_start3A_376 = tpu.memref_slice %arg15[%dma_start3A_375] : memref<100352xf32, #tpu.memory_space<vmem_shared>> -> memref<100352xf32, #tpu.memory_space<vmem_shared>>
    tpu.enqueue_indirect_dma source(%arg13 : memref<128xf32, #tpu.memory_space<vmem>>) target(%dma_start3A_376 : memref<100352xf32, #tpu.memory_space<vmem_shared>>) offsets(%dma_start3A_374 : memref<128xi32, #tpu.memory_space<vmem>>) semaphore(%arg17 : memref<!tpu.dma_semaphore, #tpu.memory_space<semaphore_mem>>) {add = true}
    %dma_start3A_377 = arith.constant 35 : i32
    %dma_start3A_378 = arith.constant 0 : i32
    %dma_start3A_379 = tpu.memref_slice %arg11[%dma_start3A_377, %dma_start3A_378] : memref<76x128xi32, #tpu.memory_space<vmem>> -> memref<1x128xi32, #tpu.memory_space<vmem>>
    %dma_start3A_380 = tpu.memref_squeeze %dma_start3A_379 : memref<1x128xi32, #tpu.memory_space<vmem>> -> memref<128xi32, #tpu.memory_space<vmem>>
    %dma_start3A_381 = arith.constant 0 : i32
    %dma_start3A_382 = tpu.memref_slice %arg15[%dma_start3A_381] : memref<100352xf32, #tpu.memory_space<vmem_shared>> -> memref<100352xf32, #tpu.memory_space<vmem_shared>>
    tpu.enqueue_indirect_dma source(%arg13 : memref<128xf32, #tpu.memory_space<vmem>>) target(%dma_start3A_382 : memref<100352xf32, #tpu.memory_space<vmem_shared>>) offsets(%dma_start3A_380 : memref<128xi32, #tpu.memory_space<vmem>>) semaphore(%arg17 : memref<!tpu.dma_semaphore, #tpu.memory_space<semaphore_mem>>) {add = true}
    %dma_start3A_383 = arith.constant 36 : i32
    %dma_start3A_384 = arith.constant 0 : i32
    %dma_start3A_385 = tpu.memref_slice %arg11[%dma_start3A_383, %dma_start3A_384] : memref<76x128xi32, #tpu.memory_space<vmem>> -> memref<1x128xi32, #tpu.memory_space<vmem>>
    %dma_start3A_386 = tpu.memref_squeeze %dma_start3A_385 : memref<1x128xi32, #tpu.memory_space<vmem>> -> memref<128xi32, #tpu.memory_space<vmem>>
    %dma_start3A_387 = arith.constant 0 : i32
    %dma_start3A_388 = tpu.memref_slice %arg15[%dma_start3A_387] : memref<100352xf32, #tpu.memory_space<vmem_shared>> -> memref<100352xf32, #tpu.memory_space<vmem_shared>>
    tpu.enqueue_indirect_dma source(%arg13 : memref<128xf32, #tpu.memory_space<vmem>>) target(%dma_start3A_388 : memref<100352xf32, #tpu.memory_space<vmem_shared>>) offsets(%dma_start3A_386 : memref<128xi32, #tpu.memory_space<vmem>>) semaphore(%arg17 : memref<!tpu.dma_semaphore, #tpu.memory_space<semaphore_mem>>) {add = true}
    %dma_start3A_389 = arith.constant 37 : i32
    %dma_start3A_390 = arith.constant 0 : i32
    %dma_start3A_391 = tpu.memref_slice %arg11[%dma_start3A_389, %dma_start3A_390] : memref<76x128xi32, #tpu.memory_space<vmem>> -> memref<1x128xi32, #tpu.memory_space<vmem>>
    %dma_start3A_392 = tpu.memref_squeeze %dma_start3A_391 : memref<1x128xi32, #tpu.memory_space<vmem>> -> memref<128xi32, #tpu.memory_space<vmem>>
    %dma_start3A_393 = arith.constant 0 : i32
    %dma_start3A_394 = tpu.memref_slice %arg15[%dma_start3A_393] : memref<100352xf32, #tpu.memory_space<vmem_shared>> -> memref<100352xf32, #tpu.memory_space<vmem_shared>>
    tpu.enqueue_indirect_dma source(%arg13 : memref<128xf32, #tpu.memory_space<vmem>>) target(%dma_start3A_394 : memref<100352xf32, #tpu.memory_space<vmem_shared>>) offsets(%dma_start3A_392 : memref<128xi32, #tpu.memory_space<vmem>>) semaphore(%arg17 : memref<!tpu.dma_semaphore, #tpu.memory_space<semaphore_mem>>) {add = true}
    %dma_wait3A_395 = arith.constant 19 : i32
    %dma_wait3A_396 = arith.constant 0 : i32
    %dma_wait3A_397 = tpu.memref_slice %arg11[%dma_wait3A_395, %dma_wait3A_396] : memref<76x128xi32, #tpu.memory_space<vmem>> -> memref<1x128xi32, #tpu.memory_space<vmem>>
    %dma_wait3A_398 = tpu.memref_squeeze %dma_wait3A_397 : memref<1x128xi32, #tpu.memory_space<vmem>> -> memref<128xi32, #tpu.memory_space<vmem>>
    %dma_wait3A_399 = arith.constant 0 : i32
    %dma_wait3A_400 = tpu.memref_slice %arg15[%dma_wait3A_399] : memref<100352xf32, #tpu.memory_space<vmem_shared>> -> memref<100352xf32, #tpu.memory_space<vmem_shared>>
    tpu.wait_indirect_dma semaphore(%arg17 : memref<!tpu.dma_semaphore, #tpu.memory_space<semaphore_mem>>) src(%arg13 : memref<128xf32, #tpu.memory_space<vmem>>) dst(%dma_wait3A_400 : memref<100352xf32, #tpu.memory_space<vmem_shared>>)
    %dma_wait3A_401 = arith.constant 20 : i32
    %dma_wait3A_402 = arith.constant 0 : i32
    %dma_wait3A_403 = tpu.memref_slice %arg11[%dma_wait3A_401, %dma_wait3A_402] : memref<76x128xi32, #tpu.memory_space<vmem>> -> memref<1x128xi32, #tpu.memory_space<vmem>>
    %dma_wait3A_404 = tpu.memref_squeeze %dma_wait3A_403 : memref<1x128xi32, #tpu.memory_space<vmem>> -> memref<128xi32, #tpu.memory_space<vmem>>
    %dma_wait3A_405 = arith.constant 0 : i32
    %dma_wait3A_406 = tpu.memref_slice %arg15[%dma_wait3A_405] : memref<100352xf32, #tpu.memory_space<vmem_shared>> -> memref<100352xf32, #tpu.memory_space<vmem_shared>>
    tpu.wait_indirect_dma semaphore(%arg17 : memref<!tpu.dma_semaphore, #tpu.memory_space<semaphore_mem>>) src(%arg13 : memref<128xf32, #tpu.memory_space<vmem>>) dst(%dma_wait3A_406 : memref<100352xf32, #tpu.memory_space<vmem_shared>>)
    %dma_wait3A_407 = arith.constant 21 : i32
    %dma_wait3A_408 = arith.constant 0 : i32
    %dma_wait3A_409 = tpu.memref_slice %arg11[%dma_wait3A_407, %dma_wait3A_408] : memref<76x128xi32, #tpu.memory_space<vmem>> -> memref<1x128xi32, #tpu.memory_space<vmem>>
    %dma_wait3A_410 = tpu.memref_squeeze %dma_wait3A_409 : memref<1x128xi32, #tpu.memory_space<vmem>> -> memref<128xi32, #tpu.memory_space<vmem>>
    %dma_wait3A_411 = arith.constant 0 : i32
    %dma_wait3A_412 = tpu.memref_slice %arg15[%dma_wait3A_411] : memref<100352xf32, #tpu.memory_space<vmem_shared>> -> memref<100352xf32, #tpu.memory_space<vmem_shared>>
    tpu.wait_indirect_dma semaphore(%arg17 : memref<!tpu.dma_semaphore, #tpu.memory_space<semaphore_mem>>) src(%arg13 : memref<128xf32, #tpu.memory_space<vmem>>) dst(%dma_wait3A_412 : memref<100352xf32, #tpu.memory_space<vmem_shared>>)
    %dma_wait3A_413 = arith.constant 22 : i32
    %dma_wait3A_414 = arith.constant 0 : i32
    %dma_wait3A_415 = tpu.memref_slice %arg11[%dma_wait3A_413, %dma_wait3A_414] : memref<76x128xi32, #tpu.memory_space<vmem>> -> memref<1x128xi32, #tpu.memory_space<vmem>>
    %dma_wait3A_416 = tpu.memref_squeeze %dma_wait3A_415 : memref<1x128xi32, #tpu.memory_space<vmem>> -> memref<128xi32, #tpu.memory_space<vmem>>
    %dma_wait3A_417 = arith.constant 0 : i32
    %dma_wait3A_418 = tpu.memref_slice %arg15[%dma_wait3A_417] : memref<100352xf32, #tpu.memory_space<vmem_shared>> -> memref<100352xf32, #tpu.memory_space<vmem_shared>>
    tpu.wait_indirect_dma semaphore(%arg17 : memref<!tpu.dma_semaphore, #tpu.memory_space<semaphore_mem>>) src(%arg13 : memref<128xf32, #tpu.memory_space<vmem>>) dst(%dma_wait3A_418 : memref<100352xf32, #tpu.memory_space<vmem_shared>>)
    %dma_wait3A_419 = arith.constant 23 : i32
    %dma_wait3A_420 = arith.constant 0 : i32
    %dma_wait3A_421 = tpu.memref_slice %arg11[%dma_wait3A_419, %dma_wait3A_420] : memref<76x128xi32, #tpu.memory_space<vmem>> -> memref<1x128xi32, #tpu.memory_space<vmem>>
    %dma_wait3A_422 = tpu.memref_squeeze %dma_wait3A_421 : memref<1x128xi32, #tpu.memory_space<vmem>> -> memref<128xi32, #tpu.memory_space<vmem>>
    %dma_wait3A_423 = arith.constant 0 : i32
    %dma_wait3A_424 = tpu.memref_slice %arg15[%dma_wait3A_423] : memref<100352xf32, #tpu.memory_space<vmem_shared>> -> memref<100352xf32, #tpu.memory_space<vmem_shared>>
    tpu.wait_indirect_dma semaphore(%arg17 : memref<!tpu.dma_semaphore, #tpu.memory_space<semaphore_mem>>) src(%arg13 : memref<128xf32, #tpu.memory_space<vmem>>) dst(%dma_wait3A_424 : memref<100352xf32, #tpu.memory_space<vmem_shared>>)
    %dma_wait3A_425 = arith.constant 24 : i32
    %dma_wait3A_426 = arith.constant 0 : i32
    %dma_wait3A_427 = tpu.memref_slice %arg11[%dma_wait3A_425, %dma_wait3A_426] : memref<76x128xi32, #tpu.memory_space<vmem>> -> memref<1x128xi32, #tpu.memory_space<vmem>>
    %dma_wait3A_428 = tpu.memref_squeeze %dma_wait3A_427 : memref<1x128xi32, #tpu.memory_space<vmem>> -> memref<128xi32, #tpu.memory_space<vmem>>
    %dma_wait3A_429 = arith.constant 0 : i32
    %dma_wait3A_430 = tpu.memref_slice %arg15[%dma_wait3A_429] : memref<100352xf32, #tpu.memory_space<vmem_shared>> -> memref<100352xf32, #tpu.memory_space<vmem_shared>>
    tpu.wait_indirect_dma semaphore(%arg17 : memref<!tpu.dma_semaphore, #tpu.memory_space<semaphore_mem>>) src(%arg13 : memref<128xf32, #tpu.memory_space<vmem>>) dst(%dma_wait3A_430 : memref<100352xf32, #tpu.memory_space<vmem_shared>>)
    %dma_wait3A_431 = arith.constant 25 : i32
    %dma_wait3A_432 = arith.constant 0 : i32
    %dma_wait3A_433 = tpu.memref_slice %arg11[%dma_wait3A_431, %dma_wait3A_432] : memref<76x128xi32, #tpu.memory_space<vmem>> -> memref<1x128xi32, #tpu.memory_space<vmem>>
    %dma_wait3A_434 = tpu.memref_squeeze %dma_wait3A_433 : memref<1x128xi32, #tpu.memory_space<vmem>> -> memref<128xi32, #tpu.memory_space<vmem>>
    %dma_wait3A_435 = arith.constant 0 : i32
    %dma_wait3A_436 = tpu.memref_slice %arg15[%dma_wait3A_435] : memref<100352xf32, #tpu.memory_space<vmem_shared>> -> memref<100352xf32, #tpu.memory_space<vmem_shared>>
    tpu.wait_indirect_dma semaphore(%arg17 : memref<!tpu.dma_semaphore, #tpu.memory_space<semaphore_mem>>) src(%arg13 : memref<128xf32, #tpu.memory_space<vmem>>) dst(%dma_wait3A_436 : memref<100352xf32, #tpu.memory_space<vmem_shared>>)
    %dma_wait3A_437 = arith.constant 26 : i32
    %dma_wait3A_438 = arith.constant 0 : i32
    %dma_wait3A_439 = tpu.memref_slice %arg11[%dma_wait3A_437, %dma_wait3A_438] : memref<76x128xi32, #tpu.memory_space<vmem>> -> memref<1x128xi32, #tpu.memory_space<vmem>>
    %dma_wait3A_440 = tpu.memref_squeeze %dma_wait3A_439 : memref<1x128xi32, #tpu.memory_space<vmem>> -> memref<128xi32, #tpu.memory_space<vmem>>
    %dma_wait3A_441 = arith.constant 0 : i32
    %dma_wait3A_442 = tpu.memref_slice %arg15[%dma_wait3A_441] : memref<100352xf32, #tpu.memory_space<vmem_shared>> -> memref<100352xf32, #tpu.memory_space<vmem_shared>>
    tpu.wait_indirect_dma semaphore(%arg17 : memref<!tpu.dma_semaphore, #tpu.memory_space<semaphore_mem>>) src(%arg13 : memref<128xf32, #tpu.memory_space<vmem>>) dst(%dma_wait3A_442 : memref<100352xf32, #tpu.memory_space<vmem_shared>>)
    %dma_wait3A_443 = arith.constant 27 : i32
    %dma_wait3A_444 = arith.constant 0 : i32
    %dma_wait3A_445 = tpu.memref_slice %arg11[%dma_wait3A_443, %dma_wait3A_444] : memref<76x128xi32, #tpu.memory_space<vmem>> -> memref<1x128xi32, #tpu.memory_space<vmem>>
    %dma_wait3A_446 = tpu.memref_squeeze %dma_wait3A_445 : memref<1x128xi32, #tpu.memory_space<vmem>> -> memref<128xi32, #tpu.memory_space<vmem>>
    %dma_wait3A_447 = arith.constant 0 : i32
    %dma_wait3A_448 = tpu.memref_slice %arg15[%dma_wait3A_447] : memref<100352xf32, #tpu.memory_space<vmem_shared>> -> memref<100352xf32, #tpu.memory_space<vmem_shared>>
    tpu.wait_indirect_dma semaphore(%arg17 : memref<!tpu.dma_semaphore, #tpu.memory_space<semaphore_mem>>) src(%arg13 : memref<128xf32, #tpu.memory_space<vmem>>) dst(%dma_wait3A_448 : memref<100352xf32, #tpu.memory_space<vmem_shared>>)
    %dma_wait3A_449 = arith.constant 28 : i32
    %dma_wait3A_450 = arith.constant 0 : i32
    %dma_wait3A_451 = tpu.memref_slice %arg11[%dma_wait3A_449, %dma_wait3A_450] : memref<76x128xi32, #tpu.memory_space<vmem>> -> memref<1x128xi32, #tpu.memory_space<vmem>>
    %dma_wait3A_452 = tpu.memref_squeeze %dma_wait3A_451 : memref<1x128xi32, #tpu.memory_space<vmem>> -> memref<128xi32, #tpu.memory_space<vmem>>
    %dma_wait3A_453 = arith.constant 0 : i32
    %dma_wait3A_454 = tpu.memref_slice %arg15[%dma_wait3A_453] : memref<100352xf32, #tpu.memory_space<vmem_shared>> -> memref<100352xf32, #tpu.memory_space<vmem_shared>>
    tpu.wait_indirect_dma semaphore(%arg17 : memref<!tpu.dma_semaphore, #tpu.memory_space<semaphore_mem>>) src(%arg13 : memref<128xf32, #tpu.memory_space<vmem>>) dst(%dma_wait3A_454 : memref<100352xf32, #tpu.memory_space<vmem_shared>>)
    %dma_wait3A_455 = arith.constant 29 : i32
    %dma_wait3A_456 = arith.constant 0 : i32
    %dma_wait3A_457 = tpu.memref_slice %arg11[%dma_wait3A_455, %dma_wait3A_456] : memref<76x128xi32, #tpu.memory_space<vmem>> -> memref<1x128xi32, #tpu.memory_space<vmem>>
    %dma_wait3A_458 = tpu.memref_squeeze %dma_wait3A_457 : memref<1x128xi32, #tpu.memory_space<vmem>> -> memref<128xi32, #tpu.memory_space<vmem>>
    %dma_wait3A_459 = arith.constant 0 : i32
    %dma_wait3A_460 = tpu.memref_slice %arg15[%dma_wait3A_459] : memref<100352xf32, #tpu.memory_space<vmem_shared>> -> memref<100352xf32, #tpu.memory_space<vmem_shared>>
    tpu.wait_indirect_dma semaphore(%arg17 : memref<!tpu.dma_semaphore, #tpu.memory_space<semaphore_mem>>) src(%arg13 : memref<128xf32, #tpu.memory_space<vmem>>) dst(%dma_wait3A_460 : memref<100352xf32, #tpu.memory_space<vmem_shared>>)
    %dma_wait3A_461 = arith.constant 30 : i32
    %dma_wait3A_462 = arith.constant 0 : i32
    %dma_wait3A_463 = tpu.memref_slice %arg11[%dma_wait3A_461, %dma_wait3A_462] : memref<76x128xi32, #tpu.memory_space<vmem>> -> memref<1x128xi32, #tpu.memory_space<vmem>>
    %dma_wait3A_464 = tpu.memref_squeeze %dma_wait3A_463 : memref<1x128xi32, #tpu.memory_space<vmem>> -> memref<128xi32, #tpu.memory_space<vmem>>
    %dma_wait3A_465 = arith.constant 0 : i32
    %dma_wait3A_466 = tpu.memref_slice %arg15[%dma_wait3A_465] : memref<100352xf32, #tpu.memory_space<vmem_shared>> -> memref<100352xf32, #tpu.memory_space<vmem_shared>>
    tpu.wait_indirect_dma semaphore(%arg17 : memref<!tpu.dma_semaphore, #tpu.memory_space<semaphore_mem>>) src(%arg13 : memref<128xf32, #tpu.memory_space<vmem>>) dst(%dma_wait3A_466 : memref<100352xf32, #tpu.memory_space<vmem_shared>>)
    %dma_wait3A_467 = arith.constant 31 : i32
    %dma_wait3A_468 = arith.constant 0 : i32
    %dma_wait3A_469 = tpu.memref_slice %arg11[%dma_wait3A_467, %dma_wait3A_468] : memref<76x128xi32, #tpu.memory_space<vmem>> -> memref<1x128xi32, #tpu.memory_space<vmem>>
    %dma_wait3A_470 = tpu.memref_squeeze %dma_wait3A_469 : memref<1x128xi32, #tpu.memory_space<vmem>> -> memref<128xi32, #tpu.memory_space<vmem>>
    %dma_wait3A_471 = arith.constant 0 : i32
    %dma_wait3A_472 = tpu.memref_slice %arg15[%dma_wait3A_471] : memref<100352xf32, #tpu.memory_space<vmem_shared>> -> memref<100352xf32, #tpu.memory_space<vmem_shared>>
    tpu.wait_indirect_dma semaphore(%arg17 : memref<!tpu.dma_semaphore, #tpu.memory_space<semaphore_mem>>) src(%arg13 : memref<128xf32, #tpu.memory_space<vmem>>) dst(%dma_wait3A_472 : memref<100352xf32, #tpu.memory_space<vmem_shared>>)
    %dma_wait3A_473 = arith.constant 32 : i32
    %dma_wait3A_474 = arith.constant 0 : i32
    %dma_wait3A_475 = tpu.memref_slice %arg11[%dma_wait3A_473, %dma_wait3A_474] : memref<76x128xi32, #tpu.memory_space<vmem>> -> memref<1x128xi32, #tpu.memory_space<vmem>>
    %dma_wait3A_476 = tpu.memref_squeeze %dma_wait3A_475 : memref<1x128xi32, #tpu.memory_space<vmem>> -> memref<128xi32, #tpu.memory_space<vmem>>
    %dma_wait3A_477 = arith.constant 0 : i32
    %dma_wait3A_478 = tpu.memref_slice %arg15[%dma_wait3A_477] : memref<100352xf32, #tpu.memory_space<vmem_shared>> -> memref<100352xf32, #tpu.memory_space<vmem_shared>>
    tpu.wait_indirect_dma semaphore(%arg17 : memref<!tpu.dma_semaphore, #tpu.memory_space<semaphore_mem>>) src(%arg13 : memref<128xf32, #tpu.memory_space<vmem>>) dst(%dma_wait3A_478 : memref<100352xf32, #tpu.memory_space<vmem_shared>>)
    %dma_wait3A_479 = arith.constant 33 : i32
    %dma_wait3A_480 = arith.constant 0 : i32
    %dma_wait3A_481 = tpu.memref_slice %arg11[%dma_wait3A_479, %dma_wait3A_480] : memref<76x128xi32, #tpu.memory_space<vmem>> -> memref<1x128xi32, #tpu.memory_space<vmem>>
    %dma_wait3A_482 = tpu.memref_squeeze %dma_wait3A_481 : memref<1x128xi32, #tpu.memory_space<vmem>> -> memref<128xi32, #tpu.memory_space<vmem>>
    %dma_wait3A_483 = arith.constant 0 : i32
    %dma_wait3A_484 = tpu.memref_slice %arg15[%dma_wait3A_483] : memref<100352xf32, #tpu.memory_space<vmem_shared>> -> memref<100352xf32, #tpu.memory_space<vmem_shared>>
    tpu.wait_indirect_dma semaphore(%arg17 : memref<!tpu.dma_semaphore, #tpu.memory_space<semaphore_mem>>) src(%arg13 : memref<128xf32, #tpu.memory_space<vmem>>) dst(%dma_wait3A_484 : memref<100352xf32, #tpu.memory_space<vmem_shared>>)
    %dma_wait3A_485 = arith.constant 34 : i32
    %dma_wait3A_486 = arith.constant 0 : i32
    %dma_wait3A_487 = tpu.memref_slice %arg11[%dma_wait3A_485, %dma_wait3A_486] : memref<76x128xi32, #tpu.memory_space<vmem>> -> memref<1x128xi32, #tpu.memory_space<vmem>>
    %dma_wait3A_488 = tpu.memref_squeeze %dma_wait3A_487 : memref<1x128xi32, #tpu.memory_space<vmem>> -> memref<128xi32, #tpu.memory_space<vmem>>
    %dma_wait3A_489 = arith.constant 0 : i32
    %dma_wait3A_490 = tpu.memref_slice %arg15[%dma_wait3A_489] : memref<100352xf32, #tpu.memory_space<vmem_shared>> -> memref<100352xf32, #tpu.memory_space<vmem_shared>>
    tpu.wait_indirect_dma semaphore(%arg17 : memref<!tpu.dma_semaphore, #tpu.memory_space<semaphore_mem>>) src(%arg13 : memref<128xf32, #tpu.memory_space<vmem>>) dst(%dma_wait3A_490 : memref<100352xf32, #tpu.memory_space<vmem_shared>>)
    %dma_wait3A_491 = arith.constant 35 : i32
    %dma_wait3A_492 = arith.constant 0 : i32
    %dma_wait3A_493 = tpu.memref_slice %arg11[%dma_wait3A_491, %dma_wait3A_492] : memref<76x128xi32, #tpu.memory_space<vmem>> -> memref<1x128xi32, #tpu.memory_space<vmem>>
    %dma_wait3A_494 = tpu.memref_squeeze %dma_wait3A_493 : memref<1x128xi32, #tpu.memory_space<vmem>> -> memref<128xi32, #tpu.memory_space<vmem>>
    %dma_wait3A_495 = arith.constant 0 : i32
    %dma_wait3A_496 = tpu.memref_slice %arg15[%dma_wait3A_495] : memref<100352xf32, #tpu.memory_space<vmem_shared>> -> memref<100352xf32, #tpu.memory_space<vmem_shared>>
    tpu.wait_indirect_dma semaphore(%arg17 : memref<!tpu.dma_semaphore, #tpu.memory_space<semaphore_mem>>) src(%arg13 : memref<128xf32, #tpu.memory_space<vmem>>) dst(%dma_wait3A_496 : memref<100352xf32, #tpu.memory_space<vmem_shared>>)
    %dma_wait3A_497 = arith.constant 36 : i32
    %dma_wait3A_498 = arith.constant 0 : i32
    %dma_wait3A_499 = tpu.memref_slice %arg11[%dma_wait3A_497, %dma_wait3A_498] : memref<76x128xi32, #tpu.memory_space<vmem>> -> memref<1x128xi32, #tpu.memory_space<vmem>>
    %dma_wait3A_500 = tpu.memref_squeeze %dma_wait3A_499 : memref<1x128xi32, #tpu.memory_space<vmem>> -> memref<128xi32, #tpu.memory_space<vmem>>
    %dma_wait3A_501 = arith.constant 0 : i32
    %dma_wait3A_502 = tpu.memref_slice %arg15[%dma_wait3A_501] : memref<100352xf32, #tpu.memory_space<vmem_shared>> -> memref<100352xf32, #tpu.memory_space<vmem_shared>>
    tpu.wait_indirect_dma semaphore(%arg17 : memref<!tpu.dma_semaphore, #tpu.memory_space<semaphore_mem>>) src(%arg13 : memref<128xf32, #tpu.memory_space<vmem>>) dst(%dma_wait3A_502 : memref<100352xf32, #tpu.memory_space<vmem_shared>>)
    %dma_wait3A_503 = arith.constant 37 : i32
    %dma_wait3A_504 = arith.constant 0 : i32
    %dma_wait3A_505 = tpu.memref_slice %arg11[%dma_wait3A_503, %dma_wait3A_504] : memref<76x128xi32, #tpu.memory_space<vmem>> -> memref<1x128xi32, #tpu.memory_space<vmem>>
    %dma_wait3A_506 = tpu.memref_squeeze %dma_wait3A_505 : memref<1x128xi32, #tpu.memory_space<vmem>> -> memref<128xi32, #tpu.memory_space<vmem>>
    %dma_wait3A_507 = arith.constant 0 : i32
    %dma_wait3A_508 = tpu.memref_slice %arg15[%dma_wait3A_507] : memref<100352xf32, #tpu.memory_space<vmem_shared>> -> memref<100352xf32, #tpu.memory_space<vmem_shared>>
    tpu.wait_indirect_dma semaphore(%arg17 : memref<!tpu.dma_semaphore, #tpu.memory_space<semaphore_mem>>) src(%arg13 : memref<128xf32, #tpu.memory_space<vmem>>) dst(%dma_wait3A_508 : memref<100352xf32, #tpu.memory_space<vmem_shared>>)
    %dma_start3A_509 = arith.constant 38 : i32
    %dma_start3A_510 = arith.constant 0 : i32
    %dma_start3A_511 = tpu.memref_slice %arg11[%dma_start3A_509, %dma_start3A_510] : memref<76x128xi32, #tpu.memory_space<vmem>> -> memref<1x128xi32, #tpu.memory_space<vmem>>
    %dma_start3A_512 = tpu.memref_squeeze %dma_start3A_511 : memref<1x128xi32, #tpu.memory_space<vmem>> -> memref<128xi32, #tpu.memory_space<vmem>>
    %dma_start3A_513 = arith.constant 0 : i32
    %dma_start3A_514 = tpu.memref_slice %arg15[%dma_start3A_513] : memref<100352xf32, #tpu.memory_space<vmem_shared>> -> memref<100352xf32, #tpu.memory_space<vmem_shared>>
    tpu.enqueue_indirect_dma source(%arg13 : memref<128xf32, #tpu.memory_space<vmem>>) target(%dma_start3A_514 : memref<100352xf32, #tpu.memory_space<vmem_shared>>) offsets(%dma_start3A_512 : memref<128xi32, #tpu.memory_space<vmem>>) semaphore(%arg17 : memref<!tpu.dma_semaphore, #tpu.memory_space<semaphore_mem>>) {add = true}
    %dma_start3A_515 = arith.constant 39 : i32
    %dma_start3A_516 = arith.constant 0 : i32
    %dma_start3A_517 = tpu.memref_slice %arg11[%dma_start3A_515, %dma_start3A_516] : memref<76x128xi32, #tpu.memory_space<vmem>> -> memref<1x128xi32, #tpu.memory_space<vmem>>
    %dma_start3A_518 = tpu.memref_squeeze %dma_start3A_517 : memref<1x128xi32, #tpu.memory_space<vmem>> -> memref<128xi32, #tpu.memory_space<vmem>>
    %dma_start3A_519 = arith.constant 0 : i32
    %dma_start3A_520 = tpu.memref_slice %arg15[%dma_start3A_519] : memref<100352xf32, #tpu.memory_space<vmem_shared>> -> memref<100352xf32, #tpu.memory_space<vmem_shared>>
    tpu.enqueue_indirect_dma source(%arg13 : memref<128xf32, #tpu.memory_space<vmem>>) target(%dma_start3A_520 : memref<100352xf32, #tpu.memory_space<vmem_shared>>) offsets(%dma_start3A_518 : memref<128xi32, #tpu.memory_space<vmem>>) semaphore(%arg17 : memref<!tpu.dma_semaphore, #tpu.memory_space<semaphore_mem>>) {add = true}
    %dma_start3A_521 = arith.constant 40 : i32
    %dma_start3A_522 = arith.constant 0 : i32
    %dma_start3A_523 = tpu.memref_slice %arg11[%dma_start3A_521, %dma_start3A_522] : memref<76x128xi32, #tpu.memory_space<vmem>> -> memref<1x128xi32, #tpu.memory_space<vmem>>
    %dma_start3A_524 = tpu.memref_squeeze %dma_start3A_523 : memref<1x128xi32, #tpu.memory_space<vmem>> -> memref<128xi32, #tpu.memory_space<vmem>>
    %dma_start3A_525 = arith.constant 0 : i32
    %dma_start3A_526 = tpu.memref_slice %arg15[%dma_start3A_525] : memref<100352xf32, #tpu.memory_space<vmem_shared>> -> memref<100352xf32, #tpu.memory_space<vmem_shared>>
    tpu.enqueue_indirect_dma source(%arg13 : memref<128xf32, #tpu.memory_space<vmem>>) target(%dma_start3A_526 : memref<100352xf32, #tpu.memory_space<vmem_shared>>) offsets(%dma_start3A_524 : memref<128xi32, #tpu.memory_space<vmem>>) semaphore(%arg17 : memref<!tpu.dma_semaphore, #tpu.memory_space<semaphore_mem>>) {add = true}
    %dma_start3A_527 = arith.constant 41 : i32
    %dma_start3A_528 = arith.constant 0 : i32
    %dma_start3A_529 = tpu.memref_slice %arg11[%dma_start3A_527, %dma_start3A_528] : memref<76x128xi32, #tpu.memory_space<vmem>> -> memref<1x128xi32, #tpu.memory_space<vmem>>
    %dma_start3A_530 = tpu.memref_squeeze %dma_start3A_529 : memref<1x128xi32, #tpu.memory_space<vmem>> -> memref<128xi32, #tpu.memory_space<vmem>>
    %dma_start3A_531 = arith.constant 0 : i32
    %dma_start3A_532 = tpu.memref_slice %arg15[%dma_start3A_531] : memref<100352xf32, #tpu.memory_space<vmem_shared>> -> memref<100352xf32, #tpu.memory_space<vmem_shared>>
    tpu.enqueue_indirect_dma source(%arg13 : memref<128xf32, #tpu.memory_space<vmem>>) target(%dma_start3A_532 : memref<100352xf32, #tpu.memory_space<vmem_shared>>) offsets(%dma_start3A_530 : memref<128xi32, #tpu.memory_space<vmem>>) semaphore(%arg17 : memref<!tpu.dma_semaphore, #tpu.memory_space<semaphore_mem>>) {add = true}
    %dma_start3A_533 = arith.constant 42 : i32
    %dma_start3A_534 = arith.constant 0 : i32
    %dma_start3A_535 = tpu.memref_slice %arg11[%dma_start3A_533, %dma_start3A_534] : memref<76x128xi32, #tpu.memory_space<vmem>> -> memref<1x128xi32, #tpu.memory_space<vmem>>
    %dma_start3A_536 = tpu.memref_squeeze %dma_start3A_535 : memref<1x128xi32, #tpu.memory_space<vmem>> -> memref<128xi32, #tpu.memory_space<vmem>>
    %dma_start3A_537 = arith.constant 0 : i32
    %dma_start3A_538 = tpu.memref_slice %arg15[%dma_start3A_537] : memref<100352xf32, #tpu.memory_space<vmem_shared>> -> memref<100352xf32, #tpu.memory_space<vmem_shared>>
    tpu.enqueue_indirect_dma source(%arg13 : memref<128xf32, #tpu.memory_space<vmem>>) target(%dma_start3A_538 : memref<100352xf32, #tpu.memory_space<vmem_shared>>) offsets(%dma_start3A_536 : memref<128xi32, #tpu.memory_space<vmem>>) semaphore(%arg17 : memref<!tpu.dma_semaphore, #tpu.memory_space<semaphore_mem>>) {add = true}
    %dma_start3A_539 = arith.constant 43 : i32
    %dma_start3A_540 = arith.constant 0 : i32
    %dma_start3A_541 = tpu.memref_slice %arg11[%dma_start3A_539, %dma_start3A_540] : memref<76x128xi32, #tpu.memory_space<vmem>> -> memref<1x128xi32, #tpu.memory_space<vmem>>
    %dma_start3A_542 = tpu.memref_squeeze %dma_start3A_541 : memref<1x128xi32, #tpu.memory_space<vmem>> -> memref<128xi32, #tpu.memory_space<vmem>>
    %dma_start3A_543 = arith.constant 0 : i32
    %dma_start3A_544 = tpu.memref_slice %arg15[%dma_start3A_543] : memref<100352xf32, #tpu.memory_space<vmem_shared>> -> memref<100352xf32, #tpu.memory_space<vmem_shared>>
    tpu.enqueue_indirect_dma source(%arg13 : memref<128xf32, #tpu.memory_space<vmem>>) target(%dma_start3A_544 : memref<100352xf32, #tpu.memory_space<vmem_shared>>) offsets(%dma_start3A_542 : memref<128xi32, #tpu.memory_space<vmem>>) semaphore(%arg17 : memref<!tpu.dma_semaphore, #tpu.memory_space<semaphore_mem>>) {add = true}
    %dma_start3A_545 = arith.constant 44 : i32
    %dma_start3A_546 = arith.constant 0 : i32
    %dma_start3A_547 = tpu.memref_slice %arg11[%dma_start3A_545, %dma_start3A_546] : memref<76x128xi32, #tpu.memory_space<vmem>> -> memref<1x128xi32, #tpu.memory_space<vmem>>
    %dma_start3A_548 = tpu.memref_squeeze %dma_start3A_547 : memref<1x128xi32, #tpu.memory_space<vmem>> -> memref<128xi32, #tpu.memory_space<vmem>>
    %dma_start3A_549 = arith.constant 0 : i32
    %dma_start3A_550 = tpu.memref_slice %arg15[%dma_start3A_549] : memref<100352xf32, #tpu.memory_space<vmem_shared>> -> memref<100352xf32, #tpu.memory_space<vmem_shared>>
    tpu.enqueue_indirect_dma source(%arg13 : memref<128xf32, #tpu.memory_space<vmem>>) target(%dma_start3A_550 : memref<100352xf32, #tpu.memory_space<vmem_shared>>) offsets(%dma_start3A_548 : memref<128xi32, #tpu.memory_space<vmem>>) semaphore(%arg17 : memref<!tpu.dma_semaphore, #tpu.memory_space<semaphore_mem>>) {add = true}
    %dma_start3A_551 = arith.constant 45 : i32
    %dma_start3A_552 = arith.constant 0 : i32
    %dma_start3A_553 = tpu.memref_slice %arg11[%dma_start3A_551, %dma_start3A_552] : memref<76x128xi32, #tpu.memory_space<vmem>> -> memref<1x128xi32, #tpu.memory_space<vmem>>
    %dma_start3A_554 = tpu.memref_squeeze %dma_start3A_553 : memref<1x128xi32, #tpu.memory_space<vmem>> -> memref<128xi32, #tpu.memory_space<vmem>>
    %dma_start3A_555 = arith.constant 0 : i32
    %dma_start3A_556 = tpu.memref_slice %arg15[%dma_start3A_555] : memref<100352xf32, #tpu.memory_space<vmem_shared>> -> memref<100352xf32, #tpu.memory_space<vmem_shared>>
    tpu.enqueue_indirect_dma source(%arg13 : memref<128xf32, #tpu.memory_space<vmem>>) target(%dma_start3A_556 : memref<100352xf32, #tpu.memory_space<vmem_shared>>) offsets(%dma_start3A_554 : memref<128xi32, #tpu.memory_space<vmem>>) semaphore(%arg17 : memref<!tpu.dma_semaphore, #tpu.memory_space<semaphore_mem>>) {add = true}
    %dma_start3A_557 = arith.constant 46 : i32
    %dma_start3A_558 = arith.constant 0 : i32
    %dma_start3A_559 = tpu.memref_slice %arg11[%dma_start3A_557, %dma_start3A_558] : memref<76x128xi32, #tpu.memory_space<vmem>> -> memref<1x128xi32, #tpu.memory_space<vmem>>
    %dma_start3A_560 = tpu.memref_squeeze %dma_start3A_559 : memref<1x128xi32, #tpu.memory_space<vmem>> -> memref<128xi32, #tpu.memory_space<vmem>>
    %dma_start3A_561 = arith.constant 0 : i32
    %dma_start3A_562 = tpu.memref_slice %arg15[%dma_start3A_561] : memref<100352xf32, #tpu.memory_space<vmem_shared>> -> memref<100352xf32, #tpu.memory_space<vmem_shared>>
    tpu.enqueue_indirect_dma source(%arg13 : memref<128xf32, #tpu.memory_space<vmem>>) target(%dma_start3A_562 : memref<100352xf32, #tpu.memory_space<vmem_shared>>) offsets(%dma_start3A_560 : memref<128xi32, #tpu.memory_space<vmem>>) semaphore(%arg17 : memref<!tpu.dma_semaphore, #tpu.memory_space<semaphore_mem>>) {add = true}
    %dma_start3A_563 = arith.constant 47 : i32
    %dma_start3A_564 = arith.constant 0 : i32
    %dma_start3A_565 = tpu.memref_slice %arg11[%dma_start3A_563, %dma_start3A_564] : memref<76x128xi32, #tpu.memory_space<vmem>> -> memref<1x128xi32, #tpu.memory_space<vmem>>
    %dma_start3A_566 = tpu.memref_squeeze %dma_start3A_565 : memref<1x128xi32, #tpu.memory_space<vmem>> -> memref<128xi32, #tpu.memory_space<vmem>>
    %dma_start3A_567 = arith.constant 0 : i32
    %dma_start3A_568 = tpu.memref_slice %arg15[%dma_start3A_567] : memref<100352xf32, #tpu.memory_space<vmem_shared>> -> memref<100352xf32, #tpu.memory_space<vmem_shared>>
    tpu.enqueue_indirect_dma source(%arg13 : memref<128xf32, #tpu.memory_space<vmem>>) target(%dma_start3A_568 : memref<100352xf32, #tpu.memory_space<vmem_shared>>) offsets(%dma_start3A_566 : memref<128xi32, #tpu.memory_space<vmem>>) semaphore(%arg17 : memref<!tpu.dma_semaphore, #tpu.memory_space<semaphore_mem>>) {add = true}
    %dma_start3A_569 = arith.constant 48 : i32
    %dma_start3A_570 = arith.constant 0 : i32
    %dma_start3A_571 = tpu.memref_slice %arg11[%dma_start3A_569, %dma_start3A_570] : memref<76x128xi32, #tpu.memory_space<vmem>> -> memref<1x128xi32, #tpu.memory_space<vmem>>
    %dma_start3A_572 = tpu.memref_squeeze %dma_start3A_571 : memref<1x128xi32, #tpu.memory_space<vmem>> -> memref<128xi32, #tpu.memory_space<vmem>>
    %dma_start3A_573 = arith.constant 0 : i32
    %dma_start3A_574 = tpu.memref_slice %arg15[%dma_start3A_573] : memref<100352xf32, #tpu.memory_space<vmem_shared>> -> memref<100352xf32, #tpu.memory_space<vmem_shared>>
    tpu.enqueue_indirect_dma source(%arg13 : memref<128xf32, #tpu.memory_space<vmem>>) target(%dma_start3A_574 : memref<100352xf32, #tpu.memory_space<vmem_shared>>) offsets(%dma_start3A_572 : memref<128xi32, #tpu.memory_space<vmem>>) semaphore(%arg17 : memref<!tpu.dma_semaphore, #tpu.memory_space<semaphore_mem>>) {add = true}
    %dma_start3A_575 = arith.constant 49 : i32
    %dma_start3A_576 = arith.constant 0 : i32
    %dma_start3A_577 = tpu.memref_slice %arg11[%dma_start3A_575, %dma_start3A_576] : memref<76x128xi32, #tpu.memory_space<vmem>> -> memref<1x128xi32, #tpu.memory_space<vmem>>
    %dma_start3A_578 = tpu.memref_squeeze %dma_start3A_577 : memref<1x128xi32, #tpu.memory_space<vmem>> -> memref<128xi32, #tpu.memory_space<vmem>>
    %dma_start3A_579 = arith.constant 0 : i32
    %dma_start3A_580 = tpu.memref_slice %arg15[%dma_start3A_579] : memref<100352xf32, #tpu.memory_space<vmem_shared>> -> memref<100352xf32, #tpu.memory_space<vmem_shared>>
    tpu.enqueue_indirect_dma source(%arg13 : memref<128xf32, #tpu.memory_space<vmem>>) target(%dma_start3A_580 : memref<100352xf32, #tpu.memory_space<vmem_shared>>) offsets(%dma_start3A_578 : memref<128xi32, #tpu.memory_space<vmem>>) semaphore(%arg17 : memref<!tpu.dma_semaphore, #tpu.memory_space<semaphore_mem>>) {add = true}
    %dma_start3A_581 = arith.constant 50 : i32
    %dma_start3A_582 = arith.constant 0 : i32
    %dma_start3A_583 = tpu.memref_slice %arg11[%dma_start3A_581, %dma_start3A_582] : memref<76x128xi32, #tpu.memory_space<vmem>> -> memref<1x128xi32, #tpu.memory_space<vmem>>
    %dma_start3A_584 = tpu.memref_squeeze %dma_start3A_583 : memref<1x128xi32, #tpu.memory_space<vmem>> -> memref<128xi32, #tpu.memory_space<vmem>>
    %dma_start3A_585 = arith.constant 0 : i32
    %dma_start3A_586 = tpu.memref_slice %arg15[%dma_start3A_585] : memref<100352xf32, #tpu.memory_space<vmem_shared>> -> memref<100352xf32, #tpu.memory_space<vmem_shared>>
    tpu.enqueue_indirect_dma source(%arg13 : memref<128xf32, #tpu.memory_space<vmem>>) target(%dma_start3A_586 : memref<100352xf32, #tpu.memory_space<vmem_shared>>) offsets(%dma_start3A_584 : memref<128xi32, #tpu.memory_space<vmem>>) semaphore(%arg17 : memref<!tpu.dma_semaphore, #tpu.memory_space<semaphore_mem>>) {add = true}
    %dma_start3A_587 = arith.constant 51 : i32
    %dma_start3A_588 = arith.constant 0 : i32
    %dma_start3A_589 = tpu.memref_slice %arg11[%dma_start3A_587, %dma_start3A_588] : memref<76x128xi32, #tpu.memory_space<vmem>> -> memref<1x128xi32, #tpu.memory_space<vmem>>
    %dma_start3A_590 = tpu.memref_squeeze %dma_start3A_589 : memref<1x128xi32, #tpu.memory_space<vmem>> -> memref<128xi32, #tpu.memory_space<vmem>>
    %dma_start3A_591 = arith.constant 0 : i32
    %dma_start3A_592 = tpu.memref_slice %arg15[%dma_start3A_591] : memref<100352xf32, #tpu.memory_space<vmem_shared>> -> memref<100352xf32, #tpu.memory_space<vmem_shared>>
    tpu.enqueue_indirect_dma source(%arg13 : memref<128xf32, #tpu.memory_space<vmem>>) target(%dma_start3A_592 : memref<100352xf32, #tpu.memory_space<vmem_shared>>) offsets(%dma_start3A_590 : memref<128xi32, #tpu.memory_space<vmem>>) semaphore(%arg17 : memref<!tpu.dma_semaphore, #tpu.memory_space<semaphore_mem>>) {add = true}
    %dma_start3A_593 = arith.constant 52 : i32
    %dma_start3A_594 = arith.constant 0 : i32
    %dma_start3A_595 = tpu.memref_slice %arg11[%dma_start3A_593, %dma_start3A_594] : memref<76x128xi32, #tpu.memory_space<vmem>> -> memref<1x128xi32, #tpu.memory_space<vmem>>
    %dma_start3A_596 = tpu.memref_squeeze %dma_start3A_595 : memref<1x128xi32, #tpu.memory_space<vmem>> -> memref<128xi32, #tpu.memory_space<vmem>>
    %dma_start3A_597 = arith.constant 0 : i32
    %dma_start3A_598 = tpu.memref_slice %arg15[%dma_start3A_597] : memref<100352xf32, #tpu.memory_space<vmem_shared>> -> memref<100352xf32, #tpu.memory_space<vmem_shared>>
    tpu.enqueue_indirect_dma source(%arg13 : memref<128xf32, #tpu.memory_space<vmem>>) target(%dma_start3A_598 : memref<100352xf32, #tpu.memory_space<vmem_shared>>) offsets(%dma_start3A_596 : memref<128xi32, #tpu.memory_space<vmem>>) semaphore(%arg17 : memref<!tpu.dma_semaphore, #tpu.memory_space<semaphore_mem>>) {add = true}
    %dma_start3A_599 = arith.constant 53 : i32
    %dma_start3A_600 = arith.constant 0 : i32
    %dma_start3A_601 = tpu.memref_slice %arg11[%dma_start3A_599, %dma_start3A_600] : memref<76x128xi32, #tpu.memory_space<vmem>> -> memref<1x128xi32, #tpu.memory_space<vmem>>
    %dma_start3A_602 = tpu.memref_squeeze %dma_start3A_601 : memref<1x128xi32, #tpu.memory_space<vmem>> -> memref<128xi32, #tpu.memory_space<vmem>>
    %dma_start3A_603 = arith.constant 0 : i32
    %dma_start3A_604 = tpu.memref_slice %arg15[%dma_start3A_603] : memref<100352xf32, #tpu.memory_space<vmem_shared>> -> memref<100352xf32, #tpu.memory_space<vmem_shared>>
    tpu.enqueue_indirect_dma source(%arg13 : memref<128xf32, #tpu.memory_space<vmem>>) target(%dma_start3A_604 : memref<100352xf32, #tpu.memory_space<vmem_shared>>) offsets(%dma_start3A_602 : memref<128xi32, #tpu.memory_space<vmem>>) semaphore(%arg17 : memref<!tpu.dma_semaphore, #tpu.memory_space<semaphore_mem>>) {add = true}
    %dma_start3A_605 = arith.constant 54 : i32
    %dma_start3A_606 = arith.constant 0 : i32
    %dma_start3A_607 = tpu.memref_slice %arg11[%dma_start3A_605, %dma_start3A_606] : memref<76x128xi32, #tpu.memory_space<vmem>> -> memref<1x128xi32, #tpu.memory_space<vmem>>
    %dma_start3A_608 = tpu.memref_squeeze %dma_start3A_607 : memref<1x128xi32, #tpu.memory_space<vmem>> -> memref<128xi32, #tpu.memory_space<vmem>>
    %dma_start3A_609 = arith.constant 0 : i32
    %dma_start3A_610 = tpu.memref_slice %arg15[%dma_start3A_609] : memref<100352xf32, #tpu.memory_space<vmem_shared>> -> memref<100352xf32, #tpu.memory_space<vmem_shared>>
    tpu.enqueue_indirect_dma source(%arg13 : memref<128xf32, #tpu.memory_space<vmem>>) target(%dma_start3A_610 : memref<100352xf32, #tpu.memory_space<vmem_shared>>) offsets(%dma_start3A_608 : memref<128xi32, #tpu.memory_space<vmem>>) semaphore(%arg17 : memref<!tpu.dma_semaphore, #tpu.memory_space<semaphore_mem>>) {add = true}
    %dma_start3A_611 = arith.constant 55 : i32
    %dma_start3A_612 = arith.constant 0 : i32
    %dma_start3A_613 = tpu.memref_slice %arg11[%dma_start3A_611, %dma_start3A_612] : memref<76x128xi32, #tpu.memory_space<vmem>> -> memref<1x128xi32, #tpu.memory_space<vmem>>
    %dma_start3A_614 = tpu.memref_squeeze %dma_start3A_613 : memref<1x128xi32, #tpu.memory_space<vmem>> -> memref<128xi32, #tpu.memory_space<vmem>>
    %dma_start3A_615 = arith.constant 0 : i32
    %dma_start3A_616 = tpu.memref_slice %arg15[%dma_start3A_615] : memref<100352xf32, #tpu.memory_space<vmem_shared>> -> memref<100352xf32, #tpu.memory_space<vmem_shared>>
    tpu.enqueue_indirect_dma source(%arg13 : memref<128xf32, #tpu.memory_space<vmem>>) target(%dma_start3A_616 : memref<100352xf32, #tpu.memory_space<vmem_shared>>) offsets(%dma_start3A_614 : memref<128xi32, #tpu.memory_space<vmem>>) semaphore(%arg17 : memref<!tpu.dma_semaphore, #tpu.memory_space<semaphore_mem>>) {add = true}
    %dma_start3A_617 = arith.constant 56 : i32
    %dma_start3A_618 = arith.constant 0 : i32
    %dma_start3A_619 = tpu.memref_slice %arg11[%dma_start3A_617, %dma_start3A_618] : memref<76x128xi32, #tpu.memory_space<vmem>> -> memref<1x128xi32, #tpu.memory_space<vmem>>
    %dma_start3A_620 = tpu.memref_squeeze %dma_start3A_619 : memref<1x128xi32, #tpu.memory_space<vmem>> -> memref<128xi32, #tpu.memory_space<vmem>>
    %dma_start3A_621 = arith.constant 0 : i32
    %dma_start3A_622 = tpu.memref_slice %arg15[%dma_start3A_621] : memref<100352xf32, #tpu.memory_space<vmem_shared>> -> memref<100352xf32, #tpu.memory_space<vmem_shared>>
    tpu.enqueue_indirect_dma source(%arg13 : memref<128xf32, #tpu.memory_space<vmem>>) target(%dma_start3A_622 : memref<100352xf32, #tpu.memory_space<vmem_shared>>) offsets(%dma_start3A_620 : memref<128xi32, #tpu.memory_space<vmem>>) semaphore(%arg17 : memref<!tpu.dma_semaphore, #tpu.memory_space<semaphore_mem>>) {add = true}
    %dma_wait3A_623 = arith.constant 38 : i32
    %dma_wait3A_624 = arith.constant 0 : i32
    %dma_wait3A_625 = tpu.memref_slice %arg11[%dma_wait3A_623, %dma_wait3A_624] : memref<76x128xi32, #tpu.memory_space<vmem>> -> memref<1x128xi32, #tpu.memory_space<vmem>>
    %dma_wait3A_626 = tpu.memref_squeeze %dma_wait3A_625 : memref<1x128xi32, #tpu.memory_space<vmem>> -> memref<128xi32, #tpu.memory_space<vmem>>
    %dma_wait3A_627 = arith.constant 0 : i32
    %dma_wait3A_628 = tpu.memref_slice %arg15[%dma_wait3A_627] : memref<100352xf32, #tpu.memory_space<vmem_shared>> -> memref<100352xf32, #tpu.memory_space<vmem_shared>>
    tpu.wait_indirect_dma semaphore(%arg17 : memref<!tpu.dma_semaphore, #tpu.memory_space<semaphore_mem>>) src(%arg13 : memref<128xf32, #tpu.memory_space<vmem>>) dst(%dma_wait3A_628 : memref<100352xf32, #tpu.memory_space<vmem_shared>>)
    %dma_wait3A_629 = arith.constant 39 : i32
    %dma_wait3A_630 = arith.constant 0 : i32
    %dma_wait3A_631 = tpu.memref_slice %arg11[%dma_wait3A_629, %dma_wait3A_630] : memref<76x128xi32, #tpu.memory_space<vmem>> -> memref<1x128xi32, #tpu.memory_space<vmem>>
    %dma_wait3A_632 = tpu.memref_squeeze %dma_wait3A_631 : memref<1x128xi32, #tpu.memory_space<vmem>> -> memref<128xi32, #tpu.memory_space<vmem>>
    %dma_wait3A_633 = arith.constant 0 : i32
    %dma_wait3A_634 = tpu.memref_slice %arg15[%dma_wait3A_633] : memref<100352xf32, #tpu.memory_space<vmem_shared>> -> memref<100352xf32, #tpu.memory_space<vmem_shared>>
    tpu.wait_indirect_dma semaphore(%arg17 : memref<!tpu.dma_semaphore, #tpu.memory_space<semaphore_mem>>) src(%arg13 : memref<128xf32, #tpu.memory_space<vmem>>) dst(%dma_wait3A_634 : memref<100352xf32, #tpu.memory_space<vmem_shared>>)
    %dma_wait3A_635 = arith.constant 40 : i32
    %dma_wait3A_636 = arith.constant 0 : i32
    %dma_wait3A_637 = tpu.memref_slice %arg11[%dma_wait3A_635, %dma_wait3A_636] : memref<76x128xi32, #tpu.memory_space<vmem>> -> memref<1x128xi32, #tpu.memory_space<vmem>>
    %dma_wait3A_638 = tpu.memref_squeeze %dma_wait3A_637 : memref<1x128xi32, #tpu.memory_space<vmem>> -> memref<128xi32, #tpu.memory_space<vmem>>
    %dma_wait3A_639 = arith.constant 0 : i32
    %dma_wait3A_640 = tpu.memref_slice %arg15[%dma_wait3A_639] : memref<100352xf32, #tpu.memory_space<vmem_shared>> -> memref<100352xf32, #tpu.memory_space<vmem_shared>>
    tpu.wait_indirect_dma semaphore(%arg17 : memref<!tpu.dma_semaphore, #tpu.memory_space<semaphore_mem>>) src(%arg13 : memref<128xf32, #tpu.memory_space<vmem>>) dst(%dma_wait3A_640 : memref<100352xf32, #tpu.memory_space<vmem_shared>>)
    %dma_wait3A_641 = arith.constant 41 : i32
    %dma_wait3A_642 = arith.constant 0 : i32
    %dma_wait3A_643 = tpu.memref_slice %arg11[%dma_wait3A_641, %dma_wait3A_642] : memref<76x128xi32, #tpu.memory_space<vmem>> -> memref<1x128xi32, #tpu.memory_space<vmem>>
    %dma_wait3A_644 = tpu.memref_squeeze %dma_wait3A_643 : memref<1x128xi32, #tpu.memory_space<vmem>> -> memref<128xi32, #tpu.memory_space<vmem>>
    %dma_wait3A_645 = arith.constant 0 : i32
    %dma_wait3A_646 = tpu.memref_slice %arg15[%dma_wait3A_645] : memref<100352xf32, #tpu.memory_space<vmem_shared>> -> memref<100352xf32, #tpu.memory_space<vmem_shared>>
    tpu.wait_indirect_dma semaphore(%arg17 : memref<!tpu.dma_semaphore, #tpu.memory_space<semaphore_mem>>) src(%arg13 : memref<128xf32, #tpu.memory_space<vmem>>) dst(%dma_wait3A_646 : memref<100352xf32, #tpu.memory_space<vmem_shared>>)
    %dma_wait3A_647 = arith.constant 42 : i32
    %dma_wait3A_648 = arith.constant 0 : i32
    %dma_wait3A_649 = tpu.memref_slice %arg11[%dma_wait3A_647, %dma_wait3A_648] : memref<76x128xi32, #tpu.memory_space<vmem>> -> memref<1x128xi32, #tpu.memory_space<vmem>>
    %dma_wait3A_650 = tpu.memref_squeeze %dma_wait3A_649 : memref<1x128xi32, #tpu.memory_space<vmem>> -> memref<128xi32, #tpu.memory_space<vmem>>
    %dma_wait3A_651 = arith.constant 0 : i32
    %dma_wait3A_652 = tpu.memref_slice %arg15[%dma_wait3A_651] : memref<100352xf32, #tpu.memory_space<vmem_shared>> -> memref<100352xf32, #tpu.memory_space<vmem_shared>>
    tpu.wait_indirect_dma semaphore(%arg17 : memref<!tpu.dma_semaphore, #tpu.memory_space<semaphore_mem>>) src(%arg13 : memref<128xf32, #tpu.memory_space<vmem>>) dst(%dma_wait3A_652 : memref<100352xf32, #tpu.memory_space<vmem_shared>>)
    %dma_wait3A_653 = arith.constant 43 : i32
    %dma_wait3A_654 = arith.constant 0 : i32
    %dma_wait3A_655 = tpu.memref_slice %arg11[%dma_wait3A_653, %dma_wait3A_654] : memref<76x128xi32, #tpu.memory_space<vmem>> -> memref<1x128xi32, #tpu.memory_space<vmem>>
    %dma_wait3A_656 = tpu.memref_squeeze %dma_wait3A_655 : memref<1x128xi32, #tpu.memory_space<vmem>> -> memref<128xi32, #tpu.memory_space<vmem>>
    %dma_wait3A_657 = arith.constant 0 : i32
    %dma_wait3A_658 = tpu.memref_slice %arg15[%dma_wait3A_657] : memref<100352xf32, #tpu.memory_space<vmem_shared>> -> memref<100352xf32, #tpu.memory_space<vmem_shared>>
    tpu.wait_indirect_dma semaphore(%arg17 : memref<!tpu.dma_semaphore, #tpu.memory_space<semaphore_mem>>) src(%arg13 : memref<128xf32, #tpu.memory_space<vmem>>) dst(%dma_wait3A_658 : memref<100352xf32, #tpu.memory_space<vmem_shared>>)
    %dma_wait3A_659 = arith.constant 44 : i32
    %dma_wait3A_660 = arith.constant 0 : i32
    %dma_wait3A_661 = tpu.memref_slice %arg11[%dma_wait3A_659, %dma_wait3A_660] : memref<76x128xi32, #tpu.memory_space<vmem>> -> memref<1x128xi32, #tpu.memory_space<vmem>>
    %dma_wait3A_662 = tpu.memref_squeeze %dma_wait3A_661 : memref<1x128xi32, #tpu.memory_space<vmem>> -> memref<128xi32, #tpu.memory_space<vmem>>
    %dma_wait3A_663 = arith.constant 0 : i32
    %dma_wait3A_664 = tpu.memref_slice %arg15[%dma_wait3A_663] : memref<100352xf32, #tpu.memory_space<vmem_shared>> -> memref<100352xf32, #tpu.memory_space<vmem_shared>>
    tpu.wait_indirect_dma semaphore(%arg17 : memref<!tpu.dma_semaphore, #tpu.memory_space<semaphore_mem>>) src(%arg13 : memref<128xf32, #tpu.memory_space<vmem>>) dst(%dma_wait3A_664 : memref<100352xf32, #tpu.memory_space<vmem_shared>>)
    %dma_wait3A_665 = arith.constant 45 : i32
    %dma_wait3A_666 = arith.constant 0 : i32
    %dma_wait3A_667 = tpu.memref_slice %arg11[%dma_wait3A_665, %dma_wait3A_666] : memref<76x128xi32, #tpu.memory_space<vmem>> -> memref<1x128xi32, #tpu.memory_space<vmem>>
    %dma_wait3A_668 = tpu.memref_squeeze %dma_wait3A_667 : memref<1x128xi32, #tpu.memory_space<vmem>> -> memref<128xi32, #tpu.memory_space<vmem>>
    %dma_wait3A_669 = arith.constant 0 : i32
    %dma_wait3A_670 = tpu.memref_slice %arg15[%dma_wait3A_669] : memref<100352xf32, #tpu.memory_space<vmem_shared>> -> memref<100352xf32, #tpu.memory_space<vmem_shared>>
    tpu.wait_indirect_dma semaphore(%arg17 : memref<!tpu.dma_semaphore, #tpu.memory_space<semaphore_mem>>) src(%arg13 : memref<128xf32, #tpu.memory_space<vmem>>) dst(%dma_wait3A_670 : memref<100352xf32, #tpu.memory_space<vmem_shared>>)
    %dma_wait3A_671 = arith.constant 46 : i32
    %dma_wait3A_672 = arith.constant 0 : i32
    %dma_wait3A_673 = tpu.memref_slice %arg11[%dma_wait3A_671, %dma_wait3A_672] : memref<76x128xi32, #tpu.memory_space<vmem>> -> memref<1x128xi32, #tpu.memory_space<vmem>>
    %dma_wait3A_674 = tpu.memref_squeeze %dma_wait3A_673 : memref<1x128xi32, #tpu.memory_space<vmem>> -> memref<128xi32, #tpu.memory_space<vmem>>
    %dma_wait3A_675 = arith.constant 0 : i32
    %dma_wait3A_676 = tpu.memref_slice %arg15[%dma_wait3A_675] : memref<100352xf32, #tpu.memory_space<vmem_shared>> -> memref<100352xf32, #tpu.memory_space<vmem_shared>>
    tpu.wait_indirect_dma semaphore(%arg17 : memref<!tpu.dma_semaphore, #tpu.memory_space<semaphore_mem>>) src(%arg13 : memref<128xf32, #tpu.memory_space<vmem>>) dst(%dma_wait3A_676 : memref<100352xf32, #tpu.memory_space<vmem_shared>>)
    %dma_wait3A_677 = arith.constant 47 : i32
    %dma_wait3A_678 = arith.constant 0 : i32
    %dma_wait3A_679 = tpu.memref_slice %arg11[%dma_wait3A_677, %dma_wait3A_678] : memref<76x128xi32, #tpu.memory_space<vmem>> -> memref<1x128xi32, #tpu.memory_space<vmem>>
    %dma_wait3A_680 = tpu.memref_squeeze %dma_wait3A_679 : memref<1x128xi32, #tpu.memory_space<vmem>> -> memref<128xi32, #tpu.memory_space<vmem>>
    %dma_wait3A_681 = arith.constant 0 : i32
    %dma_wait3A_682 = tpu.memref_slice %arg15[%dma_wait3A_681] : memref<100352xf32, #tpu.memory_space<vmem_shared>> -> memref<100352xf32, #tpu.memory_space<vmem_shared>>
    tpu.wait_indirect_dma semaphore(%arg17 : memref<!tpu.dma_semaphore, #tpu.memory_space<semaphore_mem>>) src(%arg13 : memref<128xf32, #tpu.memory_space<vmem>>) dst(%dma_wait3A_682 : memref<100352xf32, #tpu.memory_space<vmem_shared>>)
    %dma_wait3A_683 = arith.constant 48 : i32
    %dma_wait3A_684 = arith.constant 0 : i32
    %dma_wait3A_685 = tpu.memref_slice %arg11[%dma_wait3A_683, %dma_wait3A_684] : memref<76x128xi32, #tpu.memory_space<vmem>> -> memref<1x128xi32, #tpu.memory_space<vmem>>
    %dma_wait3A_686 = tpu.memref_squeeze %dma_wait3A_685 : memref<1x128xi32, #tpu.memory_space<vmem>> -> memref<128xi32, #tpu.memory_space<vmem>>
    %dma_wait3A_687 = arith.constant 0 : i32
    %dma_wait3A_688 = tpu.memref_slice %arg15[%dma_wait3A_687] : memref<100352xf32, #tpu.memory_space<vmem_shared>> -> memref<100352xf32, #tpu.memory_space<vmem_shared>>
    tpu.wait_indirect_dma semaphore(%arg17 : memref<!tpu.dma_semaphore, #tpu.memory_space<semaphore_mem>>) src(%arg13 : memref<128xf32, #tpu.memory_space<vmem>>) dst(%dma_wait3A_688 : memref<100352xf32, #tpu.memory_space<vmem_shared>>)
    %dma_wait3A_689 = arith.constant 49 : i32
    %dma_wait3A_690 = arith.constant 0 : i32
    %dma_wait3A_691 = tpu.memref_slice %arg11[%dma_wait3A_689, %dma_wait3A_690] : memref<76x128xi32, #tpu.memory_space<vmem>> -> memref<1x128xi32, #tpu.memory_space<vmem>>
    %dma_wait3A_692 = tpu.memref_squeeze %dma_wait3A_691 : memref<1x128xi32, #tpu.memory_space<vmem>> -> memref<128xi32, #tpu.memory_space<vmem>>
    %dma_wait3A_693 = arith.constant 0 : i32
    %dma_wait3A_694 = tpu.memref_slice %arg15[%dma_wait3A_693] : memref<100352xf32, #tpu.memory_space<vmem_shared>> -> memref<100352xf32, #tpu.memory_space<vmem_shared>>
    tpu.wait_indirect_dma semaphore(%arg17 : memref<!tpu.dma_semaphore, #tpu.memory_space<semaphore_mem>>) src(%arg13 : memref<128xf32, #tpu.memory_space<vmem>>) dst(%dma_wait3A_694 : memref<100352xf32, #tpu.memory_space<vmem_shared>>)
    %dma_wait3A_695 = arith.constant 50 : i32
    %dma_wait3A_696 = arith.constant 0 : i32
    %dma_wait3A_697 = tpu.memref_slice %arg11[%dma_wait3A_695, %dma_wait3A_696] : memref<76x128xi32, #tpu.memory_space<vmem>> -> memref<1x128xi32, #tpu.memory_space<vmem>>
    %dma_wait3A_698 = tpu.memref_squeeze %dma_wait3A_697 : memref<1x128xi32, #tpu.memory_space<vmem>> -> memref<128xi32, #tpu.memory_space<vmem>>
    %dma_wait3A_699 = arith.constant 0 : i32
    %dma_wait3A_700 = tpu.memref_slice %arg15[%dma_wait3A_699] : memref<100352xf32, #tpu.memory_space<vmem_shared>> -> memref<100352xf32, #tpu.memory_space<vmem_shared>>
    tpu.wait_indirect_dma semaphore(%arg17 : memref<!tpu.dma_semaphore, #tpu.memory_space<semaphore_mem>>) src(%arg13 : memref<128xf32, #tpu.memory_space<vmem>>) dst(%dma_wait3A_700 : memref<100352xf32, #tpu.memory_space<vmem_shared>>)
    %dma_wait3A_701 = arith.constant 51 : i32
    %dma_wait3A_702 = arith.constant 0 : i32
    %dma_wait3A_703 = tpu.memref_slice %arg11[%dma_wait3A_701, %dma_wait3A_702] : memref<76x128xi32, #tpu.memory_space<vmem>> -> memref<1x128xi32, #tpu.memory_space<vmem>>
    %dma_wait3A_704 = tpu.memref_squeeze %dma_wait3A_703 : memref<1x128xi32, #tpu.memory_space<vmem>> -> memref<128xi32, #tpu.memory_space<vmem>>
    %dma_wait3A_705 = arith.constant 0 : i32
    %dma_wait3A_706 = tpu.memref_slice %arg15[%dma_wait3A_705] : memref<100352xf32, #tpu.memory_space<vmem_shared>> -> memref<100352xf32, #tpu.memory_space<vmem_shared>>
    tpu.wait_indirect_dma semaphore(%arg17 : memref<!tpu.dma_semaphore, #tpu.memory_space<semaphore_mem>>) src(%arg13 : memref<128xf32, #tpu.memory_space<vmem>>) dst(%dma_wait3A_706 : memref<100352xf32, #tpu.memory_space<vmem_shared>>)
    %dma_wait3A_707 = arith.constant 52 : i32
    %dma_wait3A_708 = arith.constant 0 : i32
    %dma_wait3A_709 = tpu.memref_slice %arg11[%dma_wait3A_707, %dma_wait3A_708] : memref<76x128xi32, #tpu.memory_space<vmem>> -> memref<1x128xi32, #tpu.memory_space<vmem>>
    %dma_wait3A_710 = tpu.memref_squeeze %dma_wait3A_709 : memref<1x128xi32, #tpu.memory_space<vmem>> -> memref<128xi32, #tpu.memory_space<vmem>>
    %dma_wait3A_711 = arith.constant 0 : i32
    %dma_wait3A_712 = tpu.memref_slice %arg15[%dma_wait3A_711] : memref<100352xf32, #tpu.memory_space<vmem_shared>> -> memref<100352xf32, #tpu.memory_space<vmem_shared>>
    tpu.wait_indirect_dma semaphore(%arg17 : memref<!tpu.dma_semaphore, #tpu.memory_space<semaphore_mem>>) src(%arg13 : memref<128xf32, #tpu.memory_space<vmem>>) dst(%dma_wait3A_712 : memref<100352xf32, #tpu.memory_space<vmem_shared>>)
    %dma_wait3A_713 = arith.constant 53 : i32
    %dma_wait3A_714 = arith.constant 0 : i32
    %dma_wait3A_715 = tpu.memref_slice %arg11[%dma_wait3A_713, %dma_wait3A_714] : memref<76x128xi32, #tpu.memory_space<vmem>> -> memref<1x128xi32, #tpu.memory_space<vmem>>
    %dma_wait3A_716 = tpu.memref_squeeze %dma_wait3A_715 : memref<1x128xi32, #tpu.memory_space<vmem>> -> memref<128xi32, #tpu.memory_space<vmem>>
    %dma_wait3A_717 = arith.constant 0 : i32
    %dma_wait3A_718 = tpu.memref_slice %arg15[%dma_wait3A_717] : memref<100352xf32, #tpu.memory_space<vmem_shared>> -> memref<100352xf32, #tpu.memory_space<vmem_shared>>
    tpu.wait_indirect_dma semaphore(%arg17 : memref<!tpu.dma_semaphore, #tpu.memory_space<semaphore_mem>>) src(%arg13 : memref<128xf32, #tpu.memory_space<vmem>>) dst(%dma_wait3A_718 : memref<100352xf32, #tpu.memory_space<vmem_shared>>)
    %dma_wait3A_719 = arith.constant 54 : i32
    %dma_wait3A_720 = arith.constant 0 : i32
    %dma_wait3A_721 = tpu.memref_slice %arg11[%dma_wait3A_719, %dma_wait3A_720] : memref<76x128xi32, #tpu.memory_space<vmem>> -> memref<1x128xi32, #tpu.memory_space<vmem>>
    %dma_wait3A_722 = tpu.memref_squeeze %dma_wait3A_721 : memref<1x128xi32, #tpu.memory_space<vmem>> -> memref<128xi32, #tpu.memory_space<vmem>>
    %dma_wait3A_723 = arith.constant 0 : i32
    %dma_wait3A_724 = tpu.memref_slice %arg15[%dma_wait3A_723] : memref<100352xf32, #tpu.memory_space<vmem_shared>> -> memref<100352xf32, #tpu.memory_space<vmem_shared>>
    tpu.wait_indirect_dma semaphore(%arg17 : memref<!tpu.dma_semaphore, #tpu.memory_space<semaphore_mem>>) src(%arg13 : memref<128xf32, #tpu.memory_space<vmem>>) dst(%dma_wait3A_724 : memref<100352xf32, #tpu.memory_space<vmem_shared>>)
    %dma_wait3A_725 = arith.constant 55 : i32
    %dma_wait3A_726 = arith.constant 0 : i32
    %dma_wait3A_727 = tpu.memref_slice %arg11[%dma_wait3A_725, %dma_wait3A_726] : memref<76x128xi32, #tpu.memory_space<vmem>> -> memref<1x128xi32, #tpu.memory_space<vmem>>
    %dma_wait3A_728 = tpu.memref_squeeze %dma_wait3A_727 : memref<1x128xi32, #tpu.memory_space<vmem>> -> memref<128xi32, #tpu.memory_space<vmem>>
    %dma_wait3A_729 = arith.constant 0 : i32
    %dma_wait3A_730 = tpu.memref_slice %arg15[%dma_wait3A_729] : memref<100352xf32, #tpu.memory_space<vmem_shared>> -> memref<100352xf32, #tpu.memory_space<vmem_shared>>
    tpu.wait_indirect_dma semaphore(%arg17 : memref<!tpu.dma_semaphore, #tpu.memory_space<semaphore_mem>>) src(%arg13 : memref<128xf32, #tpu.memory_space<vmem>>) dst(%dma_wait3A_730 : memref<100352xf32, #tpu.memory_space<vmem_shared>>)
    %dma_wait3A_731 = arith.constant 56 : i32
    %dma_wait3A_732 = arith.constant 0 : i32
    %dma_wait3A_733 = tpu.memref_slice %arg11[%dma_wait3A_731, %dma_wait3A_732] : memref<76x128xi32, #tpu.memory_space<vmem>> -> memref<1x128xi32, #tpu.memory_space<vmem>>
    %dma_wait3A_734 = tpu.memref_squeeze %dma_wait3A_733 : memref<1x128xi32, #tpu.memory_space<vmem>> -> memref<128xi32, #tpu.memory_space<vmem>>
    %dma_wait3A_735 = arith.constant 0 : i32
    %dma_wait3A_736 = tpu.memref_slice %arg15[%dma_wait3A_735] : memref<100352xf32, #tpu.memory_space<vmem_shared>> -> memref<100352xf32, #tpu.memory_space<vmem_shared>>
    tpu.wait_indirect_dma semaphore(%arg17 : memref<!tpu.dma_semaphore, #tpu.memory_space<semaphore_mem>>) src(%arg13 : memref<128xf32, #tpu.memory_space<vmem>>) dst(%dma_wait3A_736 : memref<100352xf32, #tpu.memory_space<vmem_shared>>)
    %dma_start3A_737 = arith.constant 57 : i32
    %dma_start3A_738 = arith.constant 0 : i32
    %dma_start3A_739 = tpu.memref_slice %arg11[%dma_start3A_737, %dma_start3A_738] : memref<76x128xi32, #tpu.memory_space<vmem>> -> memref<1x128xi32, #tpu.memory_space<vmem>>
    %dma_start3A_740 = tpu.memref_squeeze %dma_start3A_739 : memref<1x128xi32, #tpu.memory_space<vmem>> -> memref<128xi32, #tpu.memory_space<vmem>>
    %dma_start3A_741 = arith.constant 0 : i32
    %dma_start3A_742 = tpu.memref_slice %arg15[%dma_start3A_741] : memref<100352xf32, #tpu.memory_space<vmem_shared>> -> memref<100352xf32, #tpu.memory_space<vmem_shared>>
    tpu.enqueue_indirect_dma source(%arg13 : memref<128xf32, #tpu.memory_space<vmem>>) target(%dma_start3A_742 : memref<100352xf32, #tpu.memory_space<vmem_shared>>) offsets(%dma_start3A_740 : memref<128xi32, #tpu.memory_space<vmem>>) semaphore(%arg17 : memref<!tpu.dma_semaphore, #tpu.memory_space<semaphore_mem>>) {add = true}
    %dma_start3A_743 = arith.constant 58 : i32
    %dma_start3A_744 = arith.constant 0 : i32
    %dma_start3A_745 = tpu.memref_slice %arg11[%dma_start3A_743, %dma_start3A_744] : memref<76x128xi32, #tpu.memory_space<vmem>> -> memref<1x128xi32, #tpu.memory_space<vmem>>
    %dma_start3A_746 = tpu.memref_squeeze %dma_start3A_745 : memref<1x128xi32, #tpu.memory_space<vmem>> -> memref<128xi32, #tpu.memory_space<vmem>>
    %dma_start3A_747 = arith.constant 0 : i32
    %dma_start3A_748 = tpu.memref_slice %arg15[%dma_start3A_747] : memref<100352xf32, #tpu.memory_space<vmem_shared>> -> memref<100352xf32, #tpu.memory_space<vmem_shared>>
    tpu.enqueue_indirect_dma source(%arg13 : memref<128xf32, #tpu.memory_space<vmem>>) target(%dma_start3A_748 : memref<100352xf32, #tpu.memory_space<vmem_shared>>) offsets(%dma_start3A_746 : memref<128xi32, #tpu.memory_space<vmem>>) semaphore(%arg17 : memref<!tpu.dma_semaphore, #tpu.memory_space<semaphore_mem>>) {add = true}
    %dma_start3A_749 = arith.constant 59 : i32
    %dma_start3A_750 = arith.constant 0 : i32
    %dma_start3A_751 = tpu.memref_slice %arg11[%dma_start3A_749, %dma_start3A_750] : memref<76x128xi32, #tpu.memory_space<vmem>> -> memref<1x128xi32, #tpu.memory_space<vmem>>
    %dma_start3A_752 = tpu.memref_squeeze %dma_start3A_751 : memref<1x128xi32, #tpu.memory_space<vmem>> -> memref<128xi32, #tpu.memory_space<vmem>>
    %dma_start3A_753 = arith.constant 0 : i32
    %dma_start3A_754 = tpu.memref_slice %arg15[%dma_start3A_753] : memref<100352xf32, #tpu.memory_space<vmem_shared>> -> memref<100352xf32, #tpu.memory_space<vmem_shared>>
    tpu.enqueue_indirect_dma source(%arg13 : memref<128xf32, #tpu.memory_space<vmem>>) target(%dma_start3A_754 : memref<100352xf32, #tpu.memory_space<vmem_shared>>) offsets(%dma_start3A_752 : memref<128xi32, #tpu.memory_space<vmem>>) semaphore(%arg17 : memref<!tpu.dma_semaphore, #tpu.memory_space<semaphore_mem>>) {add = true}
    %dma_start3A_755 = arith.constant 60 : i32
    %dma_start3A_756 = arith.constant 0 : i32
    %dma_start3A_757 = tpu.memref_slice %arg11[%dma_start3A_755, %dma_start3A_756] : memref<76x128xi32, #tpu.memory_space<vmem>> -> memref<1x128xi32, #tpu.memory_space<vmem>>
    %dma_start3A_758 = tpu.memref_squeeze %dma_start3A_757 : memref<1x128xi32, #tpu.memory_space<vmem>> -> memref<128xi32, #tpu.memory_space<vmem>>
    %dma_start3A_759 = arith.constant 0 : i32
    %dma_start3A_760 = tpu.memref_slice %arg15[%dma_start3A_759] : memref<100352xf32, #tpu.memory_space<vmem_shared>> -> memref<100352xf32, #tpu.memory_space<vmem_shared>>
    tpu.enqueue_indirect_dma source(%arg13 : memref<128xf32, #tpu.memory_space<vmem>>) target(%dma_start3A_760 : memref<100352xf32, #tpu.memory_space<vmem_shared>>) offsets(%dma_start3A_758 : memref<128xi32, #tpu.memory_space<vmem>>) semaphore(%arg17 : memref<!tpu.dma_semaphore, #tpu.memory_space<semaphore_mem>>) {add = true}
    %dma_start3A_761 = arith.constant 61 : i32
    %dma_start3A_762 = arith.constant 0 : i32
    %dma_start3A_763 = tpu.memref_slice %arg11[%dma_start3A_761, %dma_start3A_762] : memref<76x128xi32, #tpu.memory_space<vmem>> -> memref<1x128xi32, #tpu.memory_space<vmem>>
    %dma_start3A_764 = tpu.memref_squeeze %dma_start3A_763 : memref<1x128xi32, #tpu.memory_space<vmem>> -> memref<128xi32, #tpu.memory_space<vmem>>
    %dma_start3A_765 = arith.constant 0 : i32
    %dma_start3A_766 = tpu.memref_slice %arg15[%dma_start3A_765] : memref<100352xf32, #tpu.memory_space<vmem_shared>> -> memref<100352xf32, #tpu.memory_space<vmem_shared>>
    tpu.enqueue_indirect_dma source(%arg13 : memref<128xf32, #tpu.memory_space<vmem>>) target(%dma_start3A_766 : memref<100352xf32, #tpu.memory_space<vmem_shared>>) offsets(%dma_start3A_764 : memref<128xi32, #tpu.memory_space<vmem>>) semaphore(%arg17 : memref<!tpu.dma_semaphore, #tpu.memory_space<semaphore_mem>>) {add = true}
    %dma_start3A_767 = arith.constant 62 : i32
    %dma_start3A_768 = arith.constant 0 : i32
    %dma_start3A_769 = tpu.memref_slice %arg11[%dma_start3A_767, %dma_start3A_768] : memref<76x128xi32, #tpu.memory_space<vmem>> -> memref<1x128xi32, #tpu.memory_space<vmem>>
    %dma_start3A_770 = tpu.memref_squeeze %dma_start3A_769 : memref<1x128xi32, #tpu.memory_space<vmem>> -> memref<128xi32, #tpu.memory_space<vmem>>
    %dma_start3A_771 = arith.constant 0 : i32
    %dma_start3A_772 = tpu.memref_slice %arg15[%dma_start3A_771] : memref<100352xf32, #tpu.memory_space<vmem_shared>> -> memref<100352xf32, #tpu.memory_space<vmem_shared>>
    tpu.enqueue_indirect_dma source(%arg13 : memref<128xf32, #tpu.memory_space<vmem>>) target(%dma_start3A_772 : memref<100352xf32, #tpu.memory_space<vmem_shared>>) offsets(%dma_start3A_770 : memref<128xi32, #tpu.memory_space<vmem>>) semaphore(%arg17 : memref<!tpu.dma_semaphore, #tpu.memory_space<semaphore_mem>>) {add = true}
    %dma_start3A_773 = arith.constant 63 : i32
    %dma_start3A_774 = arith.constant 0 : i32
    %dma_start3A_775 = tpu.memref_slice %arg11[%dma_start3A_773, %dma_start3A_774] : memref<76x128xi32, #tpu.memory_space<vmem>> -> memref<1x128xi32, #tpu.memory_space<vmem>>
    %dma_start3A_776 = tpu.memref_squeeze %dma_start3A_775 : memref<1x128xi32, #tpu.memory_space<vmem>> -> memref<128xi32, #tpu.memory_space<vmem>>
    %dma_start3A_777 = arith.constant 0 : i32
    %dma_start3A_778 = tpu.memref_slice %arg15[%dma_start3A_777] : memref<100352xf32, #tpu.memory_space<vmem_shared>> -> memref<100352xf32, #tpu.memory_space<vmem_shared>>
    tpu.enqueue_indirect_dma source(%arg13 : memref<128xf32, #tpu.memory_space<vmem>>) target(%dma_start3A_778 : memref<100352xf32, #tpu.memory_space<vmem_shared>>) offsets(%dma_start3A_776 : memref<128xi32, #tpu.memory_space<vmem>>) semaphore(%arg17 : memref<!tpu.dma_semaphore, #tpu.memory_space<semaphore_mem>>) {add = true}
    %dma_start3A_779 = arith.constant 64 : i32
    %dma_start3A_780 = arith.constant 0 : i32
    %dma_start3A_781 = tpu.memref_slice %arg11[%dma_start3A_779, %dma_start3A_780] : memref<76x128xi32, #tpu.memory_space<vmem>> -> memref<1x128xi32, #tpu.memory_space<vmem>>
    %dma_start3A_782 = tpu.memref_squeeze %dma_start3A_781 : memref<1x128xi32, #tpu.memory_space<vmem>> -> memref<128xi32, #tpu.memory_space<vmem>>
    %dma_start3A_783 = arith.constant 0 : i32
    %dma_start3A_784 = tpu.memref_slice %arg15[%dma_start3A_783] : memref<100352xf32, #tpu.memory_space<vmem_shared>> -> memref<100352xf32, #tpu.memory_space<vmem_shared>>
    tpu.enqueue_indirect_dma source(%arg13 : memref<128xf32, #tpu.memory_space<vmem>>) target(%dma_start3A_784 : memref<100352xf32, #tpu.memory_space<vmem_shared>>) offsets(%dma_start3A_782 : memref<128xi32, #tpu.memory_space<vmem>>) semaphore(%arg17 : memref<!tpu.dma_semaphore, #tpu.memory_space<semaphore_mem>>) {add = true}
    %dma_start3A_785 = arith.constant 65 : i32
    %dma_start3A_786 = arith.constant 0 : i32
    %dma_start3A_787 = tpu.memref_slice %arg11[%dma_start3A_785, %dma_start3A_786] : memref<76x128xi32, #tpu.memory_space<vmem>> -> memref<1x128xi32, #tpu.memory_space<vmem>>
    %dma_start3A_788 = tpu.memref_squeeze %dma_start3A_787 : memref<1x128xi32, #tpu.memory_space<vmem>> -> memref<128xi32, #tpu.memory_space<vmem>>
    %dma_start3A_789 = arith.constant 0 : i32
    %dma_start3A_790 = tpu.memref_slice %arg15[%dma_start3A_789] : memref<100352xf32, #tpu.memory_space<vmem_shared>> -> memref<100352xf32, #tpu.memory_space<vmem_shared>>
    tpu.enqueue_indirect_dma source(%arg13 : memref<128xf32, #tpu.memory_space<vmem>>) target(%dma_start3A_790 : memref<100352xf32, #tpu.memory_space<vmem_shared>>) offsets(%dma_start3A_788 : memref<128xi32, #tpu.memory_space<vmem>>) semaphore(%arg17 : memref<!tpu.dma_semaphore, #tpu.memory_space<semaphore_mem>>) {add = true}
    %dma_start3A_791 = arith.constant 66 : i32
    %dma_start3A_792 = arith.constant 0 : i32
    %dma_start3A_793 = tpu.memref_slice %arg11[%dma_start3A_791, %dma_start3A_792] : memref<76x128xi32, #tpu.memory_space<vmem>> -> memref<1x128xi32, #tpu.memory_space<vmem>>
    %dma_start3A_794 = tpu.memref_squeeze %dma_start3A_793 : memref<1x128xi32, #tpu.memory_space<vmem>> -> memref<128xi32, #tpu.memory_space<vmem>>
    %dma_start3A_795 = arith.constant 0 : i32
    %dma_start3A_796 = tpu.memref_slice %arg15[%dma_start3A_795] : memref<100352xf32, #tpu.memory_space<vmem_shared>> -> memref<100352xf32, #tpu.memory_space<vmem_shared>>
    tpu.enqueue_indirect_dma source(%arg13 : memref<128xf32, #tpu.memory_space<vmem>>) target(%dma_start3A_796 : memref<100352xf32, #tpu.memory_space<vmem_shared>>) offsets(%dma_start3A_794 : memref<128xi32, #tpu.memory_space<vmem>>) semaphore(%arg17 : memref<!tpu.dma_semaphore, #tpu.memory_space<semaphore_mem>>) {add = true}
    %dma_start3A_797 = arith.constant 67 : i32
    %dma_start3A_798 = arith.constant 0 : i32
    %dma_start3A_799 = tpu.memref_slice %arg11[%dma_start3A_797, %dma_start3A_798] : memref<76x128xi32, #tpu.memory_space<vmem>> -> memref<1x128xi32, #tpu.memory_space<vmem>>
    %dma_start3A_800 = tpu.memref_squeeze %dma_start3A_799 : memref<1x128xi32, #tpu.memory_space<vmem>> -> memref<128xi32, #tpu.memory_space<vmem>>
    %dma_start3A_801 = arith.constant 0 : i32
    %dma_start3A_802 = tpu.memref_slice %arg15[%dma_start3A_801] : memref<100352xf32, #tpu.memory_space<vmem_shared>> -> memref<100352xf32, #tpu.memory_space<vmem_shared>>
    tpu.enqueue_indirect_dma source(%arg13 : memref<128xf32, #tpu.memory_space<vmem>>) target(%dma_start3A_802 : memref<100352xf32, #tpu.memory_space<vmem_shared>>) offsets(%dma_start3A_800 : memref<128xi32, #tpu.memory_space<vmem>>) semaphore(%arg17 : memref<!tpu.dma_semaphore, #tpu.memory_space<semaphore_mem>>) {add = true}
    %dma_start3A_803 = arith.constant 68 : i32
    %dma_start3A_804 = arith.constant 0 : i32
    %dma_start3A_805 = tpu.memref_slice %arg11[%dma_start3A_803, %dma_start3A_804] : memref<76x128xi32, #tpu.memory_space<vmem>> -> memref<1x128xi32, #tpu.memory_space<vmem>>
    %dma_start3A_806 = tpu.memref_squeeze %dma_start3A_805 : memref<1x128xi32, #tpu.memory_space<vmem>> -> memref<128xi32, #tpu.memory_space<vmem>>
    %dma_start3A_807 = arith.constant 0 : i32
    %dma_start3A_808 = tpu.memref_slice %arg15[%dma_start3A_807] : memref<100352xf32, #tpu.memory_space<vmem_shared>> -> memref<100352xf32, #tpu.memory_space<vmem_shared>>
    tpu.enqueue_indirect_dma source(%arg13 : memref<128xf32, #tpu.memory_space<vmem>>) target(%dma_start3A_808 : memref<100352xf32, #tpu.memory_space<vmem_shared>>) offsets(%dma_start3A_806 : memref<128xi32, #tpu.memory_space<vmem>>) semaphore(%arg17 : memref<!tpu.dma_semaphore, #tpu.memory_space<semaphore_mem>>) {add = true}
    %dma_start3A_809 = arith.constant 69 : i32
    %dma_start3A_810 = arith.constant 0 : i32
    %dma_start3A_811 = tpu.memref_slice %arg11[%dma_start3A_809, %dma_start3A_810] : memref<76x128xi32, #tpu.memory_space<vmem>> -> memref<1x128xi32, #tpu.memory_space<vmem>>
    %dma_start3A_812 = tpu.memref_squeeze %dma_start3A_811 : memref<1x128xi32, #tpu.memory_space<vmem>> -> memref<128xi32, #tpu.memory_space<vmem>>
    %dma_start3A_813 = arith.constant 0 : i32
    %dma_start3A_814 = tpu.memref_slice %arg15[%dma_start3A_813] : memref<100352xf32, #tpu.memory_space<vmem_shared>> -> memref<100352xf32, #tpu.memory_space<vmem_shared>>
    tpu.enqueue_indirect_dma source(%arg13 : memref<128xf32, #tpu.memory_space<vmem>>) target(%dma_start3A_814 : memref<100352xf32, #tpu.memory_space<vmem_shared>>) offsets(%dma_start3A_812 : memref<128xi32, #tpu.memory_space<vmem>>) semaphore(%arg17 : memref<!tpu.dma_semaphore, #tpu.memory_space<semaphore_mem>>) {add = true}
    %dma_start3A_815 = arith.constant 70 : i32
    %dma_start3A_816 = arith.constant 0 : i32
    %dma_start3A_817 = tpu.memref_slice %arg11[%dma_start3A_815, %dma_start3A_816] : memref<76x128xi32, #tpu.memory_space<vmem>> -> memref<1x128xi32, #tpu.memory_space<vmem>>
    %dma_start3A_818 = tpu.memref_squeeze %dma_start3A_817 : memref<1x128xi32, #tpu.memory_space<vmem>> -> memref<128xi32, #tpu.memory_space<vmem>>
    %dma_start3A_819 = arith.constant 0 : i32
    %dma_start3A_820 = tpu.memref_slice %arg15[%dma_start3A_819] : memref<100352xf32, #tpu.memory_space<vmem_shared>> -> memref<100352xf32, #tpu.memory_space<vmem_shared>>
    tpu.enqueue_indirect_dma source(%arg13 : memref<128xf32, #tpu.memory_space<vmem>>) target(%dma_start3A_820 : memref<100352xf32, #tpu.memory_space<vmem_shared>>) offsets(%dma_start3A_818 : memref<128xi32, #tpu.memory_space<vmem>>) semaphore(%arg17 : memref<!tpu.dma_semaphore, #tpu.memory_space<semaphore_mem>>) {add = true}
    %dma_start3A_821 = arith.constant 71 : i32
    %dma_start3A_822 = arith.constant 0 : i32
    %dma_start3A_823 = tpu.memref_slice %arg11[%dma_start3A_821, %dma_start3A_822] : memref<76x128xi32, #tpu.memory_space<vmem>> -> memref<1x128xi32, #tpu.memory_space<vmem>>
    %dma_start3A_824 = tpu.memref_squeeze %dma_start3A_823 : memref<1x128xi32, #tpu.memory_space<vmem>> -> memref<128xi32, #tpu.memory_space<vmem>>
    %dma_start3A_825 = arith.constant 0 : i32
    %dma_start3A_826 = tpu.memref_slice %arg15[%dma_start3A_825] : memref<100352xf32, #tpu.memory_space<vmem_shared>> -> memref<100352xf32, #tpu.memory_space<vmem_shared>>
    tpu.enqueue_indirect_dma source(%arg13 : memref<128xf32, #tpu.memory_space<vmem>>) target(%dma_start3A_826 : memref<100352xf32, #tpu.memory_space<vmem_shared>>) offsets(%dma_start3A_824 : memref<128xi32, #tpu.memory_space<vmem>>) semaphore(%arg17 : memref<!tpu.dma_semaphore, #tpu.memory_space<semaphore_mem>>) {add = true}
    %dma_start3A_827 = arith.constant 72 : i32
    %dma_start3A_828 = arith.constant 0 : i32
    %dma_start3A_829 = tpu.memref_slice %arg11[%dma_start3A_827, %dma_start3A_828] : memref<76x128xi32, #tpu.memory_space<vmem>> -> memref<1x128xi32, #tpu.memory_space<vmem>>
    %dma_start3A_830 = tpu.memref_squeeze %dma_start3A_829 : memref<1x128xi32, #tpu.memory_space<vmem>> -> memref<128xi32, #tpu.memory_space<vmem>>
    %dma_start3A_831 = arith.constant 0 : i32
    %dma_start3A_832 = tpu.memref_slice %arg15[%dma_start3A_831] : memref<100352xf32, #tpu.memory_space<vmem_shared>> -> memref<100352xf32, #tpu.memory_space<vmem_shared>>
    tpu.enqueue_indirect_dma source(%arg13 : memref<128xf32, #tpu.memory_space<vmem>>) target(%dma_start3A_832 : memref<100352xf32, #tpu.memory_space<vmem_shared>>) offsets(%dma_start3A_830 : memref<128xi32, #tpu.memory_space<vmem>>) semaphore(%arg17 : memref<!tpu.dma_semaphore, #tpu.memory_space<semaphore_mem>>) {add = true}
    %dma_start3A_833 = arith.constant 73 : i32
    %dma_start3A_834 = arith.constant 0 : i32
    %dma_start3A_835 = tpu.memref_slice %arg11[%dma_start3A_833, %dma_start3A_834] : memref<76x128xi32, #tpu.memory_space<vmem>> -> memref<1x128xi32, #tpu.memory_space<vmem>>
    %dma_start3A_836 = tpu.memref_squeeze %dma_start3A_835 : memref<1x128xi32, #tpu.memory_space<vmem>> -> memref<128xi32, #tpu.memory_space<vmem>>
    %dma_start3A_837 = arith.constant 0 : i32
    %dma_start3A_838 = tpu.memref_slice %arg15[%dma_start3A_837] : memref<100352xf32, #tpu.memory_space<vmem_shared>> -> memref<100352xf32, #tpu.memory_space<vmem_shared>>
    tpu.enqueue_indirect_dma source(%arg13 : memref<128xf32, #tpu.memory_space<vmem>>) target(%dma_start3A_838 : memref<100352xf32, #tpu.memory_space<vmem_shared>>) offsets(%dma_start3A_836 : memref<128xi32, #tpu.memory_space<vmem>>) semaphore(%arg17 : memref<!tpu.dma_semaphore, #tpu.memory_space<semaphore_mem>>) {add = true}
    %dma_start3A_839 = arith.constant 74 : i32
    %dma_start3A_840 = arith.constant 0 : i32
    %dma_start3A_841 = tpu.memref_slice %arg11[%dma_start3A_839, %dma_start3A_840] : memref<76x128xi32, #tpu.memory_space<vmem>> -> memref<1x128xi32, #tpu.memory_space<vmem>>
    %dma_start3A_842 = tpu.memref_squeeze %dma_start3A_841 : memref<1x128xi32, #tpu.memory_space<vmem>> -> memref<128xi32, #tpu.memory_space<vmem>>
    %dma_start3A_843 = arith.constant 0 : i32
    %dma_start3A_844 = tpu.memref_slice %arg15[%dma_start3A_843] : memref<100352xf32, #tpu.memory_space<vmem_shared>> -> memref<100352xf32, #tpu.memory_space<vmem_shared>>
    tpu.enqueue_indirect_dma source(%arg13 : memref<128xf32, #tpu.memory_space<vmem>>) target(%dma_start3A_844 : memref<100352xf32, #tpu.memory_space<vmem_shared>>) offsets(%dma_start3A_842 : memref<128xi32, #tpu.memory_space<vmem>>) semaphore(%arg17 : memref<!tpu.dma_semaphore, #tpu.memory_space<semaphore_mem>>) {add = true}
    %dma_start3A_845 = arith.constant 75 : i32
    %dma_start3A_846 = arith.constant 0 : i32
    %dma_start3A_847 = tpu.memref_slice %arg11[%dma_start3A_845, %dma_start3A_846] : memref<76x128xi32, #tpu.memory_space<vmem>> -> memref<1x128xi32, #tpu.memory_space<vmem>>
    %dma_start3A_848 = tpu.memref_squeeze %dma_start3A_847 : memref<1x128xi32, #tpu.memory_space<vmem>> -> memref<128xi32, #tpu.memory_space<vmem>>
    %dma_start3A_849 = arith.constant 0 : i32
    %dma_start3A_850 = tpu.memref_slice %arg15[%dma_start3A_849] : memref<100352xf32, #tpu.memory_space<vmem_shared>> -> memref<100352xf32, #tpu.memory_space<vmem_shared>>
    tpu.enqueue_indirect_dma source(%arg13 : memref<128xf32, #tpu.memory_space<vmem>>) target(%dma_start3A_850 : memref<100352xf32, #tpu.memory_space<vmem_shared>>) offsets(%dma_start3A_848 : memref<128xi32, #tpu.memory_space<vmem>>) semaphore(%arg17 : memref<!tpu.dma_semaphore, #tpu.memory_space<semaphore_mem>>) {add = true}
    %dma_wait3A_851 = arith.constant 57 : i32
    %dma_wait3A_852 = arith.constant 0 : i32
    %dma_wait3A_853 = tpu.memref_slice %arg11[%dma_wait3A_851, %dma_wait3A_852] : memref<76x128xi32, #tpu.memory_space<vmem>> -> memref<1x128xi32, #tpu.memory_space<vmem>>
    %dma_wait3A_854 = tpu.memref_squeeze %dma_wait3A_853 : memref<1x128xi32, #tpu.memory_space<vmem>> -> memref<128xi32, #tpu.memory_space<vmem>>
    %dma_wait3A_855 = arith.constant 0 : i32
    %dma_wait3A_856 = tpu.memref_slice %arg15[%dma_wait3A_855] : memref<100352xf32, #tpu.memory_space<vmem_shared>> -> memref<100352xf32, #tpu.memory_space<vmem_shared>>
    tpu.wait_indirect_dma semaphore(%arg17 : memref<!tpu.dma_semaphore, #tpu.memory_space<semaphore_mem>>) src(%arg13 : memref<128xf32, #tpu.memory_space<vmem>>) dst(%dma_wait3A_856 : memref<100352xf32, #tpu.memory_space<vmem_shared>>)
    %dma_wait3A_857 = arith.constant 58 : i32
    %dma_wait3A_858 = arith.constant 0 : i32
    %dma_wait3A_859 = tpu.memref_slice %arg11[%dma_wait3A_857, %dma_wait3A_858] : memref<76x128xi32, #tpu.memory_space<vmem>> -> memref<1x128xi32, #tpu.memory_space<vmem>>
    %dma_wait3A_860 = tpu.memref_squeeze %dma_wait3A_859 : memref<1x128xi32, #tpu.memory_space<vmem>> -> memref<128xi32, #tpu.memory_space<vmem>>
    %dma_wait3A_861 = arith.constant 0 : i32
    %dma_wait3A_862 = tpu.memref_slice %arg15[%dma_wait3A_861] : memref<100352xf32, #tpu.memory_space<vmem_shared>> -> memref<100352xf32, #tpu.memory_space<vmem_shared>>
    tpu.wait_indirect_dma semaphore(%arg17 : memref<!tpu.dma_semaphore, #tpu.memory_space<semaphore_mem>>) src(%arg13 : memref<128xf32, #tpu.memory_space<vmem>>) dst(%dma_wait3A_862 : memref<100352xf32, #tpu.memory_space<vmem_shared>>)
    %dma_wait3A_863 = arith.constant 59 : i32
    %dma_wait3A_864 = arith.constant 0 : i32
    %dma_wait3A_865 = tpu.memref_slice %arg11[%dma_wait3A_863, %dma_wait3A_864] : memref<76x128xi32, #tpu.memory_space<vmem>> -> memref<1x128xi32, #tpu.memory_space<vmem>>
    %dma_wait3A_866 = tpu.memref_squeeze %dma_wait3A_865 : memref<1x128xi32, #tpu.memory_space<vmem>> -> memref<128xi32, #tpu.memory_space<vmem>>
    %dma_wait3A_867 = arith.constant 0 : i32
    %dma_wait3A_868 = tpu.memref_slice %arg15[%dma_wait3A_867] : memref<100352xf32, #tpu.memory_space<vmem_shared>> -> memref<100352xf32, #tpu.memory_space<vmem_shared>>
    tpu.wait_indirect_dma semaphore(%arg17 : memref<!tpu.dma_semaphore, #tpu.memory_space<semaphore_mem>>) src(%arg13 : memref<128xf32, #tpu.memory_space<vmem>>) dst(%dma_wait3A_868 : memref<100352xf32, #tpu.memory_space<vmem_shared>>)
    %dma_wait3A_869 = arith.constant 60 : i32
    %dma_wait3A_870 = arith.constant 0 : i32
    %dma_wait3A_871 = tpu.memref_slice %arg11[%dma_wait3A_869, %dma_wait3A_870] : memref<76x128xi32, #tpu.memory_space<vmem>> -> memref<1x128xi32, #tpu.memory_space<vmem>>
    %dma_wait3A_872 = tpu.memref_squeeze %dma_wait3A_871 : memref<1x128xi32, #tpu.memory_space<vmem>> -> memref<128xi32, #tpu.memory_space<vmem>>
    %dma_wait3A_873 = arith.constant 0 : i32
    %dma_wait3A_874 = tpu.memref_slice %arg15[%dma_wait3A_873] : memref<100352xf32, #tpu.memory_space<vmem_shared>> -> memref<100352xf32, #tpu.memory_space<vmem_shared>>
    tpu.wait_indirect_dma semaphore(%arg17 : memref<!tpu.dma_semaphore, #tpu.memory_space<semaphore_mem>>) src(%arg13 : memref<128xf32, #tpu.memory_space<vmem>>) dst(%dma_wait3A_874 : memref<100352xf32, #tpu.memory_space<vmem_shared>>)
    %dma_wait3A_875 = arith.constant 61 : i32
    %dma_wait3A_876 = arith.constant 0 : i32
    %dma_wait3A_877 = tpu.memref_slice %arg11[%dma_wait3A_875, %dma_wait3A_876] : memref<76x128xi32, #tpu.memory_space<vmem>> -> memref<1x128xi32, #tpu.memory_space<vmem>>
    %dma_wait3A_878 = tpu.memref_squeeze %dma_wait3A_877 : memref<1x128xi32, #tpu.memory_space<vmem>> -> memref<128xi32, #tpu.memory_space<vmem>>
    %dma_wait3A_879 = arith.constant 0 : i32
    %dma_wait3A_880 = tpu.memref_slice %arg15[%dma_wait3A_879] : memref<100352xf32, #tpu.memory_space<vmem_shared>> -> memref<100352xf32, #tpu.memory_space<vmem_shared>>
    tpu.wait_indirect_dma semaphore(%arg17 : memref<!tpu.dma_semaphore, #tpu.memory_space<semaphore_mem>>) src(%arg13 : memref<128xf32, #tpu.memory_space<vmem>>) dst(%dma_wait3A_880 : memref<100352xf32, #tpu.memory_space<vmem_shared>>)
    %dma_wait3A_881 = arith.constant 62 : i32
    %dma_wait3A_882 = arith.constant 0 : i32
    %dma_wait3A_883 = tpu.memref_slice %arg11[%dma_wait3A_881, %dma_wait3A_882] : memref<76x128xi32, #tpu.memory_space<vmem>> -> memref<1x128xi32, #tpu.memory_space<vmem>>
    %dma_wait3A_884 = tpu.memref_squeeze %dma_wait3A_883 : memref<1x128xi32, #tpu.memory_space<vmem>> -> memref<128xi32, #tpu.memory_space<vmem>>
    %dma_wait3A_885 = arith.constant 0 : i32
    %dma_wait3A_886 = tpu.memref_slice %arg15[%dma_wait3A_885] : memref<100352xf32, #tpu.memory_space<vmem_shared>> -> memref<100352xf32, #tpu.memory_space<vmem_shared>>
    tpu.wait_indirect_dma semaphore(%arg17 : memref<!tpu.dma_semaphore, #tpu.memory_space<semaphore_mem>>) src(%arg13 : memref<128xf32, #tpu.memory_space<vmem>>) dst(%dma_wait3A_886 : memref<100352xf32, #tpu.memory_space<vmem_shared>>)
    %dma_wait3A_887 = arith.constant 63 : i32
    %dma_wait3A_888 = arith.constant 0 : i32
    %dma_wait3A_889 = tpu.memref_slice %arg11[%dma_wait3A_887, %dma_wait3A_888] : memref<76x128xi32, #tpu.memory_space<vmem>> -> memref<1x128xi32, #tpu.memory_space<vmem>>
    %dma_wait3A_890 = tpu.memref_squeeze %dma_wait3A_889 : memref<1x128xi32, #tpu.memory_space<vmem>> -> memref<128xi32, #tpu.memory_space<vmem>>
    %dma_wait3A_891 = arith.constant 0 : i32
    %dma_wait3A_892 = tpu.memref_slice %arg15[%dma_wait3A_891] : memref<100352xf32, #tpu.memory_space<vmem_shared>> -> memref<100352xf32, #tpu.memory_space<vmem_shared>>
    tpu.wait_indirect_dma semaphore(%arg17 : memref<!tpu.dma_semaphore, #tpu.memory_space<semaphore_mem>>) src(%arg13 : memref<128xf32, #tpu.memory_space<vmem>>) dst(%dma_wait3A_892 : memref<100352xf32, #tpu.memory_space<vmem_shared>>)
    %dma_wait3A_893 = arith.constant 64 : i32
    %dma_wait3A_894 = arith.constant 0 : i32
    %dma_wait3A_895 = tpu.memref_slice %arg11[%dma_wait3A_893, %dma_wait3A_894] : memref<76x128xi32, #tpu.memory_space<vmem>> -> memref<1x128xi32, #tpu.memory_space<vmem>>
    %dma_wait3A_896 = tpu.memref_squeeze %dma_wait3A_895 : memref<1x128xi32, #tpu.memory_space<vmem>> -> memref<128xi32, #tpu.memory_space<vmem>>
    %dma_wait3A_897 = arith.constant 0 : i32
    %dma_wait3A_898 = tpu.memref_slice %arg15[%dma_wait3A_897] : memref<100352xf32, #tpu.memory_space<vmem_shared>> -> memref<100352xf32, #tpu.memory_space<vmem_shared>>
    tpu.wait_indirect_dma semaphore(%arg17 : memref<!tpu.dma_semaphore, #tpu.memory_space<semaphore_mem>>) src(%arg13 : memref<128xf32, #tpu.memory_space<vmem>>) dst(%dma_wait3A_898 : memref<100352xf32, #tpu.memory_space<vmem_shared>>)
    %dma_wait3A_899 = arith.constant 65 : i32
    %dma_wait3A_900 = arith.constant 0 : i32
    %dma_wait3A_901 = tpu.memref_slice %arg11[%dma_wait3A_899, %dma_wait3A_900] : memref<76x128xi32, #tpu.memory_space<vmem>> -> memref<1x128xi32, #tpu.memory_space<vmem>>
    %dma_wait3A_902 = tpu.memref_squeeze %dma_wait3A_901 : memref<1x128xi32, #tpu.memory_space<vmem>> -> memref<128xi32, #tpu.memory_space<vmem>>
    %dma_wait3A_903 = arith.constant 0 : i32
    %dma_wait3A_904 = tpu.memref_slice %arg15[%dma_wait3A_903] : memref<100352xf32, #tpu.memory_space<vmem_shared>> -> memref<100352xf32, #tpu.memory_space<vmem_shared>>
    tpu.wait_indirect_dma semaphore(%arg17 : memref<!tpu.dma_semaphore, #tpu.memory_space<semaphore_mem>>) src(%arg13 : memref<128xf32, #tpu.memory_space<vmem>>) dst(%dma_wait3A_904 : memref<100352xf32, #tpu.memory_space<vmem_shared>>)
    %dma_wait3A_905 = arith.constant 66 : i32
    %dma_wait3A_906 = arith.constant 0 : i32
    %dma_wait3A_907 = tpu.memref_slice %arg11[%dma_wait3A_905, %dma_wait3A_906] : memref<76x128xi32, #tpu.memory_space<vmem>> -> memref<1x128xi32, #tpu.memory_space<vmem>>
    %dma_wait3A_908 = tpu.memref_squeeze %dma_wait3A_907 : memref<1x128xi32, #tpu.memory_space<vmem>> -> memref<128xi32, #tpu.memory_space<vmem>>
    %dma_wait3A_909 = arith.constant 0 : i32
    %dma_wait3A_910 = tpu.memref_slice %arg15[%dma_wait3A_909] : memref<100352xf32, #tpu.memory_space<vmem_shared>> -> memref<100352xf32, #tpu.memory_space<vmem_shared>>
    tpu.wait_indirect_dma semaphore(%arg17 : memref<!tpu.dma_semaphore, #tpu.memory_space<semaphore_mem>>) src(%arg13 : memref<128xf32, #tpu.memory_space<vmem>>) dst(%dma_wait3A_910 : memref<100352xf32, #tpu.memory_space<vmem_shared>>)
    %dma_wait3A_911 = arith.constant 67 : i32
    %dma_wait3A_912 = arith.constant 0 : i32
    %dma_wait3A_913 = tpu.memref_slice %arg11[%dma_wait3A_911, %dma_wait3A_912] : memref<76x128xi32, #tpu.memory_space<vmem>> -> memref<1x128xi32, #tpu.memory_space<vmem>>
    %dma_wait3A_914 = tpu.memref_squeeze %dma_wait3A_913 : memref<1x128xi32, #tpu.memory_space<vmem>> -> memref<128xi32, #tpu.memory_space<vmem>>
    %dma_wait3A_915 = arith.constant 0 : i32
    %dma_wait3A_916 = tpu.memref_slice %arg15[%dma_wait3A_915] : memref<100352xf32, #tpu.memory_space<vmem_shared>> -> memref<100352xf32, #tpu.memory_space<vmem_shared>>
    tpu.wait_indirect_dma semaphore(%arg17 : memref<!tpu.dma_semaphore, #tpu.memory_space<semaphore_mem>>) src(%arg13 : memref<128xf32, #tpu.memory_space<vmem>>) dst(%dma_wait3A_916 : memref<100352xf32, #tpu.memory_space<vmem_shared>>)
    %dma_wait3A_917 = arith.constant 68 : i32
    %dma_wait3A_918 = arith.constant 0 : i32
    %dma_wait3A_919 = tpu.memref_slice %arg11[%dma_wait3A_917, %dma_wait3A_918] : memref<76x128xi32, #tpu.memory_space<vmem>> -> memref<1x128xi32, #tpu.memory_space<vmem>>
    %dma_wait3A_920 = tpu.memref_squeeze %dma_wait3A_919 : memref<1x128xi32, #tpu.memory_space<vmem>> -> memref<128xi32, #tpu.memory_space<vmem>>
    %dma_wait3A_921 = arith.constant 0 : i32
    %dma_wait3A_922 = tpu.memref_slice %arg15[%dma_wait3A_921] : memref<100352xf32, #tpu.memory_space<vmem_shared>> -> memref<100352xf32, #tpu.memory_space<vmem_shared>>
    tpu.wait_indirect_dma semaphore(%arg17 : memref<!tpu.dma_semaphore, #tpu.memory_space<semaphore_mem>>) src(%arg13 : memref<128xf32, #tpu.memory_space<vmem>>) dst(%dma_wait3A_922 : memref<100352xf32, #tpu.memory_space<vmem_shared>>)
    %dma_wait3A_923 = arith.constant 69 : i32
    %dma_wait3A_924 = arith.constant 0 : i32
    %dma_wait3A_925 = tpu.memref_slice %arg11[%dma_wait3A_923, %dma_wait3A_924] : memref<76x128xi32, #tpu.memory_space<vmem>> -> memref<1x128xi32, #tpu.memory_space<vmem>>
    %dma_wait3A_926 = tpu.memref_squeeze %dma_wait3A_925 : memref<1x128xi32, #tpu.memory_space<vmem>> -> memref<128xi32, #tpu.memory_space<vmem>>
    %dma_wait3A_927 = arith.constant 0 : i32
    %dma_wait3A_928 = tpu.memref_slice %arg15[%dma_wait3A_927] : memref<100352xf32, #tpu.memory_space<vmem_shared>> -> memref<100352xf32, #tpu.memory_space<vmem_shared>>
    tpu.wait_indirect_dma semaphore(%arg17 : memref<!tpu.dma_semaphore, #tpu.memory_space<semaphore_mem>>) src(%arg13 : memref<128xf32, #tpu.memory_space<vmem>>) dst(%dma_wait3A_928 : memref<100352xf32, #tpu.memory_space<vmem_shared>>)
    %dma_wait3A_929 = arith.constant 70 : i32
    %dma_wait3A_930 = arith.constant 0 : i32
    %dma_wait3A_931 = tpu.memref_slice %arg11[%dma_wait3A_929, %dma_wait3A_930] : memref<76x128xi32, #tpu.memory_space<vmem>> -> memref<1x128xi32, #tpu.memory_space<vmem>>
    %dma_wait3A_932 = tpu.memref_squeeze %dma_wait3A_931 : memref<1x128xi32, #tpu.memory_space<vmem>> -> memref<128xi32, #tpu.memory_space<vmem>>
    %dma_wait3A_933 = arith.constant 0 : i32
    %dma_wait3A_934 = tpu.memref_slice %arg15[%dma_wait3A_933] : memref<100352xf32, #tpu.memory_space<vmem_shared>> -> memref<100352xf32, #tpu.memory_space<vmem_shared>>
    tpu.wait_indirect_dma semaphore(%arg17 : memref<!tpu.dma_semaphore, #tpu.memory_space<semaphore_mem>>) src(%arg13 : memref<128xf32, #tpu.memory_space<vmem>>) dst(%dma_wait3A_934 : memref<100352xf32, #tpu.memory_space<vmem_shared>>)
    %dma_wait3A_935 = arith.constant 71 : i32
    %dma_wait3A_936 = arith.constant 0 : i32
    %dma_wait3A_937 = tpu.memref_slice %arg11[%dma_wait3A_935, %dma_wait3A_936] : memref<76x128xi32, #tpu.memory_space<vmem>> -> memref<1x128xi32, #tpu.memory_space<vmem>>
    %dma_wait3A_938 = tpu.memref_squeeze %dma_wait3A_937 : memref<1x128xi32, #tpu.memory_space<vmem>> -> memref<128xi32, #tpu.memory_space<vmem>>
    %dma_wait3A_939 = arith.constant 0 : i32
    %dma_wait3A_940 = tpu.memref_slice %arg15[%dma_wait3A_939] : memref<100352xf32, #tpu.memory_space<vmem_shared>> -> memref<100352xf32, #tpu.memory_space<vmem_shared>>
    tpu.wait_indirect_dma semaphore(%arg17 : memref<!tpu.dma_semaphore, #tpu.memory_space<semaphore_mem>>) src(%arg13 : memref<128xf32, #tpu.memory_space<vmem>>) dst(%dma_wait3A_940 : memref<100352xf32, #tpu.memory_space<vmem_shared>>)
    %dma_wait3A_941 = arith.constant 72 : i32
    %dma_wait3A_942 = arith.constant 0 : i32
    %dma_wait3A_943 = tpu.memref_slice %arg11[%dma_wait3A_941, %dma_wait3A_942] : memref<76x128xi32, #tpu.memory_space<vmem>> -> memref<1x128xi32, #tpu.memory_space<vmem>>
    %dma_wait3A_944 = tpu.memref_squeeze %dma_wait3A_943 : memref<1x128xi32, #tpu.memory_space<vmem>> -> memref<128xi32, #tpu.memory_space<vmem>>
    %dma_wait3A_945 = arith.constant 0 : i32
    %dma_wait3A_946 = tpu.memref_slice %arg15[%dma_wait3A_945] : memref<100352xf32, #tpu.memory_space<vmem_shared>> -> memref<100352xf32, #tpu.memory_space<vmem_shared>>
    tpu.wait_indirect_dma semaphore(%arg17 : memref<!tpu.dma_semaphore, #tpu.memory_space<semaphore_mem>>) src(%arg13 : memref<128xf32, #tpu.memory_space<vmem>>) dst(%dma_wait3A_946 : memref<100352xf32, #tpu.memory_space<vmem_shared>>)
    %dma_wait3A_947 = arith.constant 73 : i32
    %dma_wait3A_948 = arith.constant 0 : i32
    %dma_wait3A_949 = tpu.memref_slice %arg11[%dma_wait3A_947, %dma_wait3A_948] : memref<76x128xi32, #tpu.memory_space<vmem>> -> memref<1x128xi32, #tpu.memory_space<vmem>>
    %dma_wait3A_950 = tpu.memref_squeeze %dma_wait3A_949 : memref<1x128xi32, #tpu.memory_space<vmem>> -> memref<128xi32, #tpu.memory_space<vmem>>
    %dma_wait3A_951 = arith.constant 0 : i32
    %dma_wait3A_952 = tpu.memref_slice %arg15[%dma_wait3A_951] : memref<100352xf32, #tpu.memory_space<vmem_shared>> -> memref<100352xf32, #tpu.memory_space<vmem_shared>>
    tpu.wait_indirect_dma semaphore(%arg17 : memref<!tpu.dma_semaphore, #tpu.memory_space<semaphore_mem>>) src(%arg13 : memref<128xf32, #tpu.memory_space<vmem>>) dst(%dma_wait3A_952 : memref<100352xf32, #tpu.memory_space<vmem_shared>>)
    %dma_wait3A_953 = arith.constant 74 : i32
    %dma_wait3A_954 = arith.constant 0 : i32
    %dma_wait3A_955 = tpu.memref_slice %arg11[%dma_wait3A_953, %dma_wait3A_954] : memref<76x128xi32, #tpu.memory_space<vmem>> -> memref<1x128xi32, #tpu.memory_space<vmem>>
    %dma_wait3A_956 = tpu.memref_squeeze %dma_wait3A_955 : memref<1x128xi32, #tpu.memory_space<vmem>> -> memref<128xi32, #tpu.memory_space<vmem>>
    %dma_wait3A_957 = arith.constant 0 : i32
    %dma_wait3A_958 = tpu.memref_slice %arg15[%dma_wait3A_957] : memref<100352xf32, #tpu.memory_space<vmem_shared>> -> memref<100352xf32, #tpu.memory_space<vmem_shared>>
    tpu.wait_indirect_dma semaphore(%arg17 : memref<!tpu.dma_semaphore, #tpu.memory_space<semaphore_mem>>) src(%arg13 : memref<128xf32, #tpu.memory_space<vmem>>) dst(%dma_wait3A_958 : memref<100352xf32, #tpu.memory_space<vmem_shared>>)
    %dma_wait3A_959 = arith.constant 75 : i32
    %dma_wait3A_960 = arith.constant 0 : i32
    %dma_wait3A_961 = tpu.memref_slice %arg11[%dma_wait3A_959, %dma_wait3A_960] : memref<76x128xi32, #tpu.memory_space<vmem>> -> memref<1x128xi32, #tpu.memory_space<vmem>>
    %dma_wait3A_962 = tpu.memref_squeeze %dma_wait3A_961 : memref<1x128xi32, #tpu.memory_space<vmem>> -> memref<128xi32, #tpu.memory_space<vmem>>
    %dma_wait3A_963 = arith.constant 0 : i32
    %dma_wait3A_964 = tpu.memref_slice %arg15[%dma_wait3A_963] : memref<100352xf32, #tpu.memory_space<vmem_shared>> -> memref<100352xf32, #tpu.memory_space<vmem_shared>>
    tpu.wait_indirect_dma semaphore(%arg17 : memref<!tpu.dma_semaphore, #tpu.memory_space<semaphore_mem>>) src(%arg13 : memref<128xf32, #tpu.memory_space<vmem>>) dst(%dma_wait3A_964 : memref<100352xf32, #tpu.memory_space<vmem_shared>>)
    "tpu.region"() ({
      %run_scoped3A = tpu.sem_alloc : memref<!tpu.dma_semaphore, #tpu.memory_space<semaphore_mem>>
      %dma_start3A_1132 = arith.constant 0 : i32
      %dma_start3A_1133 = arith.constant 0 : i32
      %dma_start3A_1134 = tpu.memref_slice %arg4[%add3A, %dma_start3A_1132, %dma_start3A_1133] : memref<32x4x128xi32, #tpu.memory_space<hbm>> -> memref<1x4x128xi32, #tpu.memory_space<hbm>>
      %dma_start3A_1135 = tpu.memref_squeeze %dma_start3A_1134 : memref<1x4x128xi32, #tpu.memory_space<hbm>> -> memref<4x128xi32, #tpu.memory_space<hbm>>
      %dma_start3A_1136 = arith.constant 0 : i32
      %dma_start3A_1137 = arith.constant 0 : i32
      %dma_start3A_1138 = tpu.memref_slice %arg4[%add3A, %dma_start3A_1136, %dma_start3A_1137] : memref<32x4x128xi32, #tpu.memory_space<hbm>> -> memref<1x4x128xi32, #tpu.memory_space<hbm>>
      %dma_start3A_1139 = tpu.memref_squeeze %dma_start3A_1138 : memref<1x4x128xi32, #tpu.memory_space<hbm>> -> memref<4x128xi32, #tpu.memory_space<hbm>>
      tpu.enqueue_dma source(%dma_start3A_1139 : memref<4x128xi32, #tpu.memory_space<hbm>>) target(%arg10 : memref<4x128xi32, #tpu.memory_space<vmem>>) target_semaphore(%run_scoped3A : memref<!tpu.dma_semaphore, #tpu.memory_space<semaphore_mem>>)
      %dma_wait3A_1140 = arith.constant 0 : i32
      %dma_wait3A_1141 = arith.constant 0 : i32
      %dma_wait3A_1142 = tpu.memref_slice %arg4[%add3A, %dma_wait3A_1140, %dma_wait3A_1141] : memref<32x4x128xi32, #tpu.memory_space<hbm>> -> memref<1x4x128xi32, #tpu.memory_space<hbm>>
      %dma_wait3A_1143 = tpu.memref_squeeze %dma_wait3A_1142 : memref<1x4x128xi32, #tpu.memory_space<hbm>> -> memref<4x128xi32, #tpu.memory_space<hbm>>
      %dma_wait3A_1144 = arith.constant 0 : i32
      %dma_wait3A_1145 = arith.constant 0 : i32
      %dma_wait3A_1146 = tpu.memref_slice %arg4[%add3A, %dma_wait3A_1144, %dma_wait3A_1145] : memref<32x4x128xi32, #tpu.memory_space<hbm>> -> memref<1x4x128xi32, #tpu.memory_space<hbm>>
      %dma_wait3A_1147 = tpu.memref_squeeze %dma_wait3A_1146 : memref<1x4x128xi32, #tpu.memory_space<hbm>> -> memref<4x128xi32, #tpu.memory_space<hbm>>
      tpu.wait_dma2 semaphore(%run_scoped3A : memref<!tpu.dma_semaphore, #tpu.memory_space<semaphore_mem>>) src(%dma_wait3A_1147 : memref<4x128xi32, #tpu.memory_space<hbm>>) dst(%arg10 : memref<4x128xi32, #tpu.memory_space<vmem>>)
      tpu.yield
    }) : () -> ()
    %dma_start3A_965 = arith.constant 0 : i32
    %dma_start3A_966 = arith.constant 0 : i32
    %dma_start3A_967 = arith.constant 0 : i32
    %dma_start3A_968 = tpu.memref_slice %arg12[%dma_start3A_966, %dma_start3A_967] : memref<512x128xf32, #tpu.memory_space<vmem>> -> memref<128x128xf32, #tpu.memory_space<vmem>>
    %dma_start3A_969 = arith.constant 0 : i32
    %dma_start3A_970 = tpu.memref_slice %arg10[%dma_start3A_965, %dma_start3A_969] : memref<4x128xi32, #tpu.memory_space<vmem>> -> memref<1x128xi32, #tpu.memory_space<vmem>>
    %dma_start3A_971 = tpu.memref_squeeze %dma_start3A_970 : memref<1x128xi32, #tpu.memory_space<vmem>> -> memref<128xi32, #tpu.memory_space<vmem>>
    %dma_start3A_972 = arith.constant 0 : i32
    %dma_start3A_973 = arith.constant 0 : i32
    %dma_start3A_974 = tpu.memref_slice %arg2[%dma_start3A_972, %dma_start3A_973] : memref<100000x128xf32, #tpu.memory_space<hbm>> -> memref<100000x128xf32, #tpu.memory_space<hbm>>
    tpu.enqueue_indirect_dma source(%dma_start3A_974 : memref<100000x128xf32, #tpu.memory_space<hbm>>) target(%dma_start3A_968 : memref<128x128xf32, #tpu.memory_space<vmem>>) offsets(%dma_start3A_971 : memref<128xi32, #tpu.memory_space<vmem>>) semaphore(%arg16 : memref<!tpu.dma_semaphore, #tpu.memory_space<semaphore_mem>>)
    %dma_start3A_975 = arith.constant 1 : i32
    %dma_start3A_976 = arith.constant 128 : i32
    %dma_start3A_977 = arith.constant 0 : i32
    %dma_start3A_978 = tpu.memref_slice %arg12[%dma_start3A_976, %dma_start3A_977] : memref<512x128xf32, #tpu.memory_space<vmem>> -> memref<128x128xf32, #tpu.memory_space<vmem>>
    %dma_start3A_979 = arith.constant 0 : i32
    %dma_start3A_980 = tpu.memref_slice %arg10[%dma_start3A_975, %dma_start3A_979] : memref<4x128xi32, #tpu.memory_space<vmem>> -> memref<1x128xi32, #tpu.memory_space<vmem>>
    %dma_start3A_981 = tpu.memref_squeeze %dma_start3A_980 : memref<1x128xi32, #tpu.memory_space<vmem>> -> memref<128xi32, #tpu.memory_space<vmem>>
    %dma_start3A_982 = arith.constant 0 : i32
    %dma_start3A_983 = arith.constant 0 : i32
    %dma_start3A_984 = tpu.memref_slice %arg2[%dma_start3A_982, %dma_start3A_983] : memref<100000x128xf32, #tpu.memory_space<hbm>> -> memref<100000x128xf32, #tpu.memory_space<hbm>>
    tpu.enqueue_indirect_dma source(%dma_start3A_984 : memref<100000x128xf32, #tpu.memory_space<hbm>>) target(%dma_start3A_978 : memref<128x128xf32, #tpu.memory_space<vmem>>) offsets(%dma_start3A_981 : memref<128xi32, #tpu.memory_space<vmem>>) semaphore(%arg16 : memref<!tpu.dma_semaphore, #tpu.memory_space<semaphore_mem>>)
    %dma_start3A_985 = arith.constant 2 : i32
    %dma_start3A_986 = arith.constant 256 : i32
    %dma_start3A_987 = arith.constant 0 : i32
    %dma_start3A_988 = tpu.memref_slice %arg12[%dma_start3A_986, %dma_start3A_987] : memref<512x128xf32, #tpu.memory_space<vmem>> -> memref<128x128xf32, #tpu.memory_space<vmem>>
    %dma_start3A_989 = arith.constant 0 : i32
    %dma_start3A_990 = tpu.memref_slice %arg10[%dma_start3A_985, %dma_start3A_989] : memref<4x128xi32, #tpu.memory_space<vmem>> -> memref<1x128xi32, #tpu.memory_space<vmem>>
    %dma_start3A_991 = tpu.memref_squeeze %dma_start3A_990 : memref<1x128xi32, #tpu.memory_space<vmem>> -> memref<128xi32, #tpu.memory_space<vmem>>
    %dma_start3A_992 = arith.constant 0 : i32
    %dma_start3A_993 = arith.constant 0 : i32
    %dma_start3A_994 = tpu.memref_slice %arg2[%dma_start3A_992, %dma_start3A_993] : memref<100000x128xf32, #tpu.memory_space<hbm>> -> memref<100000x128xf32, #tpu.memory_space<hbm>>
    tpu.enqueue_indirect_dma source(%dma_start3A_994 : memref<100000x128xf32, #tpu.memory_space<hbm>>) target(%dma_start3A_988 : memref<128x128xf32, #tpu.memory_space<vmem>>) offsets(%dma_start3A_991 : memref<128xi32, #tpu.memory_space<vmem>>) semaphore(%arg16 : memref<!tpu.dma_semaphore, #tpu.memory_space<semaphore_mem>>)
    %dma_start3A_995 = arith.constant 3 : i32
    %dma_start3A_996 = arith.constant 384 : i32
    %dma_start3A_997 = arith.constant 0 : i32
    %dma_start3A_998 = tpu.memref_slice %arg12[%dma_start3A_996, %dma_start3A_997] : memref<512x128xf32, #tpu.memory_space<vmem>> -> memref<128x128xf32, #tpu.memory_space<vmem>>
    %dma_start3A_999 = arith.constant 0 : i32
    %dma_start3A_1000 = tpu.memref_slice %arg10[%dma_start3A_995, %dma_start3A_999] : memref<4x128xi32, #tpu.memory_space<vmem>> -> memref<1x128xi32, #tpu.memory_space<vmem>>
    %dma_start3A_1001 = tpu.memref_squeeze %dma_start3A_1000 : memref<1x128xi32, #tpu.memory_space<vmem>> -> memref<128xi32, #tpu.memory_space<vmem>>
    %dma_start3A_1002 = arith.constant 0 : i32
    %dma_start3A_1003 = arith.constant 0 : i32
    %dma_start3A_1004 = tpu.memref_slice %arg2[%dma_start3A_1002, %dma_start3A_1003] : memref<100000x128xf32, #tpu.memory_space<hbm>> -> memref<100000x128xf32, #tpu.memory_space<hbm>>
    tpu.enqueue_indirect_dma source(%dma_start3A_1004 : memref<100000x128xf32, #tpu.memory_space<hbm>>) target(%dma_start3A_998 : memref<128x128xf32, #tpu.memory_space<vmem>>) offsets(%dma_start3A_1001 : memref<128xi32, #tpu.memory_space<vmem>>) semaphore(%arg16 : memref<!tpu.dma_semaphore, #tpu.memory_space<semaphore_mem>>)
    %dma_wait3A_1005 = arith.constant 0 : i32
    %dma_wait3A_1006 = arith.constant 0 : i32
    %dma_wait3A_1007 = arith.constant 0 : i32
    %dma_wait3A_1008 = tpu.memref_slice %arg12[%dma_wait3A_1006, %dma_wait3A_1007] : memref<512x128xf32, #tpu.memory_space<vmem>> -> memref<128x128xf32, #tpu.memory_space<vmem>>
    %dma_wait3A_1009 = arith.constant 0 : i32
    %dma_wait3A_1010 = tpu.memref_slice %arg10[%dma_wait3A_1005, %dma_wait3A_1009] : memref<4x128xi32, #tpu.memory_space<vmem>> -> memref<1x128xi32, #tpu.memory_space<vmem>>
    %dma_wait3A_1011 = tpu.memref_squeeze %dma_wait3A_1010 : memref<1x128xi32, #tpu.memory_space<vmem>> -> memref<128xi32, #tpu.memory_space<vmem>>
    %dma_wait3A_1012 = arith.constant 0 : i32
    %dma_wait3A_1013 = arith.constant 0 : i32
    %dma_wait3A_1014 = tpu.memref_slice %arg2[%dma_wait3A_1012, %dma_wait3A_1013] : memref<100000x128xf32, #tpu.memory_space<hbm>> -> memref<100000x128xf32, #tpu.memory_space<hbm>>
    tpu.wait_indirect_dma semaphore(%arg16 : memref<!tpu.dma_semaphore, #tpu.memory_space<semaphore_mem>>) src(%dma_wait3A_1014 : memref<100000x128xf32, #tpu.memory_space<hbm>>) dst(%dma_wait3A_1008 : memref<128x128xf32, #tpu.memory_space<vmem>>)
    %dma_wait3A_1015 = arith.constant 1 : i32
    %dma_wait3A_1016 = arith.constant 128 : i32
    %dma_wait3A_1017 = arith.constant 0 : i32
    %dma_wait3A_1018 = tpu.memref_slice %arg12[%dma_wait3A_1016, %dma_wait3A_1017] : memref<512x128xf32, #tpu.memory_space<vmem>> -> memref<128x128xf32, #tpu.memory_space<vmem>>
    %dma_wait3A_1019 = arith.constant 0 : i32
    %dma_wait3A_1020 = tpu.memref_slice %arg10[%dma_wait3A_1015, %dma_wait3A_1019] : memref<4x128xi32, #tpu.memory_space<vmem>> -> memref<1x128xi32, #tpu.memory_space<vmem>>
    %dma_wait3A_1021 = tpu.memref_squeeze %dma_wait3A_1020 : memref<1x128xi32, #tpu.memory_space<vmem>> -> memref<128xi32, #tpu.memory_space<vmem>>
    %dma_wait3A_1022 = arith.constant 0 : i32
    %dma_wait3A_1023 = arith.constant 0 : i32
    %dma_wait3A_1024 = tpu.memref_slice %arg2[%dma_wait3A_1022, %dma_wait3A_1023] : memref<100000x128xf32, #tpu.memory_space<hbm>> -> memref<100000x128xf32, #tpu.memory_space<hbm>>
    tpu.wait_indirect_dma semaphore(%arg16 : memref<!tpu.dma_semaphore, #tpu.memory_space<semaphore_mem>>) src(%dma_wait3A_1024 : memref<100000x128xf32, #tpu.memory_space<hbm>>) dst(%dma_wait3A_1018 : memref<128x128xf32, #tpu.memory_space<vmem>>)
    %dma_wait3A_1025 = arith.constant 2 : i32
    %dma_wait3A_1026 = arith.constant 256 : i32
    %dma_wait3A_1027 = arith.constant 0 : i32
    %dma_wait3A_1028 = tpu.memref_slice %arg12[%dma_wait3A_1026, %dma_wait3A_1027] : memref<512x128xf32, #tpu.memory_space<vmem>> -> memref<128x128xf32, #tpu.memory_space<vmem>>
    %dma_wait3A_1029 = arith.constant 0 : i32
    %dma_wait3A_1030 = tpu.memref_slice %arg10[%dma_wait3A_1025, %dma_wait3A_1029] : memref<4x128xi32, #tpu.memory_space<vmem>> -> memref<1x128xi32, #tpu.memory_space<vmem>>
    %dma_wait3A_1031 = tpu.memref_squeeze %dma_wait3A_1030 : memref<1x128xi32, #tpu.memory_space<vmem>> -> memref<128xi32, #tpu.memory_space<vmem>>
    %dma_wait3A_1032 = arith.constant 0 : i32
    %dma_wait3A_1033 = arith.constant 0 : i32
    %dma_wait3A_1034 = tpu.memref_slice %arg2[%dma_wait3A_1032, %dma_wait3A_1033] : memref<100000x128xf32, #tpu.memory_space<hbm>> -> memref<100000x128xf32, #tpu.memory_space<hbm>>
    tpu.wait_indirect_dma semaphore(%arg16 : memref<!tpu.dma_semaphore, #tpu.memory_space<semaphore_mem>>) src(%dma_wait3A_1034 : memref<100000x128xf32, #tpu.memory_space<hbm>>) dst(%dma_wait3A_1028 : memref<128x128xf32, #tpu.memory_space<vmem>>)
    %dma_wait3A_1035 = arith.constant 3 : i32
    %dma_wait3A_1036 = arith.constant 384 : i32
    %dma_wait3A_1037 = arith.constant 0 : i32
    %dma_wait3A_1038 = tpu.memref_slice %arg12[%dma_wait3A_1036, %dma_wait3A_1037] : memref<512x128xf32, #tpu.memory_space<vmem>> -> memref<128x128xf32, #tpu.memory_space<vmem>>
    %dma_wait3A_1039 = arith.constant 0 : i32
    %dma_wait3A_1040 = tpu.memref_slice %arg10[%dma_wait3A_1035, %dma_wait3A_1039] : memref<4x128xi32, #tpu.memory_space<vmem>> -> memref<1x128xi32, #tpu.memory_space<vmem>>
    %dma_wait3A_1041 = tpu.memref_squeeze %dma_wait3A_1040 : memref<1x128xi32, #tpu.memory_space<vmem>> -> memref<128xi32, #tpu.memory_space<vmem>>
    %dma_wait3A_1042 = arith.constant 0 : i32
    %dma_wait3A_1043 = arith.constant 0 : i32
    %dma_wait3A_1044 = tpu.memref_slice %arg2[%dma_wait3A_1042, %dma_wait3A_1043] : memref<100000x128xf32, #tpu.memory_space<hbm>> -> memref<100000x128xf32, #tpu.memory_space<hbm>>
    tpu.wait_indirect_dma semaphore(%arg16 : memref<!tpu.dma_semaphore, #tpu.memory_space<semaphore_mem>>) src(%dma_wait3A_1044 : memref<100000x128xf32, #tpu.memory_space<hbm>>) dst(%dma_wait3A_1038 : memref<128x128xf32, #tpu.memory_space<vmem>>)
    %mul3A_1045 = arith.constant 512 : i32
    %mul3A_1046 = arith.muli %add3A, %mul3A_1045 : i32
    "tpu.region"() ({
      %run_scoped3A = tpu.sem_alloc : memref<!tpu.dma_semaphore, #tpu.memory_space<semaphore_mem>>
      %dma_start3A_1132 = arith.constant 0 : i32
      %dma_start3A_1133 = tpu.memref_slice %arg7[%mul3A_1046, %dma_start3A_1132] : memref<16384x128xf32, #tpu.memory_space<hbm>> -> memref<512x128xf32, #tpu.memory_space<hbm>>
      %dma_start3A_1134 = arith.constant 0 : i32
      %dma_start3A_1135 = tpu.memref_slice %arg7[%mul3A_1046, %dma_start3A_1134] : memref<16384x128xf32, #tpu.memory_space<hbm>> -> memref<512x128xf32, #tpu.memory_space<hbm>>
      tpu.enqueue_dma source(%arg12 : memref<512x128xf32, #tpu.memory_space<vmem>>) target(%dma_start3A_1135 : memref<512x128xf32, #tpu.memory_space<hbm>>) target_semaphore(%run_scoped3A : memref<!tpu.dma_semaphore, #tpu.memory_space<semaphore_mem>>)
      %dma_wait3A_1136 = arith.constant 0 : i32
      %dma_wait3A_1137 = tpu.memref_slice %arg7[%mul3A_1046, %dma_wait3A_1136] : memref<16384x128xf32, #tpu.memory_space<hbm>> -> memref<512x128xf32, #tpu.memory_space<hbm>>
      %dma_wait3A_1138 = arith.constant 0 : i32
      %dma_wait3A_1139 = tpu.memref_slice %arg7[%mul3A_1046, %dma_wait3A_1138] : memref<16384x128xf32, #tpu.memory_space<hbm>> -> memref<512x128xf32, #tpu.memory_space<hbm>>
      tpu.wait_dma2 semaphore(%run_scoped3A : memref<!tpu.dma_semaphore, #tpu.memory_space<semaphore_mem>>) src(%arg12 : memref<512x128xf32, #tpu.memory_space<vmem>>) dst(%dma_wait3A_1139 : memref<512x128xf32, #tpu.memory_space<hbm>>)
      tpu.yield
    }) : () -> ()
    "tpu.region"() ({
      %run_scoped3A = tpu.sem_alloc : memref<!tpu.dma_semaphore, #tpu.memory_space<semaphore_mem>>
      %dma_start3A_1132 = arith.constant 0 : i32
      %dma_start3A_1133 = arith.constant 0 : i32
      %dma_start3A_1134 = tpu.memref_slice %arg5[%add3A, %dma_start3A_1132, %dma_start3A_1133] : memref<32x4x128xi32, #tpu.memory_space<hbm>> -> memref<1x4x128xi32, #tpu.memory_space<hbm>>
      %dma_start3A_1135 = tpu.memref_squeeze %dma_start3A_1134 : memref<1x4x128xi32, #tpu.memory_space<hbm>> -> memref<4x128xi32, #tpu.memory_space<hbm>>
      %dma_start3A_1136 = arith.constant 0 : i32
      %dma_start3A_1137 = arith.constant 0 : i32
      %dma_start3A_1138 = tpu.memref_slice %arg5[%add3A, %dma_start3A_1136, %dma_start3A_1137] : memref<32x4x128xi32, #tpu.memory_space<hbm>> -> memref<1x4x128xi32, #tpu.memory_space<hbm>>
      %dma_start3A_1139 = tpu.memref_squeeze %dma_start3A_1138 : memref<1x4x128xi32, #tpu.memory_space<hbm>> -> memref<4x128xi32, #tpu.memory_space<hbm>>
      tpu.enqueue_dma source(%dma_start3A_1139 : memref<4x128xi32, #tpu.memory_space<hbm>>) target(%arg10 : memref<4x128xi32, #tpu.memory_space<vmem>>) target_semaphore(%run_scoped3A : memref<!tpu.dma_semaphore, #tpu.memory_space<semaphore_mem>>)
      %dma_wait3A_1140 = arith.constant 0 : i32
      %dma_wait3A_1141 = arith.constant 0 : i32
      %dma_wait3A_1142 = tpu.memref_slice %arg5[%add3A, %dma_wait3A_1140, %dma_wait3A_1141] : memref<32x4x128xi32, #tpu.memory_space<hbm>> -> memref<1x4x128xi32, #tpu.memory_space<hbm>>
      %dma_wait3A_1143 = tpu.memref_squeeze %dma_wait3A_1142 : memref<1x4x128xi32, #tpu.memory_space<hbm>> -> memref<4x128xi32, #tpu.memory_space<hbm>>
      %dma_wait3A_1144 = arith.constant 0 : i32
      %dma_wait3A_1145 = arith.constant 0 : i32
      %dma_wait3A_1146 = tpu.memref_slice %arg5[%add3A, %dma_wait3A_1144, %dma_wait3A_1145] : memref<32x4x128xi32, #tpu.memory_space<hbm>> -> memref<1x4x128xi32, #tpu.memory_space<hbm>>
      %dma_wait3A_1147 = tpu.memref_squeeze %dma_wait3A_1146 : memref<1x4x128xi32, #tpu.memory_space<hbm>> -> memref<4x128xi32, #tpu.memory_space<hbm>>
      tpu.wait_dma2 semaphore(%run_scoped3A : memref<!tpu.dma_semaphore, #tpu.memory_space<semaphore_mem>>) src(%dma_wait3A_1147 : memref<4x128xi32, #tpu.memory_space<hbm>>) dst(%arg10 : memref<4x128xi32, #tpu.memory_space<vmem>>)
      tpu.yield
    }) : () -> ()
    %dma_start3A_1047 = arith.constant 0 : i32
    %dma_start3A_1048 = arith.constant 0 : i32
    %dma_start3A_1049 = arith.constant 0 : i32
    %dma_start3A_1050 = tpu.memref_slice %arg12[%dma_start3A_1048, %dma_start3A_1049] : memref<512x128xf32, #tpu.memory_space<vmem>> -> memref<128x128xf32, #tpu.memory_space<vmem>>
    %dma_start3A_1051 = arith.constant 0 : i32
    %dma_start3A_1052 = tpu.memref_slice %arg10[%dma_start3A_1047, %dma_start3A_1051] : memref<4x128xi32, #tpu.memory_space<vmem>> -> memref<1x128xi32, #tpu.memory_space<vmem>>
    %dma_start3A_1053 = tpu.memref_squeeze %dma_start3A_1052 : memref<1x128xi32, #tpu.memory_space<vmem>> -> memref<128xi32, #tpu.memory_space<vmem>>
    %dma_start3A_1054 = arith.constant 0 : i32
    %dma_start3A_1055 = arith.constant 0 : i32
    %dma_start3A_1056 = tpu.memref_slice %arg3[%dma_start3A_1054, %dma_start3A_1055] : memref<100000x128xf32, #tpu.memory_space<hbm>> -> memref<100000x128xf32, #tpu.memory_space<hbm>>
    tpu.enqueue_indirect_dma source(%dma_start3A_1056 : memref<100000x128xf32, #tpu.memory_space<hbm>>) target(%dma_start3A_1050 : memref<128x128xf32, #tpu.memory_space<vmem>>) offsets(%dma_start3A_1053 : memref<128xi32, #tpu.memory_space<vmem>>) semaphore(%arg16 : memref<!tpu.dma_semaphore, #tpu.memory_space<semaphore_mem>>)
    %dma_start3A_1057 = arith.constant 1 : i32
    %dma_start3A_1058 = arith.constant 128 : i32
    %dma_start3A_1059 = arith.constant 0 : i32
    %dma_start3A_1060 = tpu.memref_slice %arg12[%dma_start3A_1058, %dma_start3A_1059] : memref<512x128xf32, #tpu.memory_space<vmem>> -> memref<128x128xf32, #tpu.memory_space<vmem>>
    %dma_start3A_1061 = arith.constant 0 : i32
    %dma_start3A_1062 = tpu.memref_slice %arg10[%dma_start3A_1057, %dma_start3A_1061] : memref<4x128xi32, #tpu.memory_space<vmem>> -> memref<1x128xi32, #tpu.memory_space<vmem>>
    %dma_start3A_1063 = tpu.memref_squeeze %dma_start3A_1062 : memref<1x128xi32, #tpu.memory_space<vmem>> -> memref<128xi32, #tpu.memory_space<vmem>>
    %dma_start3A_1064 = arith.constant 0 : i32
    %dma_start3A_1065 = arith.constant 0 : i32
    %dma_start3A_1066 = tpu.memref_slice %arg3[%dma_start3A_1064, %dma_start3A_1065] : memref<100000x128xf32, #tpu.memory_space<hbm>> -> memref<100000x128xf32, #tpu.memory_space<hbm>>
    tpu.enqueue_indirect_dma source(%dma_start3A_1066 : memref<100000x128xf32, #tpu.memory_space<hbm>>) target(%dma_start3A_1060 : memref<128x128xf32, #tpu.memory_space<vmem>>) offsets(%dma_start3A_1063 : memref<128xi32, #tpu.memory_space<vmem>>) semaphore(%arg16 : memref<!tpu.dma_semaphore, #tpu.memory_space<semaphore_mem>>)
    %dma_start3A_1067 = arith.constant 2 : i32
    %dma_start3A_1068 = arith.constant 256 : i32
    %dma_start3A_1069 = arith.constant 0 : i32
    %dma_start3A_1070 = tpu.memref_slice %arg12[%dma_start3A_1068, %dma_start3A_1069] : memref<512x128xf32, #tpu.memory_space<vmem>> -> memref<128x128xf32, #tpu.memory_space<vmem>>
    %dma_start3A_1071 = arith.constant 0 : i32
    %dma_start3A_1072 = tpu.memref_slice %arg10[%dma_start3A_1067, %dma_start3A_1071] : memref<4x128xi32, #tpu.memory_space<vmem>> -> memref<1x128xi32, #tpu.memory_space<vmem>>
    %dma_start3A_1073 = tpu.memref_squeeze %dma_start3A_1072 : memref<1x128xi32, #tpu.memory_space<vmem>> -> memref<128xi32, #tpu.memory_space<vmem>>
    %dma_start3A_1074 = arith.constant 0 : i32
    %dma_start3A_1075 = arith.constant 0 : i32
    %dma_start3A_1076 = tpu.memref_slice %arg3[%dma_start3A_1074, %dma_start3A_1075] : memref<100000x128xf32, #tpu.memory_space<hbm>> -> memref<100000x128xf32, #tpu.memory_space<hbm>>
    tpu.enqueue_indirect_dma source(%dma_start3A_1076 : memref<100000x128xf32, #tpu.memory_space<hbm>>) target(%dma_start3A_1070 : memref<128x128xf32, #tpu.memory_space<vmem>>) offsets(%dma_start3A_1073 : memref<128xi32, #tpu.memory_space<vmem>>) semaphore(%arg16 : memref<!tpu.dma_semaphore, #tpu.memory_space<semaphore_mem>>)
    %dma_start3A_1077 = arith.constant 3 : i32
    %dma_start3A_1078 = arith.constant 384 : i32
    %dma_start3A_1079 = arith.constant 0 : i32
    %dma_start3A_1080 = tpu.memref_slice %arg12[%dma_start3A_1078, %dma_start3A_1079] : memref<512x128xf32, #tpu.memory_space<vmem>> -> memref<128x128xf32, #tpu.memory_space<vmem>>
    %dma_start3A_1081 = arith.constant 0 : i32
    %dma_start3A_1082 = tpu.memref_slice %arg10[%dma_start3A_1077, %dma_start3A_1081] : memref<4x128xi32, #tpu.memory_space<vmem>> -> memref<1x128xi32, #tpu.memory_space<vmem>>
    %dma_start3A_1083 = tpu.memref_squeeze %dma_start3A_1082 : memref<1x128xi32, #tpu.memory_space<vmem>> -> memref<128xi32, #tpu.memory_space<vmem>>
    %dma_start3A_1084 = arith.constant 0 : i32
    %dma_start3A_1085 = arith.constant 0 : i32
    %dma_start3A_1086 = tpu.memref_slice %arg3[%dma_start3A_1084, %dma_start3A_1085] : memref<100000x128xf32, #tpu.memory_space<hbm>> -> memref<100000x128xf32, #tpu.memory_space<hbm>>
    tpu.enqueue_indirect_dma source(%dma_start3A_1086 : memref<100000x128xf32, #tpu.memory_space<hbm>>) target(%dma_start3A_1080 : memref<128x128xf32, #tpu.memory_space<vmem>>) offsets(%dma_start3A_1083 : memref<128xi32, #tpu.memory_space<vmem>>) semaphore(%arg16 : memref<!tpu.dma_semaphore, #tpu.memory_space<semaphore_mem>>)
    %dma_wait3A_1087 = arith.constant 0 : i32
    %dma_wait3A_1088 = arith.constant 0 : i32
    %dma_wait3A_1089 = arith.constant 0 : i32
    %dma_wait3A_1090 = tpu.memref_slice %arg12[%dma_wait3A_1088, %dma_wait3A_1089] : memref<512x128xf32, #tpu.memory_space<vmem>> -> memref<128x128xf32, #tpu.memory_space<vmem>>
    %dma_wait3A_1091 = arith.constant 0 : i32
    %dma_wait3A_1092 = tpu.memref_slice %arg10[%dma_wait3A_1087, %dma_wait3A_1091] : memref<4x128xi32, #tpu.memory_space<vmem>> -> memref<1x128xi32, #tpu.memory_space<vmem>>
    %dma_wait3A_1093 = tpu.memref_squeeze %dma_wait3A_1092 : memref<1x128xi32, #tpu.memory_space<vmem>> -> memref<128xi32, #tpu.memory_space<vmem>>
    %dma_wait3A_1094 = arith.constant 0 : i32
    %dma_wait3A_1095 = arith.constant 0 : i32
    %dma_wait3A_1096 = tpu.memref_slice %arg3[%dma_wait3A_1094, %dma_wait3A_1095] : memref<100000x128xf32, #tpu.memory_space<hbm>> -> memref<100000x128xf32, #tpu.memory_space<hbm>>
    tpu.wait_indirect_dma semaphore(%arg16 : memref<!tpu.dma_semaphore, #tpu.memory_space<semaphore_mem>>) src(%dma_wait3A_1096 : memref<100000x128xf32, #tpu.memory_space<hbm>>) dst(%dma_wait3A_1090 : memref<128x128xf32, #tpu.memory_space<vmem>>)
    %dma_wait3A_1097 = arith.constant 1 : i32
    %dma_wait3A_1098 = arith.constant 128 : i32
    %dma_wait3A_1099 = arith.constant 0 : i32
    %dma_wait3A_1100 = tpu.memref_slice %arg12[%dma_wait3A_1098, %dma_wait3A_1099] : memref<512x128xf32, #tpu.memory_space<vmem>> -> memref<128x128xf32, #tpu.memory_space<vmem>>
    %dma_wait3A_1101 = arith.constant 0 : i32
    %dma_wait3A_1102 = tpu.memref_slice %arg10[%dma_wait3A_1097, %dma_wait3A_1101] : memref<4x128xi32, #tpu.memory_space<vmem>> -> memref<1x128xi32, #tpu.memory_space<vmem>>
    %dma_wait3A_1103 = tpu.memref_squeeze %dma_wait3A_1102 : memref<1x128xi32, #tpu.memory_space<vmem>> -> memref<128xi32, #tpu.memory_space<vmem>>
    %dma_wait3A_1104 = arith.constant 0 : i32
    %dma_wait3A_1105 = arith.constant 0 : i32
    %dma_wait3A_1106 = tpu.memref_slice %arg3[%dma_wait3A_1104, %dma_wait3A_1105] : memref<100000x128xf32, #tpu.memory_space<hbm>> -> memref<100000x128xf32, #tpu.memory_space<hbm>>
    tpu.wait_indirect_dma semaphore(%arg16 : memref<!tpu.dma_semaphore, #tpu.memory_space<semaphore_mem>>) src(%dma_wait3A_1106 : memref<100000x128xf32, #tpu.memory_space<hbm>>) dst(%dma_wait3A_1100 : memref<128x128xf32, #tpu.memory_space<vmem>>)
    %dma_wait3A_1107 = arith.constant 2 : i32
    %dma_wait3A_1108 = arith.constant 256 : i32
    %dma_wait3A_1109 = arith.constant 0 : i32
    %dma_wait3A_1110 = tpu.memref_slice %arg12[%dma_wait3A_1108, %dma_wait3A_1109] : memref<512x128xf32, #tpu.memory_space<vmem>> -> memref<128x128xf32, #tpu.memory_space<vmem>>
    %dma_wait3A_1111 = arith.constant 0 : i32
    %dma_wait3A_1112 = tpu.memref_slice %arg10[%dma_wait3A_1107, %dma_wait3A_1111] : memref<4x128xi32, #tpu.memory_space<vmem>> -> memref<1x128xi32, #tpu.memory_space<vmem>>
    %dma_wait3A_1113 = tpu.memref_squeeze %dma_wait3A_1112 : memref<1x128xi32, #tpu.memory_space<vmem>> -> memref<128xi32, #tpu.memory_space<vmem>>
    %dma_wait3A_1114 = arith.constant 0 : i32
    %dma_wait3A_1115 = arith.constant 0 : i32
    %dma_wait3A_1116 = tpu.memref_slice %arg3[%dma_wait3A_1114, %dma_wait3A_1115] : memref<100000x128xf32, #tpu.memory_space<hbm>> -> memref<100000x128xf32, #tpu.memory_space<hbm>>
    tpu.wait_indirect_dma semaphore(%arg16 : memref<!tpu.dma_semaphore, #tpu.memory_space<semaphore_mem>>) src(%dma_wait3A_1116 : memref<100000x128xf32, #tpu.memory_space<hbm>>) dst(%dma_wait3A_1110 : memref<128x128xf32, #tpu.memory_space<vmem>>)
    %dma_wait3A_1117 = arith.constant 3 : i32
    %dma_wait3A_1118 = arith.constant 384 : i32
    %dma_wait3A_1119 = arith.constant 0 : i32
    %dma_wait3A_1120 = tpu.memref_slice %arg12[%dma_wait3A_1118, %dma_wait3A_1119] : memref<512x128xf32, #tpu.memory_space<vmem>> -> memref<128x128xf32, #tpu.memory_space<vmem>>
    %dma_wait3A_1121 = arith.constant 0 : i32
    %dma_wait3A_1122 = tpu.memref_slice %arg10[%dma_wait3A_1117, %dma_wait3A_1121] : memref<4x128xi32, #tpu.memory_space<vmem>> -> memref<1x128xi32, #tpu.memory_space<vmem>>
    %dma_wait3A_1123 = tpu.memref_squeeze %dma_wait3A_1122 : memref<1x128xi32, #tpu.memory_space<vmem>> -> memref<128xi32, #tpu.memory_space<vmem>>
    %dma_wait3A_1124 = arith.constant 0 : i32
    %dma_wait3A_1125 = arith.constant 0 : i32
    %dma_wait3A_1126 = tpu.memref_slice %arg3[%dma_wait3A_1124, %dma_wait3A_1125] : memref<100000x128xf32, #tpu.memory_space<hbm>> -> memref<100000x128xf32, #tpu.memory_space<hbm>>
    tpu.wait_indirect_dma semaphore(%arg16 : memref<!tpu.dma_semaphore, #tpu.memory_space<semaphore_mem>>) src(%dma_wait3A_1126 : memref<100000x128xf32, #tpu.memory_space<hbm>>) dst(%dma_wait3A_1120 : memref<128x128xf32, #tpu.memory_space<vmem>>)
    %mul3A_1127 = arith.constant 512 : i32
    %mul3A_1128 = arith.muli %add3A, %mul3A_1127 : i32
    "tpu.region"() ({
      %run_scoped3A = tpu.sem_alloc : memref<!tpu.dma_semaphore, #tpu.memory_space<semaphore_mem>>
      %dma_start3A_1132 = arith.constant 0 : i32
      %dma_start3A_1133 = tpu.memref_slice %arg8[%mul3A_1128, %dma_start3A_1132] : memref<16384x128xf32, #tpu.memory_space<hbm>> -> memref<512x128xf32, #tpu.memory_space<hbm>>
      %dma_start3A_1134 = arith.constant 0 : i32
      %dma_start3A_1135 = tpu.memref_slice %arg8[%mul3A_1128, %dma_start3A_1134] : memref<16384x128xf32, #tpu.memory_space<hbm>> -> memref<512x128xf32, #tpu.memory_space<hbm>>
      tpu.enqueue_dma source(%arg12 : memref<512x128xf32, #tpu.memory_space<vmem>>) target(%dma_start3A_1135 : memref<512x128xf32, #tpu.memory_space<hbm>>) target_semaphore(%run_scoped3A : memref<!tpu.dma_semaphore, #tpu.memory_space<semaphore_mem>>)
      %dma_wait3A_1136 = arith.constant 0 : i32
      %dma_wait3A_1137 = tpu.memref_slice %arg8[%mul3A_1128, %dma_wait3A_1136] : memref<16384x128xf32, #tpu.memory_space<hbm>> -> memref<512x128xf32, #tpu.memory_space<hbm>>
      %dma_wait3A_1138 = arith.constant 0 : i32
      %dma_wait3A_1139 = tpu.memref_slice %arg8[%mul3A_1128, %dma_wait3A_1138] : memref<16384x128xf32, #tpu.memory_space<hbm>> -> memref<512x128xf32, #tpu.memory_space<hbm>>
      tpu.wait_dma2 semaphore(%run_scoped3A : memref<!tpu.dma_semaphore, #tpu.memory_space<semaphore_mem>>) src(%arg12 : memref<512x128xf32, #tpu.memory_space<vmem>>) dst(%dma_wait3A_1139 : memref<512x128xf32, #tpu.memory_space<hbm>>)
      tpu.yield
    }) : () -> ()
    %barrier3A_1129 = arith.constant 0 : index
    tpu.barrier barrier_id(%barrier3A_1129)
    %mul3A_1130 = arith.constant 6272 : i32
    %mul3A_1131 = arith.muli %arg1, %mul3A_1130 : i32
    "tpu.region"() ({
      %run_scoped3A = tpu.sem_alloc : memref<!tpu.dma_semaphore, #tpu.memory_space<semaphore_mem>>
      %dma_start3A_1132 = arith.constant 0 : i32
      %dma_start3A_1133 = tpu.memref_slice %arg9[%arg0, %arg1, %dma_start3A_1132] : memref<2x16x6272xf32, #tpu.memory_space<hbm>> -> memref<1x1x6272xf32, #tpu.memory_space<hbm>>
      %dma_start3A_1134 = tpu.memref_squeeze %dma_start3A_1133 : memref<1x1x6272xf32, #tpu.memory_space<hbm>> -> memref<6272xf32, #tpu.memory_space<hbm>>
      %dma_start3A_1135 = tpu.memref_slice %arg15[%mul3A_1131] : memref<100352xf32, #tpu.memory_space<vmem_shared>> -> memref<6272xf32, #tpu.memory_space<vmem_shared>>
      tpu.enqueue_dma source(%dma_start3A_1135 : memref<6272xf32, #tpu.memory_space<vmem_shared>>) target(%dma_start3A_1134 : memref<6272xf32, #tpu.memory_space<hbm>>) target_semaphore(%run_scoped3A : memref<!tpu.dma_semaphore, #tpu.memory_space<semaphore_mem>>)
      %dma_wait3A_1136 = arith.constant 0 : i32
      %dma_wait3A_1137 = tpu.memref_slice %arg9[%arg0, %arg1, %dma_wait3A_1136] : memref<2x16x6272xf32, #tpu.memory_space<hbm>> -> memref<1x1x6272xf32, #tpu.memory_space<hbm>>
      %dma_wait3A_1138 = tpu.memref_squeeze %dma_wait3A_1137 : memref<1x1x6272xf32, #tpu.memory_space<hbm>> -> memref<6272xf32, #tpu.memory_space<hbm>>
      %dma_wait3A_1139 = tpu.memref_slice %arg15[%mul3A_1131] : memref<100352xf32, #tpu.memory_space<vmem_shared>> -> memref<6272xf32, #tpu.memory_space<vmem_shared>>
      tpu.wait_dma2 semaphore(%run_scoped3A : memref<!tpu.dma_semaphore, #tpu.memory_space<semaphore_mem>>) src(%dma_wait3A_1139 : memref<6272xf32, #tpu.memory_space<vmem_shared>>) dst(%dma_wait3A_1138 : memref<6272xf32, #tpu.memory_space<hbm>>)
      tpu.yield
    }) : () -> ()
    return
  }
}

module attributes {stable_mosaic.version = 14 : i64} {
  func.func @_ta_body(%arg0: i32, %arg1: memref<1024x1024xf32, #tpu.memory_space<vmem>>, %arg2: memref<1024x128xf32, #tpu.memory_space<vmem>>, %arg3: memref<1x128xf32, #tpu.memory_space<vmem>>, %arg4: memref<1024x128xf32, #tpu.memory_space<vmem>>) attributes {dimension_semantics = [#tpu.dimension_semantics<arbitrary>], iteration_bounds = array<i64: 16>, scalar_prefetch = 0 : i64, scratch_operands = 0 : i64, tpu.core_type = #tpu.core_type<tc>, window_params = [{transform_indices = @transform_0, window_bounds = array<i64: 1024, 1024>}, {pipeline_mode = #tpu.pipeline_mode<synchronous>, transform_indices = @transform_1, window_bounds = array<i64: 1024, 128>}, {pipeline_mode = #tpu.pipeline_mode<synchronous>, transform_indices = @transform_2, window_bounds = array<i64: 1, 128>}, {transform_indices = @transform_3, window_bounds = array<i64: 1024, 128>}]} {
    %get3A = arith.constant 0 : index
    %get3A_0 = arith.constant 0 : index
    %get3A_1 = vector.load %arg1[%get3A, %get3A_0] : memref<1024x1024xf32, #tpu.memory_space<vmem>>, vector<1024x1024xf32>
    %get3A_2 = arith.constant 0 : index
    %get3A_3 = arith.constant 0 : index
    %get3A_4 = vector.load %arg2[%get3A_2, %get3A_3] : memref<1024x128xf32, #tpu.memory_space<vmem>>, vector<1024x128xf32>
    %dot_general3A = arith.constant dense<0.000000e+00> : vector<1024x128xf32>
    %dot_general3A_5 = tpu.matmul %get3A_1, %get3A_4, %dot_general3A {dimension_numbers = #tpu.dot_dimension_numbers<[1], [0], [0], [1], [0, 0, 1, 1], [], []>, transpose_lhs_hint = false} : vector<1024x1024xf32>, vector<1024x128xf32>, vector<1024x128xf32> -> vector<1024x128xf32>
    %get3A_6 = arith.constant 0 : index
    %get3A_7 = arith.constant 0 : index
    %get3A_8 = vector.load %arg3[%get3A_6, %get3A_7] : memref<1x128xf32, #tpu.memory_space<vmem>>, vector<1x128xf32>
    %add3A = vector.broadcast %get3A_8 : vector<1x128xf32> to vector<1024x128xf32>
    %add3A_9 = arith.addf %dot_general3A_5, %add3A : vector<1024x128xf32>
    %max3A = arith.constant 0.000000e+00 : f32
    %max3A_10 = vector.broadcast %max3A : f32 to vector<1024x128xf32>
    %max3A_11 = arith.maximumf %add3A_9, %max3A_10 : vector<1024x128xf32>
    %swap3A = arith.constant 0 : index
    %swap3A_12 = arith.constant 0 : index
    %swap3A_13 = vector.load %arg4[%swap3A, %swap3A_12] : memref<1024x128xf32, #tpu.memory_space<vmem>>, vector<1024x128xf32>
    tpu.vector_store %arg4[%swap3A, %swap3A_12], %max3A_11 {strides = array<i32>} : memref<1024x128xf32, #tpu.memory_space<vmem>>, vector<1024x128xf32>,
    return
  }
  func.func @transform_0(%arg0: i32) -> (i32, i32) {
    %c0_i32 = arith.constant 0 : i32
    %c0_i32_0 = arith.constant 0 : i32
    return %arg0, %c0_i32 : i32, i32
  }
  func.func @transform_1(%arg0: i32) -> (i32, i32) {
    %c0_i32 = arith.constant 0 : i32
    %c0_i32_0 = arith.constant 0 : i32
    %c0_i32_1 = arith.constant 0 : i32
    return %c0_i32, %c0_i32_0 : i32, i32
  }
  func.func @transform_2(%arg0: i32) -> (i32, i32) {
    %c0_i32 = arith.constant 0 : i32
    %c0_i32_0 = arith.constant 0 : i32
    %c0_i32_1 = arith.constant 0 : i32
    return %c0_i32, %c0_i32_0 : i32, i32
  }
  func.func @transform_3(%arg0: i32) -> (i32, i32) {
    %c0_i32 = arith.constant 0 : i32
    %c0_i32_0 = arith.constant 0 : i32
    return %arg0, %c0_i32 : i32, i32
  }
}

module attributes {stable_mosaic.version = 14 : i64} {
  func.func @_comb_body(%arg0: i32, %arg1: memref<1x2x10000xf32, #tpu.memory_space<vmem>>, %arg2: memref<10000x128xf32, #tpu.memory_space<vmem>>, %arg3: memref<8x128xf32, #tpu.memory_space<vmem>>, %arg4: memref<4096x128xf32, #tpu.memory_space<vmem>>, %arg5: memref<4096x2xf32, #tpu.memory_space<vmem>>, %arg6: memref<4096x128xf32, #tpu.memory_space<vmem>>, %arg7: memref<4096x128xf32, #tpu.memory_space<vmem>>, %arg8: memref<2x128xf32, #tpu.memory_space<vmem>>, %arg9: memref<1x128xf32, #tpu.memory_space<vmem>>, %arg10: memref<512x128xf32, #tpu.memory_space<vmem>>, %arg11: memref<1x128xf32, #tpu.memory_space<vmem>>, %arg12: memref<4096x128xf32, #tpu.memory_space<vmem>>, %arg13: memref<1x128xf32, #tpu.memory_space<vmem>>, %arg14: memref<1x128xf32, #tpu.memory_space<vmem>>) attributes {dimension_semantics = [#tpu.dimension_semantics<arbitrary>], iteration_bounds = array<i64: 14>, scalar_prefetch = 0 : i64, scratch_operands = 2 : i64, tpu.core_type = #tpu.core_type<tc>, window_params = [{transform_indices = @transform_0, window_bounds = array<i64: 1, 2, 10000>}, {transform_indices = @transform_1, window_bounds = array<i64: 10000, 128>}, {transform_indices = @transform_2, window_bounds = array<i64: 8, 128>}, {transform_indices = @transform_3, window_bounds = array<i64: 4096, 128>}, {transform_indices = @transform_4, window_bounds = array<i64: 4096, 2>}, {transform_indices = @transform_5, window_bounds = array<i64: 4096, 128>}, {transform_indices = @transform_6, window_bounds = array<i64: 4096, 128>}, {pipeline_mode = #tpu.pipeline_mode<synchronous>, transform_indices = @transform_7, window_bounds = array<i64: 2, 128>}, {pipeline_mode = #tpu.pipeline_mode<synchronous>, transform_indices = @transform_8, window_bounds = array<i64: 1, 128>}, {pipeline_mode = #tpu.pipeline_mode<synchronous>, transform_indices = @transform_9, window_bounds = array<i64: 512, 128>}, {pipeline_mode = #tpu.pipeline_mode<synchronous>, transform_indices = @transform_10, window_bounds = array<i64: 1, 128>}, {transform_indices = @transform_11, window_bounds = array<i64: 4096, 128>}]} {
    %eq3A = arith.constant 0 : i32
    %eq3A_0 = arith.cmpi eq, %arg0, %eq3A : i32
    %convert_element_type3A = arith.extui %eq3A_0 : i1 to i32
    %cond3A = arith.constant 0 : i32
    %cond3A_1 = arith.cmpi ne, %convert_element_type3A, %cond3A : i32
    scf.if %cond3A_1 {
      %broadcast_in_dim3A = arith.constant 0.000000e+00 : f32
      %broadcast_in_dim3A_15 = vector.broadcast %broadcast_in_dim3A : f32 to vector<1x128xf32>
      %swap3A = arith.constant 0 : index
      %swap3A_16 = arith.constant 0 : index
      %swap3A_17 = vector.load %arg13[%swap3A, %swap3A_16] : memref<1x128xf32, #tpu.memory_space<vmem>>, vector<1x128xf32>
      tpu.vector_store %arg13[%swap3A, %swap3A_16], %broadcast_in_dim3A_15 {strides = array<i32>} : memref<1x128xf32, #tpu.memory_space<vmem>>, vector<1x128xf32>,
    } else {
    }
    %lt3A = arith.constant 10 : i32
    %lt3A_2 = arith.cmpi slt, %arg0, %lt3A : i32
    %convert_element_type3A_3 = arith.extui %lt3A_2 : i1 to i32
    %cond3A_4 = arith.constant 0 : i32
    %cond3A_5 = arith.cmpi ne, %convert_element_type3A_3, %cond3A_4 : i32
    scf.if %cond3A_5 {
      %get3A = arith.constant 0 : index
      %get3A_15 = arith.constant 0 : index
      %get3A_16 = arith.constant 0 : index
      %get3A_17 = vector.load %arg1[%get3A, %get3A_15, %get3A_16] : memref<1x2x10000xf32, #tpu.memory_space<vmem>>, vector<1x1x10000xf32>
      %get3A_18 = vector.shape_cast %get3A_17 : vector<1x1x10000xf32> to vector<1x10000xf32>
      %get3A_19 = arith.constant 0 : index
      %get3A_20 = arith.constant 1 : index
      %get3A_21 = arith.constant 0 : index
      %get3A_22 = vector.load %arg1[%get3A_19, %get3A_20, %get3A_21] : memref<1x2x10000xf32, #tpu.memory_space<vmem>>, vector<1x1x10000xf32>
      %get3A_23 = vector.shape_cast %get3A_22 : vector<1x1x10000xf32> to vector<1x10000xf32>
      %add3A = arith.addf %get3A_18, %get3A_23 : vector<1x10000xf32>
      %get3A_24 = arith.constant 0 : index
      %get3A_25 = arith.constant 0 : index
      %get3A_26 = vector.load %arg13[%get3A_24, %get3A_25] : memref<1x128xf32, #tpu.memory_space<vmem>>, vector<1x128xf32>
      %get3A_27 = arith.constant 0 : index
      %get3A_28 = arith.constant 0 : index
      %get3A_29 = vector.load %arg2[%get3A_27, %get3A_28] : memref<10000x128xf32, #tpu.memory_space<vmem>>, vector<10000x128xf32>
      %dot_general3A = arith.constant dense<0.000000e+00> : vector<1x128xf32>
      %dot_general3A_30 = tpu.matmul %add3A, %get3A_29, %dot_general3A {dimension_numbers = #tpu.dot_dimension_numbers<[1], [0], [0], [1], [0, 0, 1, 1], [], []>, transpose_lhs_hint = false} : vector<1x10000xf32>, vector<10000x128xf32>, vector<1x128xf32> -> vector<1x128xf32>
      %add3A_31 = arith.addf %get3A_26, %dot_general3A_30 : vector<1x128xf32>
      %swap3A = arith.constant 0 : index
      %swap3A_32 = arith.constant 0 : index
      %swap3A_33 = vector.load %arg13[%swap3A, %swap3A_32] : memref<1x128xf32, #tpu.memory_space<vmem>>, vector<1x128xf32>
      tpu.vector_store %arg13[%swap3A, %swap3A_32], %add3A_31 {strides = array<i32>} : memref<1x128xf32, #tpu.memory_space<vmem>>, vector<1x128xf32>,
    } else {
    }
    %eq3A_6 = arith.constant 9 : i32
    %eq3A_7 = arith.cmpi eq, %arg0, %eq3A_6 : i32
    %convert_element_type3A_8 = arith.extui %eq3A_7 : i1 to i32
    %cond3A_9 = arith.constant 0 : i32
    %cond3A_10 = arith.cmpi ne, %convert_element_type3A_8, %cond3A_9 : i32
    scf.if %cond3A_10 {
      %get3A = arith.constant 0 : index
      %get3A_15 = arith.constant 0 : index
      %get3A_16 = vector.load %arg13[%get3A, %get3A_15] : memref<1x128xf32, #tpu.memory_space<vmem>>, vector<1x128xf32>
      %get3A_17 = arith.constant 7 : index
      %get3A_18 = arith.constant 0 : index
      %get3A_19 = vector.load %arg3[%get3A_17, %get3A_18] : memref<8x128xf32, #tpu.memory_space<vmem>>, vector<1x128xf32>
      %add3A = arith.addf %get3A_16, %get3A_19 : vector<1x128xf32>
      %mul3A = arith.constant 3.21236644E-6 : f32
      %mul3A_20 = vector.broadcast %mul3A : f32 to vector<1x128xf32>
      %mul3A_21 = arith.mulf %add3A, %mul3A_20 : vector<1x128xf32>
      %swap3A = arith.constant 0 : index
      %swap3A_22 = arith.constant 0 : index
      %swap3A_23 = vector.load %arg14[%swap3A, %swap3A_22] : memref<1x128xf32, #tpu.memory_space<vmem>>, vector<1x128xf32>
      tpu.vector_store %arg14[%swap3A, %swap3A_22], %mul3A_21 {strides = array<i32>} : memref<1x128xf32, #tpu.memory_space<vmem>>, vector<1x128xf32>,
    } else {
    }
    %ge3A = arith.constant 10 : i32
    %ge3A_11 = arith.cmpi sge, %arg0, %ge3A : i32
    %convert_element_type3A_12 = arith.extui %ge3A_11 : i1 to i32
    %cond3A_13 = arith.constant 0 : i32
    %cond3A_14 = arith.cmpi ne, %convert_element_type3A_12, %cond3A_13 : i32
    scf.if %cond3A_14 {
      %get3A = arith.constant 0 : index
      %get3A_15 = arith.constant 0 : index
      %get3A_16 = vector.load %arg5[%get3A, %get3A_15] : memref<4096x2xf32, #tpu.memory_space<vmem>>, vector<4096x2xf32>
      %get3A_17 = arith.constant 0 : index
      %get3A_18 = arith.constant 0 : index
      %get3A_19 = vector.load %arg8[%get3A_17, %get3A_18] : memref<2x128xf32, #tpu.memory_space<vmem>>, vector<2x128xf32>
      %dot_general3A = arith.constant dense<0.000000e+00> : vector<4096x128xf32>
      %dot_general3A_20 = tpu.matmul %get3A_16, %get3A_19, %dot_general3A {dimension_numbers = #tpu.dot_dimension_numbers<[1], [0], [0], [1], [0, 0, 1, 1], [], []>, transpose_lhs_hint = false} : vector<4096x2xf32>, vector<2x128xf32>, vector<4096x128xf32> -> vector<4096x128xf32>
      %get3A_21 = arith.constant 0 : index
      %get3A_22 = arith.constant 0 : index
      %get3A_23 = vector.load %arg9[%get3A_21, %get3A_22] : memref<1x128xf32, #tpu.memory_space<vmem>>, vector<1x128xf32>
      %add3A = vector.broadcast %get3A_23 : vector<1x128xf32> to vector<4096x128xf32>
      %add3A_24 = arith.addf %dot_general3A_20, %add3A : vector<4096x128xf32>
      %max3A = arith.constant 0.000000e+00 : f32
      %max3A_25 = vector.broadcast %max3A : f32 to vector<4096x128xf32>
      %max3A_26 = arith.maximumf %add3A_24, %max3A_25 : vector<4096x128xf32>
      %get3A_27 = arith.constant 0 : index
      %get3A_28 = arith.constant 0 : index
      %get3A_29 = vector.load %arg7[%get3A_27, %get3A_28] : memref<4096x128xf32, #tpu.memory_space<vmem>>, vector<4096x128xf32>
      %iota3A = tpu.iota {dimensions = array<i32: 0>} : vector<4096x1xi32>
      %eq3A_30 = arith.constant 4095 : i32
      %eq3A_31 = vector.broadcast %eq3A_30 : i32 to vector<4096x1xi32>
      %eq3A_32 = arith.cmpi eq, %iota3A, %eq3A_31 : vector<4096x1xi32>
      %eq3A_33 = arith.constant 13 : i32
      %eq3A_34 = arith.cmpi eq, %arg0, %eq3A_33 : i32
      %and3A = vector.broadcast %eq3A_34 : i1 to vector<4096x1xi1>
      %and3A_35 = arith.andi %eq3A_32, %and3A : vector<4096x1xi1>
      %get3A_36 = arith.constant 0 : index
      %get3A_37 = arith.constant 0 : index
      %get3A_38 = vector.load %arg14[%get3A_36, %get3A_37] : memref<1x128xf32, #tpu.memory_space<vmem>>, vector<1x128xf32>
      %broadcast_in_dim3A = vector.shape_cast %and3A_35 : vector<4096x1xi1> to vector<4096x1xi1>
      %broadcast_in_dim3A_39 = vector.broadcast %broadcast_in_dim3A : vector<4096x1xi1> to vector<4096x128xi1>
      %broadcast_in_dim3A_40 = vector.shape_cast %get3A_38 : vector<1x128xf32> to vector<1x128xf32>
      %broadcast_in_dim3A_41 = vector.broadcast %broadcast_in_dim3A_40 : vector<1x128xf32> to vector<4096x128xf32>
      %select_n3A = arith.select %broadcast_in_dim3A_39, %broadcast_in_dim3A_41, %get3A_29 : vector<4096x128xi1>, vector<4096x128xf32>
      %get3A_42 = arith.constant 0 : index
      %get3A_43 = arith.constant 0 : index
      %get3A_44 = vector.load %arg4[%get3A_42, %get3A_43] : memref<4096x128xf32, #tpu.memory_space<vmem>>, vector<4096x128xf32>
      %get3A_45 = arith.constant 0 : index
      %get3A_46 = arith.constant 0 : index
      %get3A_47 = vector.load %arg10[%get3A_45, %get3A_46] : memref<512x128xf32, #tpu.memory_space<vmem>>, vector<128x128xf32>
      %dot_general3A_48 = arith.constant dense<0.000000e+00> : vector<4096x128xf32>
      %dot_general3A_49 = tpu.matmul %get3A_44, %get3A_47, %dot_general3A_48 {dimension_numbers = #tpu.dot_dimension_numbers<[1], [0], [0], [1], [0, 0, 1, 1], [], []>, transpose_lhs_hint = false} : vector<4096x128xf32>, vector<128x128xf32>, vector<4096x128xf32> -> vector<4096x128xf32>
      %get3A_50 = arith.constant 0 : index
      %get3A_51 = arith.constant 0 : index
      %get3A_52 = vector.load %arg6[%get3A_50, %get3A_51] : memref<4096x128xf32, #tpu.memory_space<vmem>>, vector<4096x128xf32>
      %get3A_53 = arith.constant 128 : index
      %get3A_54 = arith.constant 0 : index
      %get3A_55 = vector.load %arg10[%get3A_53, %get3A_54] : memref<512x128xf32, #tpu.memory_space<vmem>>, vector<128x128xf32>
      %dot_general3A_56 = arith.constant dense<0.000000e+00> : vector<4096x128xf32>
      %dot_general3A_57 = tpu.matmul %get3A_52, %get3A_55, %dot_general3A_56 {dimension_numbers = #tpu.dot_dimension_numbers<[1], [0], [0], [1], [0, 0, 1, 1], [], []>, transpose_lhs_hint = false} : vector<4096x128xf32>, vector<128x128xf32>, vector<4096x128xf32> -> vector<4096x128xf32>
      %add3A_58 = arith.addf %dot_general3A_49, %dot_general3A_57 : vector<4096x128xf32>
      %get3A_59 = arith.constant 256 : index
      %get3A_60 = arith.constant 0 : index
      %get3A_61 = vector.load %arg10[%get3A_59, %get3A_60] : memref<512x128xf32, #tpu.memory_space<vmem>>, vector<128x128xf32>
      %dot_general3A_62 = arith.constant dense<0.000000e+00> : vector<4096x128xf32>
      %dot_general3A_63 = tpu.matmul %max3A_26, %get3A_61, %dot_general3A_62 {dimension_numbers = #tpu.dot_dimension_numbers<[1], [0], [0], [1], [0, 0, 1, 1], [], []>, transpose_lhs_hint = false} : vector<4096x128xf32>, vector<128x128xf32>, vector<4096x128xf32> -> vector<4096x128xf32>
      %add3A_64 = arith.addf %add3A_58, %dot_general3A_63 : vector<4096x128xf32>
      %get3A_65 = arith.constant 384 : index
      %get3A_66 = arith.constant 0 : index
      %get3A_67 = vector.load %arg10[%get3A_65, %get3A_66] : memref<512x128xf32, #tpu.memory_space<vmem>>, vector<128x128xf32>
      %dot_general3A_68 = arith.constant dense<0.000000e+00> : vector<4096x128xf32>
      %dot_general3A_69 = tpu.matmul %select_n3A, %get3A_67, %dot_general3A_68 {dimension_numbers = #tpu.dot_dimension_numbers<[1], [0], [0], [1], [0, 0, 1, 1], [], []>, transpose_lhs_hint = false} : vector<4096x128xf32>, vector<128x128xf32>, vector<4096x128xf32> -> vector<4096x128xf32>
      %add3A_70 = arith.addf %add3A_64, %dot_general3A_69 : vector<4096x128xf32>
      %get3A_71 = arith.constant 0 : index
      %get3A_72 = arith.constant 0 : index
      %get3A_73 = vector.load %arg11[%get3A_71, %get3A_72] : memref<1x128xf32, #tpu.memory_space<vmem>>, vector<1x128xf32>
      %add3A_74 = vector.broadcast %get3A_73 : vector<1x128xf32> to vector<4096x128xf32>
      %add3A_75 = arith.addf %add3A_70, %add3A_74 : vector<4096x128xf32>
      %max3A_76 = arith.constant 0.000000e+00 : f32
      %max3A_77 = vector.broadcast %max3A_76 : f32 to vector<4096x128xf32>
      %max3A_78 = arith.maximumf %add3A_75, %max3A_77 : vector<4096x128xf32>
      %swap3A = arith.constant 0 : index
      %swap3A_79 = arith.constant 0 : index
      %swap3A_80 = vector.load %arg12[%swap3A, %swap3A_79] : memref<4096x128xf32, #tpu.memory_space<vmem>>, vector<4096x128xf32>
      tpu.vector_store %arg12[%swap3A, %swap3A_79], %max3A_78 {strides = array<i32>} : memref<4096x128xf32, #tpu.memory_space<vmem>>, vector<4096x128xf32>,
    } else {
    }
    return
  }
  func.func @transform_0(%arg0: i32) -> (i32, i32, i32) {
    %min3A = arith.constant 9 : i32
    %min3A_0 = arith.minsi %arg0, %min3A : i32
    %c0_i32 = arith.constant 0 : i32
    %c0_i32_1 = arith.constant 0 : i32
    %c0_i32_2 = arith.constant 0 : i32
    return %min3A_0, %c0_i32, %c0_i32_1 : i32, i32, i32
  }
  func.func @transform_1(%arg0: i32) -> (i32, i32) {
    %min3A = arith.constant 9 : i32
    %min3A_0 = arith.minsi %arg0, %min3A : i32
    %c0_i32 = arith.constant 0 : i32
    %c0_i32_1 = arith.constant 0 : i32
    return %min3A_0, %c0_i32 : i32, i32
  }
  func.func @transform_2(%arg0: i32) -> (i32, i32) {
    %c2047_i32 = arith.constant 2047 : i32
    %c0_i32 = arith.constant 0 : i32
    %c0_i32_0 = arith.constant 0 : i32
    return %c2047_i32, %c0_i32 : i32, i32
  }
  func.func @transform_3(%arg0: i32) -> (i32, i32) {
    %sub3A = arith.constant 10 : i32
    %sub3A_0 = arith.subi %arg0, %sub3A : i32
    %max3A = arith.constant 0 : i32
    %max3A_1 = arith.maxsi %sub3A_0, %max3A : i32
    %c0_i32 = arith.constant 0 : i32
    %c0_i32_2 = arith.constant 0 : i32
    return %max3A_1, %c0_i32 : i32, i32
  }
  func.func @transform_4(%arg0: i32) -> (i32, i32) {
    %sub3A = arith.constant 10 : i32
    %sub3A_0 = arith.subi %arg0, %sub3A : i32
    %max3A = arith.constant 0 : i32
    %max3A_1 = arith.maxsi %sub3A_0, %max3A : i32
    %c0_i32 = arith.constant 0 : i32
    %c0_i32_2 = arith.constant 0 : i32
    return %max3A_1, %c0_i32 : i32, i32
  }
  func.func @transform_5(%arg0: i32) -> (i32, i32) {
    %sub3A = arith.constant 10 : i32
    %sub3A_0 = arith.subi %arg0, %sub3A : i32
    %max3A = arith.constant 0 : i32
    %max3A_1 = arith.maxsi %sub3A_0, %max3A : i32
    %c0_i32 = arith.constant 0 : i32
    %c0_i32_2 = arith.constant 0 : i32
    return %max3A_1, %c0_i32 : i32, i32
  }
  func.func @transform_6(%arg0: i32) -> (i32, i32) {
    %sub3A = arith.constant 10 : i32
    %sub3A_0 = arith.subi %arg0, %sub3A : i32
    %max3A = arith.constant 0 : i32
    %max3A_1 = arith.maxsi %sub3A_0, %max3A : i32
    %c0_i32 = arith.constant 0 : i32
    %c0_i32_2 = arith.constant 0 : i32
    return %max3A_1, %c0_i32 : i32, i32
  }
  func.func @transform_7(%arg0: i32) -> (i32, i32) {
    %c0_i32 = arith.constant 0 : i32
    %c0_i32_0 = arith.constant 0 : i32
    %c0_i32_1 = arith.constant 0 : i32
    return %c0_i32, %c0_i32_0 : i32, i32
  }
  func.func @transform_8(%arg0: i32) -> (i32, i32) {
    %c0_i32 = arith.constant 0 : i32
    %c0_i32_0 = arith.constant 0 : i32
    %c0_i32_1 = arith.constant 0 : i32
    return %c0_i32, %c0_i32_0 : i32, i32
  }
  func.func @transform_9(%arg0: i32) -> (i32, i32) {
    %c0_i32 = arith.constant 0 : i32
    %c0_i32_0 = arith.constant 0 : i32
    %c0_i32_1 = arith.constant 0 : i32
    return %c0_i32, %c0_i32_0 : i32, i32
  }
  func.func @transform_10(%arg0: i32) -> (i32, i32) {
    %c0_i32 = arith.constant 0 : i32
    %c0_i32_0 = arith.constant 0 : i32
    %c0_i32_1 = arith.constant 0 : i32
    return %c0_i32, %c0_i32_0 : i32, i32
  }
  func.func @transform_11(%arg0: i32) -> (i32, i32) {
    %sub3A = arith.constant 10 : i32
    %sub3A_0 = arith.subi %arg0, %sub3A : i32
    %max3A = arith.constant 0 : i32
    %max3A_1 = arith.maxsi %sub3A_0, %max3A : i32
    %c0_i32 = arith.constant 0 : i32
    %c0_i32_2 = arith.constant 0 : i32
    return %max3A_1, %c0_i32 : i32, i32
  }
}

</mosaic_0001>

<sc_bundles>
// kernel: kernel.5.cloned.1.call-start
scs
__scs_entry_jumppad:
0x0: {  	(pc) =	sbr.rel $0x88, $3  }
0x1: {  	(tag) =	ssettag $0x0;
	lr =	simm.s32 $0x1  }
0x2: {  	[smem:$0x3F95] =	sst lr;
	_ =	strace $0xD0000000  }
0x3: {  	_ = 	snop  }
0x4: {  	_ = 	snop  }
0x5: {  	_ = 	snop  }
0x6: {  	_ = 	snop  }
0x7: {  	_ = 	snop  }
__scs_overlays_trampoline_lowered:
0x8: {  	[smem:$0x3FA4] =	sst s0  }
0x9: {  	[smem:$0x3FA5] =	sst s1  }
0xa: {  	[smem:$0x3FA6] =	sst s2  }
0xb: {  	[smem:$0x3FA7] =	sst s3  }
0xc: {  	[smem:$0x3FA8] =	sst s4  }
0xd: {  	[smem:$0x3FA9] =	sst s5  }
0xe: {  	[smem:$0x3FAA] =	sst s6  }
0xf: {  	[smem:$0x3FAB] =	sst s7  }
0x10: {  	[smem:$0x3FAC] =	sst s8  }
0x11: {  	[smem:$0x3FAD] =	sst s9;
	s0 =	simm.s32 @!p0 $0x0  }
0x12: {  	s1 =	sld [smem:$0x3F93];
	s0 =	simm.s32 @p0 $0x1  }
0x13: {  	[smem:$0x3FAE] =	sst s0;
	s0 =	simm.s32 @!p1 $0x0  }
0x14: {  	s2 =	sld [smem:$0x3F92];
	s0 =	simm.s32 @p1 $0x1  }
0x15: {  	[smem:$0x3FAF] =	sst s0;
	s0 =	simm.s32 @!p2 $0x0  }
0x16: {  	s3 =	sld [smem:$0x3FDB];
	s0 =	simm.s32 @p2 $0x1  }
0x17: {  	s4 =	simm.s32 $0x1BF5;
	[smem:$0x3FB1] =	sst s0  }
0x18: {  	s0 =	sld [smem:$0x3F94];
	_ =	swait.ge [sflag:s4], $0x0  }
0x19: {  	s7 =	sld [smem:$0x3F95]  }
0x1a: {  	s8 =	sadd.s32 $0xFFFFE003, lr  }
0x1b: {  	s9 =	sadd.s32 $0xFFFFFEF7, lr;
	s5 =	simm.s32 $0xFFFFFFFF;
	p2 =	slt.u32 s8, $0xFFFFF086  }
0x1c: {  	p1 =	slt.u32 s9, $0xF7A;
	s5 =	simm.s32 @!p2 $0x0  }
0x1d: {  	s5 =	simm.s32 @p1 $0x1;
	p0 =	seq.s32 s7, s2  }
0x1e: {  	s7 =	smul.u32 @!p0 $0xF7A, s2;
	p2 =	seq.s32 @!p0 s5, $0x0  }
0x1f: {  	s9 =	smul.u32 $0xF7A, s1;
	s8 =	simm.s32 @!p0 $0x1BF5;
	p2 =	por !p2, p0  }
0x20: {  	[sflag:s8] =	ssyncset.s32 @!p0 $0xFFFFF086;
	s6 =	sadd.s32 @!p0 s3, s7;
	s7 =	simm.s32 @!p0 $0x108  }
0x21: {  	s3 =	sadd.s32 s3, s9;
	s6 =	sadd.s32 @!p0 $0x88, s6;
	s7 =	simm.s32 @p2 $0x1082  }
0x22: {  	[simem:s7], [sflag:s8] =	dma.local @!p0 [hbm:s6], $0xF7A  }
0x23: {  	s9 =	sor.u32 $0xD0000000, s2;
	s6 =	simm.s32 $0x108;
	_ =	swait.ge @!p0 [sflag:s8], $0x0  }
0x24: {  	s3 =	sadd.s32 $0x88, s3;
	s6 =	simm.s32 @!p1 $0x1082;
	[sflag:s4] =	ssyncset.s32 $0xFFFFF086  }
0x25: {  	[simem:s6], [sflag:s4] =	dma.local [hbm:s3], $0xF7A  }
0x26: {  	[smem:$0x3F95] =	sst s1;
	(tag) =	ssettag s2;
	_ =	strace s9  }
0x27: {  	s1 =	sld [smem:$0x3FA5]  }
0x28: {  	s2 =	sld [smem:$0x3FA6]  }
0x29: {  	s4 =	sld [smem:$0x3FA8]  }
0x2a: {  	p0 =	seq.s32 s5, $0x0;
	s5 =	sld [smem:$0x3FA9]  }
0x2b: {  	s6 =	sld [smem:$0x3FAA]  }
0x2c: {  	s7 =	sld [smem:$0x3FAB]  }
0x2d: {  	s3 =	simm.s32 $0x108;
	s8 =	sld [smem:$0x3FAC]  }
0x2e: {  	s3 =	simm.s32 @!p0 $0x1082;
	s9 =	sld [smem:$0x3FAD]  }
0x2f: {  	lr =	sadd.s32 s0, s3;
	s0 =	sld [smem:$0x3FA4]  }
0x30: {  	s3 =	sld [smem:$0x3FA7]  }
0x31: {  	[smem:$0x3FB0] =	sst s10  }
0x32: {  	s10 =	sld [smem:$0x3FAE];
	_ =	sdelay $0x3  }
0x33: {  	p0 =	seq.s32 s10, $0x1;
	s10 =	sld [smem:$0x3FB0];
	_ =	sdelay $0x3  }
0x34: {  	[smem:$0x3FB0] =	sst s10  }
0x35: {  	s10 =	sld [smem:$0x3FAF];
	_ =	sdelay $0x3  }
0x36: {  	p1 =	seq.s32 s10, $0x1;
	s10 =	sld [smem:$0x3FB0];
	_ =	sdelay $0x3  }
0x37: {  	[smem:$0x3FB0] =	sst s10  }
0x38: {  	s10 =	sld [smem:$0x3FB1]  }
0x39: {  	_ = 	snop;
	(pc) =	sbr.ind lr, $3  }
0x3a: {  	_ = 	snop  }
0x3b: {  	_ = 	snop  }
0x3c: {  	p2 =	seq.s32 s10, $0x1;
	s10 =	sld [smem:$0x3FB0]  }
0x3d: {  	_ =	shalt  }
0x3e: {  	_ =	shalt  }
0x3f: {  	_ =	shalt  }
0x40: {  	_ =	shalt  }
0x41: {  	_ =	shalt  }
0x42: {  	_ =	shalt  }
0x43: {  	_ =	shalt  }
0x44: {  	_ =	shalt  }
0x45: {  	_ =	shalt  }
0x46: {  	_ =	shalt  }
0x47: {  	_ =	shalt  }
0x48: {  	_ =	shalt  }
0x49: {  	_ =	shalt  }
0x4a: {  	_ =	shalt  }
0x4b: {  	_ =	shalt  }
0x4c: {  	_ =	shalt  }
0x4d: {  	_ =	shalt  }
0x4e: {  	_ =	shalt  }
0x4f: {  	_ =	shalt  }
0x50: {  	_ =	shalt  }
0x51: {  	_ =	shalt  }
0x52: {  	_ =	shalt  }
0x53: {  	_ =	shalt  }
0x54: {  	_ =	shalt  }
0x55: {  	_ =	shalt  }
0x56: {  	_ =	shalt  }
0x57: {  	_ =	shalt  }
0x58: {  	_ =	shalt  }
0x59: {  	_ =	shalt  }
0x5a: {  	_ =	shalt  }
0x5b: {  	_ =	shalt  }
0x5c: {  	_ =	shalt  }
0x5d: {  	_ =	shalt  }
0x5e: {  	_ =	shalt  }
0x5f: {  	_ =	shalt  }
0x60: {  	_ =	shalt  }
0x61: {  	_ =	shalt  }
0x62: {  	_ =	shalt  }
0x63: {  	_ =	shalt  }
0x64: {  	_ =	shalt  }
0x65: {  	_ =	shalt  }
0x66: {  	_ =	shalt  }
0x67: {  	_ =	shalt  }
0x68: {  	_ =	shalt  }
0x69: {  	_ =	shalt  }
0x6a: {  	_ =	shalt  }
0x6b: {  	_ =	shalt  }
0x6c: {  	_ =	shalt  }
0x6d: {  	_ =	shalt  }
0x6e: {  	_ =	shalt  }
0x6f: {  	_ =	shalt  }
0x70: {  	_ =	shalt  }
0x71: {  	_ =	shalt  }
0x72: {  	_ =	shalt  }
0x73: {  	_ =	shalt  }
0x74: {  	_ =	shalt  }
0x75: {  	_ =	shalt  }
0x76: {  	_ =	shalt  }
0x77: {  	_ =	shalt  }
0x78: {  	_ =	shalt  }
0x79: {  	_ =	shalt  }
0x7a: {  	_ =	shalt  }
0x7b: {  	_ =	shalt  }
0x7c: {  	_ =	shalt  }
0x7d: {  	_ =	shalt  }
0x7e: {  	_ =	shalt  }
0x7f: {  	_ =	shalt  }
0x80: {  	_ =	shalt  }
0x81: {  	_ =	shalt  }
0x82: {  	_ =	shalt  }
0x83: {  	_ =	shalt  }
0x84: {  	_ =	shalt  }
0x85: {  	_ =	shalt  }
0x86: {  	_ =	shalt  }
0x87: {  	_ =	shalt  }
.Lfunc_end0:
.L_simem_size_0:
called_computation_lowered:
.L_overlay_start_0:
0x88: {  	s2 =	sld [smem:$0x3FD9]  }
0x89: {  	s3 =	sld [smem:$0x3FFE];
	_ =	sdelay $0x1  }
0x8a: {  	s1 =	srdreg.scid  }
0x8b: {  	s0 =	sand.u32 $0x1, s1  }
0x8c: {  	s17 =	sshll.u32 s0, $0xA;
	s2 =	sadd.s32 s3, s2  }
0x8d: {  	s2 =	sadd.s32 s2, s17  }
0x8e: {  	[smem:$0x3FBC] =	sst s2  }
0x8f: {  	_ = 	snop  }
0x90: {  	s2 =	sld [smem:$0x3FC8]  }
0x91: {  	s18 =	sld [smem:$0x3FC3]  }
0x92: {  	s4 =	sld [smem:$0x3FC0]  }
0x93: {  	s5 =	sld [smem:$0x3FD0];
	(tm) =	ssettm $0x1  }
0x94: {  	s6 =	sld [smem:$0x3FFB];
	_ =	sdelay $0x3  }
0x95: {  	_ =	strace s6  }
0x96: {  	s6 =	sld [smem:$0x3FFC];
	_ =	sdelay $0x3  }
0x97: {  	_ =	strace s6  }
0x98: {  	s6 =	sld [smem:$0x3FFD];
	_ =	sdelay $0x3  }
0x99: {  	_ =	strace s6  }
0x9a: {  	_ =	strace $0x8FFFFFFF  }
0x9b: {  	s19 =	sld [smem:$0x3FDB];
	_ =	sdelay $0x1  }
0x9c: {  	s7 =	simm.s32 $_scs_section_size  }
0x9d: {  	s8 =	simm.s32 $_size__tile_overlayer_lowered;
	s9 =	simm.s32 $_tile_overlayer_lowered  }
0x9e: {  	s22 =	simm.s32 $0x1BFF;
	s21 =	sshll.u32 s9, $0x1;
	s6 =	sadd.s32 s7, s19  }
0x9f: {  	s10 =	simm.s32 $0x0;
	s20 =	sshll.u32 s8, $0x1;
	s8 =	sadd.s32 s21, s6  }
0xa0: {  	[timem:s10], [sflag:s22] =	dma.local [hbm:s8], s20  }
0xa1: {  	_ =	swait.ge [sflag:s22], s20  }
0xa2: {  	s7 =	ssub.s32 $0x0, s20;
	[sflag:s22] =	ssyncset.done $0x0  }
0xa3: {  	[sflag:s22] =	ssyncadd.s32 s7;
	_ =	sdelay $0x1  }
0xa4: {  	s23 =	simm.s32 $0x1B8B  }
0xa5: {  	_ =	swait.ge [sflag:s23], $0x1  }
0xa6: {  	[sflag:s23] =	ssyncset.done $0x0  }
0xa7: {  	s25 =	simm.s32 $0x1B8E;
	s24 =	sld [smem:$0x3FFE];
	[sflag:s23] =	ssyncadd.s32 $0xFFFFFFFF  }
0xa8: {  	s26 =	simm.s32 $execute0_lowered;
	[smem:$0x3FD2] =	sst s25  }
0xa9: {  	s8 =	sshll.u32 s26, $0x1;
	_ =	strace $0x80000046;
	[dreg:$0x1] =	wrdreg $0xFFFFFFFF  }
0xaa: {  	s28 =	simm.s32 $_size_execute0_lowered;
	s6 =	sadd.s32 s6, s8;
	[dreg:$0x0] =	wrdreg $0x0  }
0xab: {  	s8 =	sshll.u32 s28, $0x1;
	[dreg:$0x2] =	wrdreg s6  }
0xac: {  	[dreg:$0x3] =	wrdreg s8  }
0xad: {  	[dreg:$0x4] =	wrdreg $0xC0  }
0xae: {  	_ =	task [dreg:s10], $0x5FFFF  }
0xaf: {  	[dreg:$0x1] =	wrdreg $0xFFFFFFFF  }
0xb0: {  	[dreg:$0x0] =	wrdreg $0x60  }
0xb1: {  	[dreg:$0x2] =	wrdreg s18  }
0xb2: {  	[dreg:$0x3] =	wrdreg s4  }
0xb3: {  	[dreg:$0x4] =	wrdreg s2  }
0xb4: {  	[dreg:$0x5] =	wrdreg s24  }
0xb5: {  	[dreg:$0x6] =	wrdreg s5  }
0xb6: {  	[dreg:$0x7] =	wrdreg $0x143000  }
0xb7: {  	[dreg:$0x8] =	wrdreg $0x9  }
0xb8: {  	_ =	task.clear_ibuf [dreg:s10], $0x9FFFF;
	_ =	strace $0x90000046  }
0xb9: {  	s29 =	simm.s32 $0x9;
	_ =	strace $0x80000048  }
0xba: {  	_ =	swait.ge [sflag:s29], $0x1  }
0xbb: {  	[sflag:s29] =	ssyncadd.s32 $0xFFFFFFFF  }
0xbc: {  	_ =	strace $0x90000048  }
0xbd: {  	_ =	sfence  }
0xbe: {  	s30 =	sld [smem:$0x0];
	_ =	sdelay $0x2  }
0xbf: {  	s31 =	sshll.u32 s1, $0xD;
	s1 =	sshrl.u32 s1, $0x2  }
0xc0: {  	s3 =	sand.u32 $0x4000, s31;
	s1 =	sadd.s32 s1, s30  }
0xc1: {  	s0 =	sor.u32 s3, s0;
	s1 =	sshll.u32 s1, $0x11  }
0xc2: {  	s0 =	sor.u32 s1, s0  }
0xc3: {  	s0 =	sadd.s32 $0x8F2B, s0  }
0xc4: {  	[sflag:s0] =	ssyncadd.remote.s32 $0x1  }
0xc5: {  	_ =	sfence.sel $0xFFFF  }
0xc6: {  	[dreg:$0x0] =	wrdreg $0xFFFFFFFF;
	(pc) =	sbr.abs _section_cstart, $3  }
0xc7: {  	[dreg:$0x1] =	wrdreg $0xFFFFFFFF  }
0xc8: {  	_ =	task.clear_ibuf [dreg:s10], $0x2FFFF;
	_ =	strace $0x9FFFFFFF  }
0xc9: {  	(tm) =	ssettm $0x7FFFFFFF  }
tec
execute0_lowered:
.L_overlay_start_1:
0x0: {  	(tag) =	ssettag $0x1  }
0x1: {  	s0 =	rddreg [dreg:$0x0]  }
0x2: {  	s1 =	rddreg [dreg:$0x1]  }
0x3: {  	s2 =	rddreg [dreg:$0x2]  }
0x4: {  	s6 =	rddreg [dreg:$0x3]  }
0x5: {  	s3 =	srdreg.scid;
	s11 =	rddreg [dreg:$0x4]  }
0x6: {  	s15 =	stileid.u32;
	s4 =	rddreg [dreg:$0x5]  }
0x7: {  	s16 =	simm.s32 $0x200;
	s17 =	simm.s32 $0x80;
	s18 =	simm.s32 $0x12A00  }
0x8: {  	s28 =	simm.s32 $0x6A00;
	s29 =	simm.s32 $0x100;
	s30 =	simm.s32 $0xAA00  }
0x9: {  	s31 =	simm.s32 $0x180;
	s3 =	sand.u32 $0x1, s3;
	s22 =	smul.u32 $0x6200, s15  }
0xa: {  	s10 =	sshrl.u32 s15, $0x3;
	s14 =	sshll.u32 s15, $0x7;
	s9 =	smul.u32 $0x18800, s3  }
0xb: {  	s5 =	sshll.u32 s3, $0x4;
	s10 =	smul.u32 $0xC400, s10;
	s19 =	sand.u32 $0x380, s14  }
0xc: {  	s3 =	ssub.s32 $0x2, s3;
	s14 =	simm.s32 $0x1;
	s7 =	sor.u32 s15, s5  }
0xd: {  	s5 =	simm.s32 $0x0;
	s25 =	sshrl.u32 s3, $0x1;
	s26 =	sshrl.u32 s22, $0x2  }
0xe: {  	s15 =	simm.s32 $0x3;
	s22 =	simm.s32 $0x2680;
	s8 =	smul.u32 $0x500, s7  }
0xf: {  	[smem:$0x7FF] =	sst s5;
	s12 =	sshll.u32 s7, $0x6;
	s9 =	sadd.s32 s9, s10  }
0x10: {  	s20 =	sshll.u32 s7, $0xD;
	s3 =	ssub.s32 s3, s25;
	s25 =	simm.s32 $0x2780  }
0x11: {  	_ =	strace $0x80000047;
	s13 =	sadd.s32 s12, s6;
	s21 =	sor.u32 s19, s9  }
0x12: {  	s23 =	sadd.s32 s20, s6;
	s11 =	sadd.s32 s11, s20;
	s19 =	simm.s32 $0x10  }
0x13: {  	s8 =	sadd.s32 s8, s6;
	s7 =	sshrl.u32 s21, $0x3;
	s9 =	sadd.s32 $0x12200, s23  }
0x14: {  	s10 =	sadd.s32 $0x1800, s13;
	s13 =	smax.u32 s3, $0x1;
	s23 =	simm.s32 $0x2  }
0x15: {  	s3 =	simm.s32 $0xEA00;
	s24 =	sadd.s32 s7, s6;
	s6 =	sadd.s32 s26, s4  }
0x16: {  	s7 =	sadd.s32 $0x2000, s8;
	s8 =	sadd.s32 s2, s12;
	s26 =	simm.s32 $0x2A00  }
0x17: {  	v0 =	vimm.f32 $1.000000000e+00;
	v1 =	vimm.f32 $0.0e+00;
	s2 =	simm.s32 $0x0;
	s12 =	sadd.s32 $0xC000, s24;
	s24 =	simm.s32 $0x2700  }
.LBB2_1:
0x18: {  	[tilespmem:$0x12A00] =	vst v0  }
0x19: {  	[tilespmem:$0x12A10] =	vst v0  }
0x1a: {  	[tilespmem:$0x12A20] =	vst v0  }
0x1b: {  	[tilespmem:$0x12A30] =	vst v0  }
0x1c: {  	[tilespmem:$0x12A40] =	vst v0  }
0x1d: {  	[tilespmem:$0x12A50] =	vst v0  }
0x1e: {  	[tilespmem:$0x12A60] =	vst v0  }
0x1f: {  	[tilespmem:$0x12A70] =	vst v0;
	s20 =	simm.s32 $0x40;
	s21 =	simm.s32 $0x0  }
.LBB2_2:
0x20: {  	p0 =	sne.s32 s20, $0x61C0;
	[tilespmem:s21+$0x12A80] =	vst v1;
	s21 =	smov.u32 s20;
	s20 =	sadd.s32 $0x40, s20  }
.Ltmp0:
0x21: {  	(pc) =	sbr.rel @p0 .LBB2_2-.Ltmp0, $2  }
0x22: {  	_ =	sdelay $0x2  }
0x23: {  	s21 =	sshra.s32 s21, $0x2  }
0x24: {  	[tilespmem:s21+$0x12A80] =	vst v1;
	s20 =	simm.s32 $0x12A80  }
0x25: {  	[spmem:s6] =	stream.linear.scatter [tilespmem:s20], [sflag:$0x3], $0x1880, $0x38;
	[tilespmem:$0x15B80] =	vst v63  }
0x26: {  	_ =	swait.ge [sflag:s15], $0x1880  }
0x27: {  	[sflag:s15] =	ssyncset.done $0x0  }
0x28: {  	[sflag:s15] =	ssyncadd.s32 $0xFFFFE780  }
0x29: {  	[bflag:$0x0] =	sbarrier.arrive $0xFFFF  }
0x2a: {  	[tilespmem:s16], [sflag:$0x3] =	stream.linear.gather [hbm4b:s7+s5], $0x2600, $0x38;
	[tilespmem:$0x15B80] =	vst v63  }
0x2b: {  	_ =	swait.ge [sflag:s15], $0x2600  }
0x2c: {  	[sflag:s15] =	ssyncset.done $0x0  }
0x2d: {  	[sflag:s15] =	ssyncadd.s32 $0xFFFFDA00  }
0x2e: {  	[spmem:s4] =	stream.indirect.scatter.add.f32 [tilespmem:s18], [sflag:$0x2], $0x1, s16, s17, $0xb8;
	[tilespmem:$0x15B80] =	vst v63  }
0x2f: {  	s21 =	simm.s32 $0x280  }
0x30: {  	[spmem:s4] =	stream.indirect.scatter.add.f32 [tilespmem:s18], [sflag:$0x2], $0x1, s21, s17, $0xb8;
	[tilespmem:$0x15B80] =	vst v63  }
0x31: {  	s21 =	simm.s32 $0x300  }
0x32: {  	[spmem:s4] =	stream.indirect.scatter.add.f32 [tilespmem:s18], [sflag:$0x2], $0x1, s21, s17, $0xb8;
	[tilespmem:$0x15B80] =	vst v63  }
0x33: {  	s21 =	simm.s32 $0x380  }
0x34: {  	[spmem:s4] =	stream.indirect.scatter.add.f32 [tilespmem:s18], [sflag:$0x2], $0x1, s21, s17, $0xb8;
	[tilespmem:$0x15B80] =	vst v63  }
0x35: {  	s21 =	simm.s32 $0x400  }
0x36: {  	[spmem:s4] =	stream.indirect.scatter.add.f32 [tilespmem:s18], [sflag:$0x2], $0x1, s21, s17, $0xb8;
	[tilespmem:$0x15B80] =	vst v63  }
0x37: {  	s21 =	simm.s32 $0x480  }
0x38: {  	[spmem:s4] =	stream.indirect.scatter.add.f32 [tilespmem:s18], [sflag:$0x2], $0x1, s21, s17, $0xb8;
	[tilespmem:$0x15B80] =	vst v63  }
0x39: {  	s21 =	simm.s32 $0x500  }
0x3a: {  	[spmem:s4] =	stream.indirect.scatter.add.f32 [tilespmem:s18], [sflag:$0x2], $0x1, s21, s17, $0xb8;
	[tilespmem:$0x15B80] =	vst v63  }
0x3b: {  	s21 =	simm.s32 $0x580  }
0x3c: {  	[spmem:s4] =	stream.indirect.scatter.add.f32 [tilespmem:s18], [sflag:$0x2], $0x1, s21, s17, $0xb8;
	[tilespmem:$0x15B80] =	vst v63  }
0x3d: {  	s21 =	simm.s32 $0x600  }
0x3e: {  	[spmem:s4] =	stream.indirect.scatter.add.f32 [tilespmem:s18], [sflag:$0x2], $0x1, s21, s17, $0xb8;
	[tilespmem:$0x15B80] =	vst v63  }
0x3f: {  	s21 =	simm.s32 $0x680  }
0x40: {  	[spmem:s4] =	stream.indirect.scatter.add.f32 [tilespmem:s18], [sflag:$0x2], $0x1, s21, s17, $0xb8;
	[tilespmem:$0x15B80] =	vst v63  }
0x41: {  	s21 =	simm.s32 $0x700  }
0x42: {  	[spmem:s4] =	stream.indirect.scatter.add.f32 [tilespmem:s18], [sflag:$0x2], $0x1, s21, s17, $0xb8;
	[tilespmem:$0x15B80] =	vst v63  }
0x43: {  	s21 =	simm.s32 $0x780  }
0x44: {  	[spmem:s4] =	stream.indirect.scatter.add.f32 [tilespmem:s18], [sflag:$0x2], $0x1, s21, s17, $0xb8;
	[tilespmem:$0x15B80] =	vst v63  }
0x45: {  	s21 =	simm.s32 $0x800  }
0x46: {  	[spmem:s4] =	stream.indirect.scatter.add.f32 [tilespmem:s18], [sflag:$0x2], $0x1, s21, s17, $0xb8;
	[tilespmem:$0x15B80] =	vst v63  }
0x47: {  	s21 =	simm.s32 $0x880  }
0x48: {  	[spmem:s4] =	stream.indirect.scatter.add.f32 [tilespmem:s18], [sflag:$0x2], $0x1, s21, s17, $0xb8;
	[tilespmem:$0x15B80] =	vst v63  }
0x49: {  	s21 =	simm.s32 $0x900  }
0x4a: {  	[spmem:s4] =	stream.indirect.scatter.add.f32 [tilespmem:s18], [sflag:$0x2], $0x1, s21, s17, $0xb8;
	[tilespmem:$0x15B80] =	vst v63  }
0x4b: {  	s21 =	simm.s32 $0x980  }
0x4c: {  	[spmem:s4] =	stream.indirect.scatter.add.f32 [tilespmem:s18], [sflag:$0x2], $0x1, s21, s17, $0xb8;
	[tilespmem:$0x15B80] =	vst v63  }
0x4d: {  	s21 =	simm.s32 $0xA00  }
0x4e: {  	[spmem:s4] =	stream.indirect.scatter.add.f32 [tilespmem:s18], [sflag:$0x2], $0x1, s21, s17, $0xb8;
	[tilespmem:$0x15B80] =	vst v63  }
0x4f: {  	s21 =	simm.s32 $0xA80  }
0x50: {  	[spmem:s4] =	stream.indirect.scatter.add.f32 [tilespmem:s18], [sflag:$0x2], $0x1, s21, s17, $0xb8;
	[tilespmem:$0x15B80] =	vst v63  }
0x51: {  	s21 =	simm.s32 $0xB00  }
0x52: {  	[spmem:s4] =	stream.indirect.scatter.add.f32 [tilespmem:s18], [sflag:$0x2], $0x1, s21, s17, $0xb8;
	[tilespmem:$0x15B80] =	vst v63  }
0x53: {  	_ =	swait.ge [sflag:s23], $0x80  }
0x54: {  	[sflag:s23] =	ssyncset.done $0x0  }
0x55: {  	[sflag:s23] =	ssyncadd.s32 $0xFFFFFF80  }
0x56: {  	_ =	swait.ge [sflag:s23], $0x80  }
0x57: {  	[sflag:s23] =	ssyncset.done $0x0  }
0x58: {  	[sflag:s23] =	ssyncadd.s32 $0xFFFFFF80  }
0x59: {  	_ =	swait.ge [sflag:s23], $0x80  }
0x5a: {  	[sflag:s23] =	ssyncset.done $0x0  }
0x5b: {  	[sflag:s23] =	ssyncadd.s32 $0xFFFFFF80  }
0x5c: {  	_ =	swait.ge [sflag:s23], $0x80  }
0x5d: {  	[sflag:s23] =	ssyncset.done $0x0  }
0x5e: {  	[sflag:s23] =	ssyncadd.s32 $0xFFFFFF80  }
0x5f: {  	_ =	swait.ge [sflag:s23], $0x80  }
0x60: {  	[sflag:s23] =	ssyncset.done $0x0  }
0x61: {  	[sflag:s23] =	ssyncadd.s32 $0xFFFFFF80  }
0x62: {  	_ =	swait.ge [sflag:s23], $0x80  }
0x63: {  	[sflag:s23] =	ssyncset.done $0x0  }
0x64: {  	[sflag:s23] =	ssyncadd.s32 $0xFFFFFF80  }
0x65: {  	_ =	swait.ge [sflag:s23], $0x80  }
0x66: {  	[sflag:s23] =	ssyncset.done $0x0  }
0x67: {  	[sflag:s23] =	ssyncadd.s32 $0xFFFFFF80  }
0x68: {  	_ =	swait.ge [sflag:s23], $0x80  }
0x69: {  	[sflag:s23] =	ssyncset.done $0x0  }
0x6a: {  	[sflag:s23] =	ssyncadd.s32 $0xFFFFFF80  }
0x6b: {  	_ =	swait.ge [sflag:s23], $0x80  }
0x6c: {  	[sflag:s23] =	ssyncset.done $0x0  }
0x6d: {  	[sflag:s23] =	ssyncadd.s32 $0xFFFFFF80  }
0x6e: {  	_ =	swait.ge [sflag:s23], $0x80  }
0x6f: {  	[sflag:s23] =	ssyncset.done $0x0  }
0x70: {  	[sflag:s23] =	ssyncadd.s32 $0xFFFFFF80  }
0x71: {  	_ =	swait.ge [sflag:s23], $0x80  }
0x72: {  	[sflag:s23] =	ssyncset.done $0x0  }
0x73: {  	[sflag:s23] =	ssyncadd.s32 $0xFFFFFF80  }
0x74: {  	_ =	swait.ge [sflag:s23], $0x80  }
0x75: {  	[sflag:s23] =	ssyncset.done $0x0  }
0x76: {  	[sflag:s23] =	ssyncadd.s32 $0xFFFFFF80  }
0x77: {  	_ =	swait.ge [sflag:s23], $0x80  }
0x78: {  	[sflag:s23] =	ssyncset.done $0x0  }
0x79: {  	[sflag:s23] =	ssyncadd.s32 $0xFFFFFF80  }
0x7a: {  	_ =	swait.ge [sflag:s23], $0x80  }
0x7b: {  	[sflag:s23] =	ssyncset.done $0x0  }
0x7c: {  	[sflag:s23] =	ssyncadd.s32 $0xFFFFFF80  }
0x7d: {  	_ =	swait.ge [sflag:s23], $0x80  }
0x7e: {  	[sflag:s23] =	ssyncset.done $0x0  }
0x7f: {  	[sflag:s23] =	ssyncadd.s32 $0xFFFFFF80  }
0x80: {  	_ =	swait.ge [sflag:s23], $0x80  }
0x81: {  	[sflag:s23] =	ssyncset.done $0x0  }
0x82: {  	[sflag:s23] =	ssyncadd.s32 $0xFFFFFF80  }
0x83: {  	_ =	swait.ge [sflag:s23], $0x80  }
0x84: {  	[sflag:s23] =	ssyncset.done $0x0  }
0x85: {  	[sflag:s23] =	ssyncadd.s32 $0xFFFFFF80  }
0x86: {  	_ =	swait.ge [sflag:s23], $0x80  }
0x87: {  	[sflag:s23] =	ssyncset.done $0x0  }
0x88: {  	[sflag:s23] =	ssyncadd.s32 $0xFFFFFF80  }
0x89: {  	_ =	swait.ge [sflag:s23], $0x80  }
0x8a: {  	[sflag:s23] =	ssyncset.done $0x0  }
0x8b: {  	s21 =	simm.s32 $0xB80;
	[sflag:s23] =	ssyncadd.s32 $0xFFFFFF80  }
0x8c: {  	[spmem:s4] =	stream.indirect.scatter.add.f32 [tilespmem:s18], [sflag:$0x2], $0x1, s21, s17, $0xb8;
	[tilespmem:$0x15B80] =	vst v63  }
0x8d: {  	s21 =	simm.s32 $0xC00  }
0x8e: {  	[spmem:s4] =	stream.indirect.scatter.add.f32 [tilespmem:s18], [sflag:$0x2], $0x1, s21, s17, $0xb8;
	[tilespmem:$0x15B80] =	vst v63  }
0x8f: {  	s21 =	simm.s32 $0xC80  }
0x90: {  	[spmem:s4] =	stream.indirect.scatter.add.f32 [tilespmem:s18], [sflag:$0x2], $0x1, s21, s17, $0xb8;
	[tilespmem:$0x15B80] =	vst v63  }
0x91: {  	s21 =	simm.s32 $0xD00  }
0x92: {  	[spmem:s4] =	stream.indirect.scatter.add.f32 [tilespmem:s18], [sflag:$0x2], $0x1, s21, s17, $0xb8;
	[tilespmem:$0x15B80] =	vst v63  }
0x93: {  	s21 =	simm.s32 $0xD80  }
0x94: {  	[spmem:s4] =	stream.indirect.scatter.add.f32 [tilespmem:s18], [sflag:$0x2], $0x1, s21, s17, $0xb8;
	[tilespmem:$0x15B80] =	vst v63  }
0x95: {  	s21 =	simm.s32 $0xE00  }
0x96: {  	[spmem:s4] =	stream.indirect.scatter.add.f32 [tilespmem:s18], [sflag:$0x2], $0x1, s21, s17, $0xb8;
	[tilespmem:$0x15B80] =	vst v63  }
0x97: {  	s21 =	simm.s32 $0xE80  }
0x98: {  	[spmem:s4] =	stream.indirect.scatter.add.f32 [tilespmem:s18], [sflag:$0x2], $0x1, s21, s17, $0xb8;
	[tilespmem:$0x15B80] =	vst v63  }
0x99: {  	s21 =	simm.s32 $0xF00  }
0x9a: {  	[spmem:s4] =	stream.indirect.scatter.add.f32 [tilespmem:s18], [sflag:$0x2], $0x1, s21, s17, $0xb8;
	[tilespmem:$0x15B80] =	vst v63  }
0x9b: {  	s21 =	simm.s32 $0xF80  }
0x9c: {  	[spmem:s4] =	stream.indirect.scatter.add.f32 [tilespmem:s18], [sflag:$0x2], $0x1, s21, s17, $0xb8;
	[tilespmem:$0x15B80] =	vst v63  }
0x9d: {  	s21 =	simm.s32 $0x1000  }
0x9e: {  	[spmem:s4] =	stream.indirect.scatter.add.f32 [tilespmem:s18], [sflag:$0x2], $0x1, s21, s17, $0xb8;
	[tilespmem:$0x15B80] =	vst v63  }
0x9f: {  	s21 =	simm.s32 $0x1080  }
0xa0: {  	[spmem:s4] =	stream.indirect.scatter.add.f32 [tilespmem:s18], [sflag:$0x2], $0x1, s21, s17, $0xb8;
	[tilespmem:$0x15B80] =	vst v63  }
0xa1: {  	s21 =	simm.s32 $0x1100  }
0xa2: {  	[spmem:s4] =	stream.indirect.scatter.add.f32 [tilespmem:s18], [sflag:$0x2], $0x1, s21, s17, $0xb8;
	[tilespmem:$0x15B80] =	vst v63  }
0xa3: {  	s21 =	simm.s32 $0x1180  }
0xa4: {  	[spmem:s4] =	stream.indirect.scatter.add.f32 [tilespmem:s18], [sflag:$0x2], $0x1, s21, s17, $0xb8;
	[tilespmem:$0x15B80] =	vst v63  }
0xa5: {  	s21 =	simm.s32 $0x1200  }
0xa6: {  	[spmem:s4] =	stream.indirect.scatter.add.f32 [tilespmem:s18], [sflag:$0x2], $0x1, s21, s17, $0xb8;
	[tilespmem:$0x15B80] =	vst v63  }
0xa7: {  	s21 =	simm.s32 $0x1280  }
0xa8: {  	[spmem:s4] =	stream.indirect.scatter.add.f32 [tilespmem:s18], [sflag:$0x2], $0x1, s21, s17, $0xb8;
	[tilespmem:$0x15B80] =	vst v63  }
0xa9: {  	s21 =	simm.s32 $0x1300  }
0xaa: {  	[spmem:s4] =	stream.indirect.scatter.add.f32 [tilespmem:s18], [sflag:$0x2], $0x1, s21, s17, $0xb8;
	[tilespmem:$0x15B80] =	vst v63  }
0xab: {  	s21 =	simm.s32 $0x1380  }
0xac: {  	[spmem:s4] =	stream.indirect.scatter.add.f32 [tilespmem:s18], [sflag:$0x2], $0x1, s21, s17, $0xb8;
	[tilespmem:$0x15B80] =	vst v63  }
0xad: {  	s21 =	simm.s32 $0x1400  }
0xae: {  	[spmem:s4] =	stream.indirect.scatter.add.f32 [tilespmem:s18], [sflag:$0x2], $0x1, s21, s17, $0xb8;
	[tilespmem:$0x15B80] =	vst v63  }
0xaf: {  	s21 =	simm.s32 $0x1480  }
0xb0: {  	[spmem:s4] =	stream.indirect.scatter.add.f32 [tilespmem:s18], [sflag:$0x2], $0x1, s21, s17, $0xb8;
	[tilespmem:$0x15B80] =	vst v63  }
0xb1: {  	_ =	swait.ge [sflag:s23], $0x80  }
0xb2: {  	[sflag:s23] =	ssyncset.done $0x0  }
0xb3: {  	[sflag:s23] =	ssyncadd.s32 $0xFFFFFF80  }
0xb4: {  	_ =	swait.ge [sflag:s23], $0x80  }
0xb5: {  	[sflag:s23] =	ssyncset.done $0x0  }
0xb6: {  	[sflag:s23] =	ssyncadd.s32 $0xFFFFFF80  }
0xb7: {  	_ =	swait.ge [sflag:s23], $0x80  }
0xb8: {  	[sflag:s23] =	ssyncset.done $0x0  }
0xb9: {  	[sflag:s23] =	ssyncadd.s32 $0xFFFFFF80  }
0xba: {  	_ =	swait.ge [sflag:s23], $0x80  }
0xbb: {  	[sflag:s23] =	ssyncset.done $0x0  }
0xbc: {  	[sflag:s23] =	ssyncadd.s32 $0xFFFFFF80  }
0xbd: {  	_ =	swait.ge [sflag:s23], $0x80  }
0xbe: {  	[sflag:s23] =	ssyncset.done $0x0  }
0xbf: {  	[sflag:s23] =	ssyncadd.s32 $0xFFFFFF80  }
0xc0: {  	_ =	swait.ge [sflag:s23], $0x80  }
0xc1: {  	[sflag:s23] =	ssyncset.done $0x0  }
0xc2: {  	[sflag:s23] =	ssyncadd.s32 $0xFFFFFF80  }
0xc3: {  	_ =	swait.ge [sflag:s23], $0x80  }
0xc4: {  	[sflag:s23] =	ssyncset.done $0x0  }
0xc5: {  	[sflag:s23] =	ssyncadd.s32 $0xFFFFFF80  }
0xc6: {  	_ =	swait.ge [sflag:s23], $0x80  }
0xc7: {  	[sflag:s23] =	ssyncset.done $0x0  }
0xc8: {  	[sflag:s23] =	ssyncadd.s32 $0xFFFFFF80  }
0xc9: {  	_ =	swait.ge [sflag:s23], $0x80  }
0xca: {  	[sflag:s23] =	ssyncset.done $0x0  }
0xcb: {  	[sflag:s23] =	ssyncadd.s32 $0xFFFFFF80  }
0xcc: {  	_ =	swait.ge [sflag:s23], $0x80  }
0xcd: {  	[sflag:s23] =	ssyncset.done $0x0  }
0xce: {  	[sflag:s23] =	ssyncadd.s32 $0xFFFFFF80  }
0xcf: {  	_ =	swait.ge [sflag:s23], $0x80  }
0xd0: {  	[sflag:s23] =	ssyncset.done $0x0  }
0xd1: {  	[sflag:s23] =	ssyncadd.s32 $0xFFFFFF80  }
0xd2: {  	_ =	swait.ge [sflag:s23], $0x80  }
0xd3: {  	[sflag:s23] =	ssyncset.done $0x0  }
0xd4: {  	[sflag:s23] =	ssyncadd.s32 $0xFFFFFF80  }
0xd5: {  	_ =	swait.ge [sflag:s23], $0x80  }
0xd6: {  	[sflag:s23] =	ssyncset.done $0x0  }
0xd7: {  	[sflag:s23] =	ssyncadd.s32 $0xFFFFFF80  }
0xd8: {  	_ =	swait.ge [sflag:s23], $0x80  }
0xd9: {  	[sflag:s23] =	ssyncset.done $0x0  }
0xda: {  	[sflag:s23] =	ssyncadd.s32 $0xFFFFFF80  }
0xdb: {  	_ =	swait.ge [sflag:s23], $0x80  }
0xdc: {  	[sflag:s23] =	ssyncset.done $0x0  }
0xdd: {  	[sflag:s23] =	ssyncadd.s32 $0xFFFFFF80  }
0xde: {  	_ =	swait.ge [sflag:s23], $0x80  }
0xdf: {  	[sflag:s23] =	ssyncset.done $0x0  }
0xe0: {  	[sflag:s23] =	ssyncadd.s32 $0xFFFFFF80  }
0xe1: {  	_ =	swait.ge [sflag:s23], $0x80  }
0xe2: {  	[sflag:s23] =	ssyncset.done $0x0  }
0xe3: {  	[sflag:s23] =	ssyncadd.s32 $0xFFFFFF80  }
0xe4: {  	_ =	swait.ge [sflag:s23], $0x80  }
0xe5: {  	[sflag:s23] =	ssyncset.done $0x0  }
0xe6: {  	[sflag:s23] =	ssyncadd.s32 $0xFFFFFF80  }
0xe7: {  	_ =	swait.ge [sflag:s23], $0x80  }
0xe8: {  	[sflag:s23] =	ssyncset.done $0x0  }
0xe9: {  	s21 =	simm.s32 $0x1500;
	[sflag:s23] =	ssyncadd.s32 $0xFFFFFF80  }
0xea: {  	[spmem:s4] =	stream.indirect.scatter.add.f32 [tilespmem:s18], [sflag:$0x2], $0x1, s21, s17, $0xb8;
	[tilespmem:$0x15B80] =	vst v63  }
0xeb: {  	s21 =	simm.s32 $0x1580  }
0xec: {  	[spmem:s4] =	stream.indirect.scatter.add.f32 [tilespmem:s18], [sflag:$0x2], $0x1, s21, s17, $0xb8;
	[tilespmem:$0x15B80] =	vst v63  }
0xed: {  	s21 =	simm.s32 $0x1600  }
0xee: {  	[spmem:s4] =	stream.indirect.scatter.add.f32 [tilespmem:s18], [sflag:$0x2], $0x1, s21, s17, $0xb8;
	[tilespmem:$0x15B80] =	vst v63  }
0xef: {  	s21 =	simm.s32 $0x1680  }
0xf0: {  	[spmem:s4] =	stream.indirect.scatter.add.f32 [tilespmem:s18], [sflag:$0x2], $0x1, s21, s17, $0xb8;
	[tilespmem:$0x15B80] =	vst v63  }
0xf1: {  	s21 =	simm.s32 $0x1700  }
0xf2: {  	[spmem:s4] =	stream.indirect.scatter.add.f32 [tilespmem:s18], [sflag:$0x2], $0x1, s21, s17, $0xb8;
	[tilespmem:$0x15B80] =	vst v63  }
0xf3: {  	s21 =	simm.s32 $0x1780  }
0xf4: {  	[spmem:s4] =	stream.indirect.scatter.add.f32 [tilespmem:s18], [sflag:$0x2], $0x1, s21, s17, $0xb8;
	[tilespmem:$0x15B80] =	vst v63  }
0xf5: {  	s21 =	simm.s32 $0x1800  }
0xf6: {  	[spmem:s4] =	stream.indirect.scatter.add.f32 [tilespmem:s18], [sflag:$0x2], $0x1, s21, s17, $0xb8;
	[tilespmem:$0x15B80] =	vst v63  }
0xf7: {  	s21 =	simm.s32 $0x1880  }
0xf8: {  	[spmem:s4] =	stream.indirect.scatter.add.f32 [tilespmem:s18], [sflag:$0x2], $0x1, s21, s17, $0xb8;
	[tilespmem:$0x15B80] =	vst v63  }
0xf9: {  	s21 =	simm.s32 $0x1900  }
0xfa: {  	[spmem:s4] =	stream.indirect.scatter.add.f32 [tilespmem:s18], [sflag:$0x2], $0x1, s21, s17, $0xb8;
	[tilespmem:$0x15B80] =	vst v63  }
0xfb: {  	s21 =	simm.s32 $0x1980  }
0xfc: {  	[spmem:s4] =	stream.indirect.scatter.add.f32 [tilespmem:s18], [sflag:$0x2], $0x1, s21, s17, $0xb8;
	[tilespmem:$0x15B80] =	vst v63  }
0xfd: {  	s21 =	simm.s32 $0x1A00  }
0xfe: {  	[spmem:s4] =	stream.indirect.scatter.add.f32 [tilespmem:s18], [sflag:$0x2], $0x1, s21, s17, $0xb8;
	[tilespmem:$0x15B80] =	vst v63  }
0xff: {  	s21 =	simm.s32 $0x1A80  }
0x100: {  	[spmem:s4] =	stream.indirect.scatter.add.f32 [tilespmem:s18], [sflag:$0x2], $0x1, s21, s17, $0xb8;
	[tilespmem:$0x15B80] =	vst v63  }
0x101: {  	s21 =	simm.s32 $0x1B00  }
0x102: {  	[spmem:s4] =	stream.indirect.scatter.add.f32 [tilespmem:s18], [sflag:$0x2], $0x1, s21, s17, $0xb8;
	[tilespmem:$0x15B80] =	vst v63  }
0x103: {  	s21 =	simm.s32 $0x1B80  }
0x104: {  	[spmem:s4] =	stream.indirect.scatter.add.f32 [tilespmem:s18], [sflag:$0x2], $0x1, s21, s17, $0xb8;
	[tilespmem:$0x15B80] =	vst v63  }
0x105: {  	s21 =	simm.s32 $0x1C00  }
0x106: {  	[spmem:s4] =	stream.indirect.scatter.add.f32 [tilespmem:s18], [sflag:$0x2], $0x1, s21, s17, $0xb8;
	[tilespmem:$0x15B80] =	vst v63  }
0x107: {  	s21 =	simm.s32 $0x1C80  }
0x108: {  	[spmem:s4] =	stream.indirect.scatter.add.f32 [tilespmem:s18], [sflag:$0x2], $0x1, s21, s17, $0xb8;
	[tilespmem:$0x15B80] =	vst v63  }
0x109: {  	s21 =	simm.s32 $0x1D00  }
0x10a: {  	[spmem:s4] =	stream.indirect.scatter.add.f32 [tilespmem:s18], [sflag:$0x2], $0x1, s21, s17, $0xb8;
	[tilespmem:$0x15B80] =	vst v63  }
0x10b: {  	s21 =	simm.s32 $0x1D80  }
0x10c: {  	[spmem:s4] =	stream.indirect.scatter.add.f32 [tilespmem:s18], [sflag:$0x2], $0x1, s21, s17, $0xb8;
	[tilespmem:$0x15B80] =	vst v63  }
0x10d: {  	s21 =	simm.s32 $0x1E00  }
0x10e: {  	[spmem:s4] =	stream.indirect.scatter.add.f32 [tilespmem:s18], [sflag:$0x2], $0x1, s21, s17, $0xb8;
	[tilespmem:$0x15B80] =	vst v63  }
0x10f: {  	_ =	swait.ge [sflag:s23], $0x80  }
0x110: {  	[sflag:s23] =	ssyncset.done $0x0  }
0x111: {  	[sflag:s23] =	ssyncadd.s32 $0xFFFFFF80  }
0x112: {  	_ =	swait.ge [sflag:s23], $0x80  }
0x113: {  	[sflag:s23] =	ssyncset.done $0x0  }
0x114: {  	[sflag:s23] =	ssyncadd.s32 $0xFFFFFF80  }
0x115: {  	_ =	swait.ge [sflag:s23], $0x80  }
0x116: {  	[sflag:s23] =	ssyncset.done $0x0  }
0x117: {  	[sflag:s23] =	ssyncadd.s32 $0xFFFFFF80  }
0x118: {  	_ =	swait.ge [sflag:s23], $0x80  }
0x119: {  	[sflag:s23] =	ssyncset.done $0x0  }
0x11a: {  	[sflag:s23] =	ssyncadd.s32 $0xFFFFFF80  }
0x11b: {  	_ =	swait.ge [sflag:s23], $0x80  }
0x11c: {  	[sflag:s23] =	ssyncset.done $0x0  }
0x11d: {  	[sflag:s23] =	ssyncadd.s32 $0xFFFFFF80  }
0x11e: {  	_ =	swait.ge [sflag:s23], $0x80  }
0x11f: {  	[sflag:s23] =	ssyncset.done $0x0  }
0x120: {  	[sflag:s23] =	ssyncadd.s32 $0xFFFFFF80  }
0x121: {  	_ =	swait.ge [sflag:s23], $0x80  }
0x122: {  	[sflag:s23] =	ssyncset.done $0x0  }
0x123: {  	[sflag:s23] =	ssyncadd.s32 $0xFFFFFF80  }
0x124: {  	_ =	swait.ge [sflag:s23], $0x80  }
0x125: {  	[sflag:s23] =	ssyncset.done $0x0  }
0x126: {  	[sflag:s23] =	ssyncadd.s32 $0xFFFFFF80  }
0x127: {  	_ =	swait.ge [sflag:s23], $0x80  }
0x128: {  	[sflag:s23] =	ssyncset.done $0x0  }
0x129: {  	[sflag:s23] =	ssyncadd.s32 $0xFFFFFF80  }
0x12a: {  	_ =	swait.ge [sflag:s23], $0x80  }
0x12b: {  	[sflag:s23] =	ssyncset.done $0x0  }
0x12c: {  	[sflag:s23] =	ssyncadd.s32 $0xFFFFFF80  }
0x12d: {  	_ =	swait.ge [sflag:s23], $0x80  }
0x12e: {  	[sflag:s23] =	ssyncset.done $0x0  }
0x12f: {  	[sflag:s23] =	ssyncadd.s32 $0xFFFFFF80  }
0x130: {  	_ =	swait.ge [sflag:s23], $0x80  }
0x131: {  	[sflag:s23] =	ssyncset.done $0x0  }
0x132: {  	[sflag:s23] =	ssyncadd.s32 $0xFFFFFF80  }
0x133: {  	_ =	swait.ge [sflag:s23], $0x80  }
0x134: {  	[sflag:s23] =	ssyncset.done $0x0  }
0x135: {  	[sflag:s23] =	ssyncadd.s32 $0xFFFFFF80  }
0x136: {  	_ =	swait.ge [sflag:s23], $0x80  }
0x137: {  	[sflag:s23] =	ssyncset.done $0x0  }
0x138: {  	[sflag:s23] =	ssyncadd.s32 $0xFFFFFF80  }
0x139: {  	_ =	swait.ge [sflag:s23], $0x80  }
0x13a: {  	[sflag:s23] =	ssyncset.done $0x0  }
0x13b: {  	[sflag:s23] =	ssyncadd.s32 $0xFFFFFF80  }
0x13c: {  	_ =	swait.ge [sflag:s23], $0x80  }
0x13d: {  	[sflag:s23] =	ssyncset.done $0x0  }
0x13e: {  	[sflag:s23] =	ssyncadd.s32 $0xFFFFFF80  }
0x13f: {  	_ =	swait.ge [sflag:s23], $0x80  }
0x140: {  	[sflag:s23] =	ssyncset.done $0x0  }
0x141: {  	[sflag:s23] =	ssyncadd.s32 $0xFFFFFF80  }
0x142: {  	_ =	swait.ge [sflag:s23], $0x80  }
0x143: {  	[sflag:s23] =	ssyncset.done $0x0  }
0x144: {  	[sflag:s23] =	ssyncadd.s32 $0xFFFFFF80  }
0x145: {  	_ =	swait.ge [sflag:s23], $0x80  }
0x146: {  	[sflag:s23] =	ssyncset.done $0x0  }
0x147: {  	s21 =	simm.s32 $0x1E80;
	[sflag:s23] =	ssyncadd.s32 $0xFFFFFF80  }
0x148: {  	[spmem:s4] =	stream.indirect.scatter.add.f32 [tilespmem:s18], [sflag:$0x2], $0x1, s21, s17, $0xb8;
	[tilespmem:$0x15B80] =	vst v63  }
0x149: {  	s21 =	simm.s32 $0x1F00  }
0x14a: {  	[spmem:s4] =	stream.indirect.scatter.add.f32 [tilespmem:s18], [sflag:$0x2], $0x1, s21, s17, $0xb8;
	[tilespmem:$0x15B80] =	vst v63  }
0x14b: {  	s21 =	simm.s32 $0x1F80  }
0x14c: {  	[spmem:s4] =	stream.indirect.scatter.add.f32 [tilespmem:s18], [sflag:$0x2], $0x1, s21, s17, $0xb8;
	[tilespmem:$0x15B80] =	vst v63  }
0x14d: {  	s21 =	simm.s32 $0x2000  }
0x14e: {  	[spmem:s4] =	stream.indirect.scatter.add.f32 [tilespmem:s18], [sflag:$0x2], $0x1, s21, s17, $0xb8;
	[tilespmem:$0x15B80] =	vst v63  }
0x14f: {  	s21 =	simm.s32 $0x2080  }
0x150: {  	[spmem:s4] =	stream.indirect.scatter.add.f32 [tilespmem:s18], [sflag:$0x2], $0x1, s21, s17, $0xb8;
	[tilespmem:$0x15B80] =	vst v63  }
0x151: {  	s21 =	simm.s32 $0x2100  }
0x152: {  	[spmem:s4] =	stream.indirect.scatter.add.f32 [tilespmem:s18], [sflag:$0x2], $0x1, s21, s17, $0xb8;
	[tilespmem:$0x15B80] =	vst v63  }
0x153: {  	s21 =	simm.s32 $0x2180  }
0x154: {  	[spmem:s4] =	stream.indirect.scatter.add.f32 [tilespmem:s18], [sflag:$0x2], $0x1, s21, s17, $0xb8;
	[tilespmem:$0x15B80] =	vst v63  }
0x155: {  	s21 =	simm.s32 $0x2200  }
0x156: {  	[spmem:s4] =	stream.indirect.scatter.add.f32 [tilespmem:s18], [sflag:$0x2], $0x1, s21, s17, $0xb8;
	[tilespmem:$0x15B80] =	vst v63  }
0x157: {  	s21 =	simm.s32 $0x2280  }
0x158: {  	[spmem:s4] =	stream.indirect.scatter.add.f32 [tilespmem:s18], [sflag:$0x2], $0x1, s21, s17, $0xb8;
	[tilespmem:$0x15B80] =	vst v63  }
0x159: {  	s21 =	simm.s32 $0x2300  }
0x15a: {  	[spmem:s4] =	stream.indirect.scatter.add.f32 [tilespmem:s18], [sflag:$0x2], $0x1, s21, s17, $0xb8;
	[tilespmem:$0x15B80] =	vst v63  }
0x15b: {  	s21 =	simm.s32 $0x2380  }
0x15c: {  	[spmem:s4] =	stream.indirect.scatter.add.f32 [tilespmem:s18], [sflag:$0x2], $0x1, s21, s17, $0xb8;
	[tilespmem:$0x15B80] =	vst v63  }
0x15d: {  	s21 =	simm.s32 $0x2400  }
0x15e: {  	[spmem:s4] =	stream.indirect.scatter.add.f32 [tilespmem:s18], [sflag:$0x2], $0x1, s21, s17, $0xb8;
	[tilespmem:$0x15B80] =	vst v63  }
0x15f: {  	s21 =	simm.s32 $0x2480  }
0x160: {  	[spmem:s4] =	stream.indirect.scatter.add.f32 [tilespmem:s18], [sflag:$0x2], $0x1, s21, s17, $0xb8;
	[tilespmem:$0x15B80] =	vst v63  }
0x161: {  	s21 =	simm.s32 $0x2500  }
0x162: {  	[spmem:s4] =	stream.indirect.scatter.add.f32 [tilespmem:s18], [sflag:$0x2], $0x1, s21, s17, $0xb8;
	[tilespmem:$0x15B80] =	vst v63  }
0x163: {  	s21 =	simm.s32 $0x2580  }
0x164: {  	[spmem:s4] =	stream.indirect.scatter.add.f32 [tilespmem:s18], [sflag:$0x2], $0x1, s21, s17, $0xb8;
	[tilespmem:$0x15B80] =	vst v63  }
0x165: {  	s21 =	simm.s32 $0x2600  }
0x166: {  	[spmem:s4] =	stream.indirect.scatter.add.f32 [tilespmem:s18], [sflag:$0x2], $0x1, s21, s17, $0xb8;
	[tilespmem:$0x15B80] =	vst v63  }
0x167: {  	_ = 	snop  }
0x168: {  	[spmem:s4] =	stream.indirect.scatter.add.f32 [tilespmem:s18], [sflag:$0x2], $0x1, s22, s17, $0xb8;
	[tilespmem:$0x15B80] =	vst v63  }
0x169: {  	_ = 	snop  }
0x16a: {  	[spmem:s4] =	stream.indirect.scatter.add.f32 [tilespmem:s18], [sflag:$0x2], $0x1, s24, s17, $0xb8;
	[tilespmem:$0x15B80] =	vst v63  }
0x16b: {  	_ = 	snop  }
0x16c: {  	[spmem:s4] =	stream.indirect.scatter.add.f32 [tilespmem:s18], [sflag:$0x2], $0x1, s25, s17, $0xb8;
	[tilespmem:$0x15B80] =	vst v63  }
0x16d: {  	_ =	swait.ge [sflag:s23], $0x80  }
0x16e: {  	[sflag:s23] =	ssyncset.done $0x0  }
0x16f: {  	[sflag:s23] =	ssyncadd.s32 $0xFFFFFF80  }
0x170: {  	_ =	swait.ge [sflag:s23], $0x80  }
0x171: {  	[sflag:s23] =	ssyncset.done $0x0  }
0x172: {  	[sflag:s23] =	ssyncadd.s32 $0xFFFFFF80  }
0x173: {  	_ =	swait.ge [sflag:s23], $0x80  }
0x174: {  	[sflag:s23] =	ssyncset.done $0x0  }
0x175: {  	[sflag:s23] =	ssyncadd.s32 $0xFFFFFF80  }
0x176: {  	_ =	swait.ge [sflag:s23], $0x80  }
0x177: {  	[sflag:s23] =	ssyncset.done $0x0  }
0x178: {  	[sflag:s23] =	ssyncadd.s32 $0xFFFFFF80  }
0x179: {  	_ =	swait.ge [sflag:s23], $0x80  }
0x17a: {  	[sflag:s23] =	ssyncset.done $0x0  }
0x17b: {  	[sflag:s23] =	ssyncadd.s32 $0xFFFFFF80  }
0x17c: {  	_ =	swait.ge [sflag:s23], $0x80  }
0x17d: {  	[sflag:s23] =	ssyncset.done $0x0  }
0x17e: {  	[sflag:s23] =	ssyncadd.s32 $0xFFFFFF80  }
0x17f: {  	_ =	swait.ge [sflag:s23], $0x80  }
0x180: {  	[sflag:s23] =	ssyncset.done $0x0  }
0x181: {  	[sflag:s23] =	ssyncadd.s32 $0xFFFFFF80  }
0x182: {  	_ =	swait.ge [sflag:s23], $0x80  }
0x183: {  	[sflag:s23] =	ssyncset.done $0x0  }
0x184: {  	[sflag:s23] =	ssyncadd.s32 $0xFFFFFF80  }
0x185: {  	_ =	swait.ge [sflag:s23], $0x80  }
0x186: {  	[sflag:s23] =	ssyncset.done $0x0  }
0x187: {  	[sflag:s23] =	ssyncadd.s32 $0xFFFFFF80  }
0x188: {  	_ =	swait.ge [sflag:s23], $0x80  }
0x189: {  	[sflag:s23] =	ssyncset.done $0x0  }
0x18a: {  	[sflag:s23] =	ssyncadd.s32 $0xFFFFFF80  }
0x18b: {  	_ =	swait.ge [sflag:s23], $0x80  }
0x18c: {  	[sflag:s23] =	ssyncset.done $0x0  }
0x18d: {  	[sflag:s23] =	ssyncadd.s32 $0xFFFFFF80  }
0x18e: {  	_ =	swait.ge [sflag:s23], $0x80  }
0x18f: {  	[sflag:s23] =	ssyncset.done $0x0  }
0x190: {  	[sflag:s23] =	ssyncadd.s32 $0xFFFFFF80  }
0x191: {  	_ =	swait.ge [sflag:s23], $0x80  }
0x192: {  	[sflag:s23] =	ssyncset.done $0x0  }
0x193: {  	[sflag:s23] =	ssyncadd.s32 $0xFFFFFF80  }
0x194: {  	_ =	swait.ge [sflag:s23], $0x80  }
0x195: {  	[sflag:s23] =	ssyncset.done $0x0  }
0x196: {  	[sflag:s23] =	ssyncadd.s32 $0xFFFFFF80  }
0x197: {  	_ =	swait.ge [sflag:s23], $0x80  }
0x198: {  	[sflag:s23] =	ssyncset.done $0x0  }
0x199: {  	[sflag:s23] =	ssyncadd.s32 $0xFFFFFF80  }
0x19a: {  	_ =	swait.ge [sflag:s23], $0x80  }
0x19b: {  	[sflag:s23] =	ssyncset.done $0x0  }
0x19c: {  	[sflag:s23] =	ssyncadd.s32 $0xFFFFFF80  }
0x19d: {  	_ =	swait.ge [sflag:s23], $0x80  }
0x19e: {  	[sflag:s23] =	ssyncset.done $0x0  }
0x19f: {  	[sflag:s23] =	ssyncadd.s32 $0xFFFFFF80  }
0x1a0: {  	_ =	swait.ge [sflag:s23], $0x80  }
0x1a1: {  	[sflag:s23] =	ssyncset.done $0x0  }
0x1a2: {  	[sflag:s23] =	ssyncadd.s32 $0xFFFFFF80  }
0x1a3: {  	_ =	swait.ge [sflag:s23], $0x80  }
0x1a4: {  	[sflag:s23] =	ssyncset.done $0x0  }
0x1a5: {  	[sflag:s23] =	ssyncadd.s32 $0xFFFFFF80  }
0x1a6: {  	[tilespmem:s5], [sflag:$0x3] =	stream.linear.gather [hbm4b:s8+s5], $0x200, $0x38;
	[tilespmem:$0x15B80] =	vst v63  }
0x1a7: {  	_ =	swait.ge [sflag:s15], $0x200  }
0x1a8: {  	[sflag:s15] =	ssyncset.done $0x0  }
0x1a9: {  	[sflag:s15] =	ssyncadd.s32 $0xFFFFFE00  }
0x1aa: {  	[tilespmem:s26], [sflag:$0x1] =	stream.indirect.gather [hbm4b:s0+s17], $0x80, s5, s17, $0xb8;
	[tilespmem:$0x15B80] =	vst v63  }
0x1ab: {  	_ = 	snop  }
0x1ac: {  	[tilespmem:s28], [sflag:$0x1] =	stream.indirect.gather [hbm4b:s0+s17], $0x80, s17, s17, $0xb8;
	[tilespmem:$0x15B80] =	vst v63  }
0x1ad: {  	_ = 	snop  }
0x1ae: {  	[tilespmem:s30], [sflag:$0x1] =	stream.indirect.gather [hbm4b:s0+s17], $0x80, s29, s17, $0xb8;
	[tilespmem:$0x15B80] =	vst v63  }
0x1af: {  	_ = 	snop  }
0x1b0: {  	[tilespmem:s3], [sflag:$0x1] =	stream.indirect.gather [hbm4b:s0+s17], $0x80, s31, s17, $0xb8;
	[tilespmem:$0x15B80] =	vst v63  }
0x1b1: {  	_ =	swait.ge [sflag:s14], $0x4000  }
0x1b2: {  	[sflag:s14] =	ssyncset.done $0x0  }
0x1b3: {  	[sflag:s14] =	ssyncadd.s32 $0xFFFFC000  }
0x1b4: {  	_ =	swait.ge [sflag:s14], $0x4000  }
0x1b5: {  	[sflag:s14] =	ssyncset.done $0x0  }
0x1b6: {  	[sflag:s14] =	ssyncadd.s32 $0xFFFFC000  }
0x1b7: {  	_ =	swait.ge [sflag:s14], $0x4000  }
0x1b8: {  	[sflag:s14] =	ssyncset.done $0x0  }
0x1b9: {  	[sflag:s14] =	ssyncadd.s32 $0xFFFFC000  }
0x1ba: {  	_ =	swait.ge [sflag:s14], $0x4000  }
0x1bb: {  	[sflag:s14] =	ssyncset.done $0x0  }
0x1bc: {  	[sflag:s14] =	ssyncadd.s32 $0xFFFFC000  }
0x1bd: {  	[hbm4b:s9+s5] =	stream.linear.scatter [tilespmem:s26], [sflag:$0x3], $0x10000, $0x38;
	[tilespmem:$0x15B80] =	vst v63  }
0x1be: {  	_ =	swait.ge [sflag:s15], $0x10000  }
0x1bf: {  	[sflag:s15] =	ssyncset.done $0x0  }
0x1c0: {  	[sflag:s15] =	ssyncadd.s32 $0xFFFF0000  }
0x1c1: {  	[tilespmem:s5], [sflag:$0x3] =	stream.linear.gather [hbm4b:s10+s5], $0x200, $0x38;
	[tilespmem:$0x15B80] =	vst v63  }
0x1c2: {  	_ =	swait.ge [sflag:s15], $0x200  }
0x1c3: {  	[sflag:s15] =	ssyncset.done $0x0  }
0x1c4: {  	[sflag:s15] =	ssyncadd.s32 $0xFFFFFE00  }
0x1c5: {  	[tilespmem:s26], [sflag:$0x1] =	stream.indirect.gather [hbm4b:s1+s17], $0x80, s5, s17, $0xb8;
	[tilespmem:$0x15B80] =	vst v63  }
0x1c6: {  	_ = 	snop  }
0x1c7: {  	[tilespmem:s28], [sflag:$0x1] =	stream.indirect.gather [hbm4b:s1+s17], $0x80, s17, s17, $0xb8;
	[tilespmem:$0x15B80] =	vst v63  }
0x1c8: {  	_ = 	snop  }
0x1c9: {  	[tilespmem:s30], [sflag:$0x1] =	stream.indirect.gather [hbm4b:s1+s17], $0x80, s29, s17, $0xb8;
	[tilespmem:$0x15B80] =	vst v63  }
0x1ca: {  	_ = 	snop  }
0x1cb: {  	[tilespmem:s3], [sflag:$0x1] =	stream.indirect.gather [hbm4b:s1+s17], $0x80, s31, s17, $0xb8;
	[tilespmem:$0x15B80] =	vst v63  }
0x1cc: {  	_ =	swait.ge [sflag:s14], $0x4000  }
0x1cd: {  	[sflag:s14] =	ssyncset.done $0x0  }
0x1ce: {  	[sflag:s14] =	ssyncadd.s32 $0xFFFFC000  }
0x1cf: {  	_ =	swait.ge [sflag:s14], $0x4000  }
0x1d0: {  	[sflag:s14] =	ssyncset.done $0x0  }
0x1d1: {  	[sflag:s14] =	ssyncadd.s32 $0xFFFFC000  }
0x1d2: {  	_ =	swait.ge [sflag:s14], $0x4000  }
0x1d3: {  	[sflag:s14] =	ssyncset.done $0x0  }
0x1d4: {  	[sflag:s14] =	ssyncadd.s32 $0xFFFFC000  }
0x1d5: {  	_ =	swait.ge [sflag:s14], $0x4000  }
0x1d6: {  	[sflag:s14] =	ssyncset.done $0x0  }
0x1d7: {  	[sflag:s14] =	ssyncadd.s32 $0xFFFFC000  }
0x1d8: {  	[hbm4b:s11+s5] =	stream.linear.scatter [tilespmem:s26], [sflag:$0x3], $0x10000, $0x38;
	[tilespmem:$0x15B80] =	vst v63  }
0x1d9: {  	s2 =	sadd.s32 $0x1, s2;
	_ =	swait.ge [sflag:s15], $0x10000  }
0x1da: {  	p0 =	sne.s32 s2, s13;
	s21 =	stileid.u32;
	[sflag:s15] =	ssyncset.done $0x0  }
0x1db: {  	s20 =	sshll.u32 s21, $0x6;
	s21 =	sshrl.u32 s6, $0x3;
	[sflag:s15] =	ssyncadd.s32 $0xFFFF0000  }
.Ltmp1:
0x1dc: {  	s20 =	sor.u32 $0x1C03, s20;
	[bflag:$0x0] =	sbarrier.arrive $0xFFFF;
	(pc) =	sbr.rel @p0 .LBB2_1-.Ltmp1, $4  }
0x1dd: {  	[hbm:s12@s17], [sflag:s20] =	dma.strided [spmem:s21@s19], $0x310, s14, $0x10   }
0x1de: {  	_ =	swait.ge [sflag:s15], $0x310  }
0x1df: {  	[sflag:s15] =	ssyncset.done $0x0  }
0x1e0: {  	[sflag:s15] =	ssyncadd.s32 $0xFFFFFCF0  }
0x1e1: {  	_ =	sfence.sel $0x180000  }
0x1e2: {  	[bflag:$0x0] =	sbarrier.arrive $0xFFFF  }
0x1e3: {  	_ =	strace $0x90000047  }
0x1e4: {  	s0 =	stileid.u32;
	[bflag:$0x2] =	sbarrier.arrive $0xFFFF  }
0x1e5: {  	p0 =	sne.s32 s0, $0x0;
	s0 =	rddreg [dreg:$0x6]  }
0x1e6: {  	s0 =	sadd.s32 @!p0 $0x100000, s0  }
0x1e7: {  	[sflag:s0] =	ssyncadd.tile.s32 @!p0 $0x1;
	_ =	shalt  }
.Lfunc_end2:
_tile_overlayer_lowered:
.L_overlay_start_2:
0x1e8: {  	(tag) =	ssettag $0x2  }
0x1e9: {  	s0 =	rddreg [dreg:$0x0];
	s2 =	stileid.u32  }
0x1ea: {  	s1 =	rddreg [dreg:$0x1];
	p0 =	sne.s32 s2, $0x0  }
0x1eb: {  	s3 =	rddreg [dreg:$0x2];
	[bflag:$0x3] =	sbarrier.arrive $0xFFFF;
	s2 =	simm.s32 @!p0 $0x1C03  }
0x1ec: {  	[timem:s3], [sflag:s2] =	dma.local @!p0 [hbm:s0], s1  }
0x1ed: {  	s0 =	simm.s32 @!p0 $0x3  }
0x1ee: {  	_ =	swait.ge @!p0 [sflag:s0], s1  }
0x1ef: {  	s1 =	ssub.s32 @!p0 $0x0, s1;
	[sflag:s0] =	ssyncset.done @!p0 $0x0  }
0x1f0: {  	[sflag:s0] =	ssyncadd.s32 @!p0 s1  }
0x1f1: {  	[bflag:$0x3] =	sbarrier.arrive $0xFFFF  }
0x1f2: {  	_ =	shalt  }

</sc_bundles>
